<compile_context>
chip_gen: v7x
topology: tpu7x:2x2x1
jax: 0.10.2.dev20260603
libtpu: 0.0.44.dev20260713+nightly
codegen_flags: <defaults>
</compile_context>

<pallas_src>
import functools

import jax
import jax.numpy as jnp
from jax import lax
from jax.experimental import pallas as pl
from jax.experimental.pallas import tpu as pltpu
from jax.experimental.pallas import tpu_sc as plsc

N = 10000
E = 160000
IN_DIM = 128
OUT_DIM = 128
R = 8
H = 8
DH = 16

NC = 2
NS = 16
NW = NC * NS
RNG = 313
W = 2000
NWIN = E // W
SUB = 128
SUBA = 512
NBLK = 25
BLK = N // NBLK


def _tc_body(x_ref, fc_ref, wsd_ref, z_ref, asd_ref):
    x = x_ref[...]
    for r in range(R):
        zr = lax.dot_general(x, fc_ref[r], (((1,), (0,)), ((), ())),
                             preferred_element_type=jnp.float32,
                             precision=lax.Precision.HIGHEST)
        z_ref[:, r, :] = zr
        asd_ref[:, r, :] = lax.dot_general(zr, wsd_ref[r],
                                           (((1,), (0,)), ((), ())),
                                           preferred_element_type=jnp.float32,
                                           precision=lax.Precision.HIGHEST)


def _sc_body(z_hbm, asd_hbm, src_hbm, dst_hbm, et_hbm, out_hbm,
             dstw, srcw, etw, csrow, cdrow, cdl,
             sbuf, dbuf, wbuf, zbuf, m_ref, s_ref, h_ref, sem):
    i32 = jnp.int32
    f32 = jnp.float32
    wid = lax.axis_index("s") * NC + lax.axis_index("c")
    lo = wid * RNG
    iota = lax.iota(i32, 16)
    h8 = iota & 7
    kk01 = iota >> 3
    kk10 = 1 - kk01

    def init_ms(i, _):
        m_ref[pl.ds(i * 16, 16)] = jnp.full((16,), -3.0e38, f32)
        s_ref[pl.ds(i * 16, 16)] = jnp.zeros((16,), f32)
        return 0
    lax.fori_loop(0, (RNG * H + 16) // 16, init_ms, 0)

    def init_h(i, _):
        h_ref[pl.ds(i * 16, 16)] = jnp.zeros((16,), f32)
        return 0
    lax.fori_loop(0, (RNG * 128 + 128) // 16, init_h, 0)

    def init_idx(i, _):
        v = i * 16 + iota
        csrow[pl.ds(i * 16, 16)] = v
        cdrow[pl.ds(i * 16, 16)] = v
        cdl[pl.ds(i * 16, 16)] = jnp.full((16,), RNG, i32)
        return 0
    lax.fori_loop(0, (W + 48) // 16, init_idx, 0)

    def compress_window(w):
        c1 = pltpu.async_copy(dst_hbm.at[pl.ds(w * W, W)], dstw, sem)
        c2 = pltpu.async_copy(src_hbm.at[pl.ds(w * W, W)], srcw, sem)
        c3 = pltpu.async_copy(et_hbm.at[pl.ds(w * W, W)], etw, sem)
        c1.wait()
        c2.wait()
        c3.wait()

        lov = jnp.full((16,), lo, i32)
        hiv = jnp.full((16,), lo + RNG, i32)

        def chunk(c, cnt):
            d16 = dstw[pl.ds(c * 16, 16)]
            s16 = srcw[pl.ds(c * 16, 16)]
            t16 = etw[pl.ds(c * 16, 16)]
            mask = (d16 >= lov) & (d16 < hiv)
            mi = mask.astype(i32)
            pos = jnp.full((16,), cnt - 1, i32) + jnp.cumsum(mi)
            plsc.store_scatter(csrow, [pos], s16 * R + t16, mask=mask)
            plsc.store_scatter(cdrow, [pos], d16 * R + t16, mask=mask)
            plsc.store_scatter(cdl, [pos], d16 - lov, mask=mask)
            return cnt + jnp.sum(mi)

        cnt = lax.fori_loop(0, W // 16, chunk, jnp.int32(0))
        cntv = jnp.full((16,), cnt, i32)
        lane0 = iota < 1
        plsc.store_scatter(csrow, [cntv], jnp.full((16,), wid * R, i32), mask=lane0)
        plsc.store_scatter(cdrow, [cntv], jnp.full((16,), wid * R, i32), mask=lane0)
        plsc.store_scatter(cdl, [cntv], jnp.full((16,), RNG, i32), mask=lane0)
        return cnt

    def logits_for_pair(g, k2):
        base = k2 * 2
        rows = base + kk01
        rows_sw = base + kk10
        asv = plsc.load_gather(sbuf, [rows, h8])
        adv = plsc.load_gather(dbuf, [rows, h8 + 8])
        av = asv + adv
        ev = jnp.maximum(av, 0.01 * av)
        as_sw = plsc.load_gather(sbuf, [rows_sw, h8])
        ad_sw = plsc.load_gather(dbuf, [rows_sw, h8 + 8])
        aw = as_sw + ad_sw
        esw = jnp.maximum(aw, 0.01 * aw)
        ge = g * SUBA + base
        dlv = plsc.load_gather(cdl, [ge + kk01])
        dsw = plsc.load_gather(cdl, [ge + kk10])
        eq = dlv == dsw
        midx = dlv * H + h8
        return ev, esw, eq, midx

    def p1_window(w, _):
        cnt = compress_window(w)
        cnte = cnt + (cnt & 1)
        pairs = cnte // 2

        def gbatch(g, _):
            c1 = pltpu.async_copy(asd_hbm.at[csrow.at[pl.ds(g * SUBA, SUBA)]], sbuf, sem)
            c2 = pltpu.async_copy(asd_hbm.at[cdrow.at[pl.ds(g * SUBA, SUBA)]], dbuf, sem)
            c1.wait()
            c2.wait()

            def pair(k2, _):
                ev, esw, eq, midx = logits_for_pair(g, k2)
                ecomb = jnp.where(eq, jnp.maximum(ev, esw), ev)
                mg = plsc.load_gather(m_ref, [midx])
                plsc.store_scatter(m_ref, [midx], jnp.maximum(mg, ecomb))
                return 0

            lax.fori_loop(0, jnp.minimum(SUBA // 2, pairs - g * (SUBA // 2)), pair, 0)
            return 0

        lax.fori_loop(0, (cnte + SUBA - 1) // SUBA, gbatch, 0)
        return 0

    lax.fori_loop(0, NWIN, p1_window, 0)

    def p2_window(w, _):
        cnt = compress_window(w)
        cnte = cnt + (cnt & 1)
        pairs = cnte // 2

        def gbatch(g, _):
            c1 = pltpu.async_copy(asd_hbm.at[csrow.at[pl.ds(g * SUBA, SUBA)]], sbuf, sem)
            c2 = pltpu.async_copy(asd_hbm.at[cdrow.at[pl.ds(g * SUBA, SUBA)]], dbuf, sem)
            c1.wait()
            c2.wait()

            def pair(k2, _):
                ev, esw, eq, midx = logits_for_pair(g, k2)
                mrow = plsc.load_gather(m_ref, [midx])
                wv = jnp.exp(ev - mrow)
                wsw = jnp.exp(esw - mrow)
                wcomb = jnp.where(eq, wv + wsw, wv)
                sg = plsc.load_gather(s_ref, [midx])
                plsc.store_scatter(s_ref, [midx], sg + wcomb)
                wbuf[pl.ds((g * (SUBA // 2) + k2) * 16, 16)] = wv
                return 0

            lax.fori_loop(0, jnp.minimum(SUBA // 2, pairs - g * (SUBA // 2)), pair, 0)
            return 0

        lax.fori_loop(0, (cnte + SUBA - 1) // SUBA, gbatch, 0)

        def zbatch(g, _):
            pltpu.async_copy(z_hbm.at[csrow.at[pl.ds(g * SUB, SUB)]], zbuf, sem).wait()

            def edge(k, _):
                ge = g * SUB + k
                dlv = plsc.load_gather(cdl, [jnp.full((16,), ge, i32)])
                kv = jnp.full((16,), k, i32)
                hbase = dlv * 128 + iota
                for j in range(H):
                    wj = plsc.load_gather(wbuf, [jnp.full((16,), ge * H + j, i32)])
                    zv = plsc.load_gather(zbuf, [kv, j * 16 + iota])
                    hidx = hbase + j * 16
                    hg = plsc.load_gather(h_ref, [hidx])
                    plsc.store_scatter(h_ref, [hidx], hg + wj * zv)
                return 0

            lax.fori_loop(0, jnp.minimum(SUB, cnte - g * SUB), edge, 0)
            return 0

        lax.fori_loop(0, (cnte + SUB - 1) // SUB, zbatch, 0)
        return 0

    lax.fori_loop(0, NWIN, p2_window, 0)

    def node(n, _):
        for j in range(H):
            sb = plsc.load_gather(s_ref, [jnp.full((16,), n * H + j, i32)])
            idx = n * 128 + j * 16 + iota
            hseg = plsc.load_gather(h_ref, [idx])
            plsc.store_scatter(h_ref, [idx],
                               jnp.where(sb > 0, hseg / sb, jnp.zeros((16,), f32)))
        return 0

    lax.fori_loop(0, RNG, node, 0)
    pltpu.sync_copy(h_ref.at[pl.ds(0, RNG * 128)],
                    out_hbm.at[pl.ds(lo * 128, RNG * 128)])


@functools.partial(
    pl.kernel,
    mesh=plsc.VectorSubcoreMesh(core_axis_name="c", subcore_axis_name="s"),
    compiler_params=pltpu.CompilerParams(needs_layout_passes=False,
                                         use_tc_tiling_on_sc=False),
    out_type=jax.ShapeDtypeStruct((NW * RNG * 128,), jnp.float32),
    scratch_types=[
        pltpu.VMEM((W,), jnp.int32),
        pltpu.VMEM((W,), jnp.int32),
        pltpu.VMEM((W,), jnp.int32),
        pltpu.VMEM((W + 48,), jnp.int32),
        pltpu.VMEM((W + 48,), jnp.int32),
        pltpu.VMEM((W + 48,), jnp.int32),
        pltpu.VMEM((SUBA, 16), jnp.float32),
        pltpu.VMEM((SUBA, 16), jnp.float32),
        pltpu.VMEM((W * H,), jnp.float32),
        pltpu.VMEM((SUB, 128), jnp.float32),
        pltpu.VMEM((RNG * H + 16,), jnp.float32),
        pltpu.VMEM((RNG * H + 16,), jnp.float32),
        pltpu.VMEM((RNG * 128 + 128,), jnp.float32),
        pltpu.SemaphoreType.DMA,
    ],
)
def _sc_kernel(z_hbm, asd_hbm, src_hbm, dst_hbm, et_hbm, out_hbm, *scratch):
    _sc_body(z_hbm, asd_hbm, src_hbm, dst_hbm, et_hbm, out_hbm, *scratch)


def kernel(feature, fc_weight, attn_weight, edge_index, etype):
    A = attn_weight.reshape(R, H, 2, DH)
    eye = jnp.eye(H, dtype=jnp.float32)
    Ws = jnp.einsum('rhk,hj->rhkj', A[:, :, 0, :], eye).reshape(R, OUT_DIM, H)
    Wd = jnp.einsum('rhk,hj->rhkj', A[:, :, 1, :], eye).reshape(R, OUT_DIM, H)
    wsd = jnp.concatenate([Ws, Wd], axis=2)

    z_all, asd = pl.pallas_call(
        _tc_body,
        grid=(NBLK,),
        in_specs=[
            pl.BlockSpec((BLK, IN_DIM), lambda i: (i, 0)),
            pl.BlockSpec((R, IN_DIM, OUT_DIM), lambda i: (0, 0, 0)),
            pl.BlockSpec((R, OUT_DIM, 16), lambda i: (0, 0, 0)),
        ],
        out_specs=[
            pl.BlockSpec((BLK, R, OUT_DIM), lambda i: (i, 0, 0)),
            pl.BlockSpec((BLK, R, 16), lambda i: (i, 0, 0)),
        ],
        out_shape=[
            jax.ShapeDtypeStruct((N, R, OUT_DIM), jnp.float32),
            jax.ShapeDtypeStruct((N, R, 16), jnp.float32),
        ],
    )(feature, fc_weight, wsd)

    z_flat = z_all.reshape(N * R, OUT_DIM)
    asd_flat = asd.reshape(N * R, 16)
    src = edge_index[0]
    dst = edge_index[1]
    out1d = _sc_kernel(z_flat, asd_flat, src, dst, etype)
    return out1d[:N * 128].reshape(N, H, DH)

# --- scband reference (transcript-rebuilt; emitter-appended) ---
"""Pipeline reference for scband-multihead-rgatlayer-62483184222293 (READ-ONLY COPY).

The authoritative reference and input builder live on the scoring server;
editing this copy changes nothing except your own understanding.
"""

import jax, jax.numpy as jnp
import numpy as np

N = 10000
E = 160000
IN_DIM = 128
OUT_DIM = 128
NUM_RELS = 8
NUM_HEADS = 8
D_HEAD = OUT_DIM // NUM_HEADS


def setup_inputs(seed: int = 0) -> dict:
    key = jax.random.key(seed)
    k1, k2, k3, k4, k5 = jax.random.split(key, 5)
    feature = jax.random.normal(k1, (N, IN_DIM), dtype=jnp.float32)
    edge_index = jax.random.randint(k2, (2, E), 0, N, dtype=jnp.int32)
    etype = jax.random.randint(k3, (E,), 0, NUM_RELS, dtype=jnp.int32)
    # learned parameters (match torch.rand init)
    fc_weight = jax.random.uniform(k4, (NUM_RELS, IN_DIM, OUT_DIM), dtype=jnp.float32)
    attn_weight = jax.random.uniform(k5, (NUM_RELS, NUM_HEADS, 2 * D_HEAD), dtype=jnp.float32)
    return {"feature": feature, "fc_weight": fc_weight, "attn_weight": attn_weight,
            "edge_index": edge_index, "etype": etype}


def reference(feature, fc_weight, attn_weight, edge_index, etype):
    src = edge_index[0]
    dst = edge_index[1]
    n_nodes = feature.shape[0]
    # per-relation linear transform of all node features: [N, R, OUT]
    # (mathematically identical to per-edge bmm(h_src.unsqueeze(1), fc_weight[etype]))
    z_all = jnp.einsum('nd,rdo->nro', feature, fc_weight)
    # message function: gather per-edge transformed src/dst features
    z_s = z_all[src, etype].reshape(-1, NUM_HEADS, D_HEAD)   # [E, H, d_h]
    z_d = z_all[dst, etype].reshape(-1, NUM_HEADS, D_HEAD)   # [E, H, d_h]
    z2 = jnp.concatenate([z_s, z_d], axis=2)                 # [E, H, 2*d_h]
    a = jnp.sum(z2 * attn_weight[etype], axis=2)             # [E, H]
    e = jax.nn.leaky_relu(a, negative_slope=0.01)            # [E, H]
    # reduce function: segment softmax over incoming edges per dst node
    e_max = jax.lax.stop_gradient(
        jax.ops.segment_max(e, dst, num_segments=n_nodes))   # [N, H]
    e_exp = jnp.exp(e - e_max[dst])                          # [E, H]
    denom = jax.ops.segment_sum(e_exp, dst, num_segments=n_nodes)  # [N, H]
    alpha = e_exp / denom[dst]                               # [E, H]
    h = jax.ops.segment_sum(alpha[:, :, None] * z_s, dst, num_segments=n_nodes)  # [N, H, d_h]
    return h

if __name__ == "__main__":
    import jax
    _d = setup_inputs()
    print(jax.jit(kernel)(*tuple(_d.values())))

</pallas_src>

<mosaic_0001>
#map = affine_map<(d0, d1) -> (0, 0)>
#map1 = affine_map<(d0, d1) -> (0)>
module attributes {stable_mosaic.version = 14 : i64} {
  func.func @_sc_kernel(%arg0: i32, %arg1: i32, %arg2: memref<80000x128xf32, #tpu.memory_space<hbm>>, %arg3: memref<80000x16xf32, #tpu.memory_space<hbm>>, %arg4: memref<160000xi32, #tpu.memory_space<hbm>>, %arg5: memref<160000xi32, #tpu.memory_space<hbm>>, %arg6: memref<160000xi32, #tpu.memory_space<hbm>>, %arg7: memref<1282048xf32, #tpu.memory_space<hbm>>, %arg8: memref<2000xi32, #tpu.memory_space<vmem>>, %arg9: memref<2000xi32, #tpu.memory_space<vmem>>, %arg10: memref<2000xi32, #tpu.memory_space<vmem>>, %arg11: memref<2048xi32, #tpu.memory_space<vmem>>, %arg12: memref<2048xi32, #tpu.memory_space<vmem>>, %arg13: memref<2048xi32, #tpu.memory_space<vmem>>, %arg14: memref<512x16xf32, #tpu.memory_space<vmem>>, %arg15: memref<512x16xf32, #tpu.memory_space<vmem>>, %arg16: memref<16000xf32, #tpu.memory_space<vmem>>, %arg17: memref<128x128xf32, #tpu.memory_space<vmem>>, %arg18: memref<2520xf32, #tpu.memory_space<vmem>>, %arg19: memref<2520xf32, #tpu.memory_space<vmem>>, %arg20: memref<40192xf32, #tpu.memory_space<vmem>>, %arg21: memref<!tpu.dma_semaphore, #tpu.memory_space<semaphore_mem>>) attributes {dimension_semantics = [#tpu.dimension_semantics<core_parallel>, #tpu.dimension_semantics<subcore_parallel>], iteration_bounds = array<i64: 2, 16>, scalar_prefetch = 0 : i64, scratch_operands = 14 : i64, tpu.core_type = #tpu.core_type<sc_vector_subcore>, window_params = [{transform_indices = #map}, {transform_indices = #map}, {transform_indices = #map1}, {transform_indices = #map1}, {transform_indices = #map1}, {transform_indices = #map1}]} {
    %mul3A = arith.constant 2 : i32
    %mul3A_0 = arith.muli %arg1, %mul3A : i32
    %add3A = arith.addi %mul3A_0, %arg0 : i32
    %mul3A_1 = arith.constant 313 : i32
    %mul3A_2 = arith.muli %add3A, %mul3A_1 : i32
    %iota3A = tpu.iota {dimensions = array<i32: 0>} : vector<16xi32>
    %and3A = arith.constant 7 : i32
    %and3A_3 = vector.broadcast %and3A : i32 to vector<16xi32>
    %and3A_4 = arith.andi %iota3A, %and3A_3 : vector<16xi32>
    %shift_right_arithmetic3A = arith.constant 3 : i32
    %shift_right_arithmetic3A_5 = vector.broadcast %shift_right_arithmetic3A : i32 to vector<16xi32>
    %shift_right_arithmetic3A_6 = arith.shrsi %iota3A, %shift_right_arithmetic3A_5 : vector<16xi32>
    %sub3A = arith.constant 1 : i32
    %sub3A_7 = vector.broadcast %sub3A : i32 to vector<16xi32>
    %sub3A_8 = arith.subi %sub3A_7, %shift_right_arithmetic3A_6 : vector<16xi32>
    %scan3A = arith.constant 0 : i32
    %scan3A_9 = arith.constant 0 : i32
    %scan3A_10 = arith.constant 157 : i32
    %scan3A_11 = arith.addi %scan3A_9, %scan3A_10 : i32
    %scan3A_12 = arith.constant 1 : i32
    %scan3A_13 = scf.for %scan3A_52 = %scan3A_9 to %scan3A_11 step %scan3A_12 iter_args(%scan3A_53 = %scan3A) -> (i32)  : i32 {
      %broadcast_in_dim3A = arith.constant -3.000000e+38 : f32
      %broadcast_in_dim3A_54 = vector.broadcast %broadcast_in_dim3A : f32 to vector<16xf32>
      %mul3A_55 = arith.constant 16 : i32
      %mul3A_56 = arith.muli %scan3A_52, %mul3A_55 : i32
      %swap3A = arith.index_cast %mul3A_56 : i32 to index
      %swap3A_57 = tpu.vector_load %arg18[%swap3A] {strides = array<i32>} : memref<2520xf32, #tpu.memory_space<vmem>>, vector<16xf32>,
      tpu.vector_store %arg18[%swap3A], %broadcast_in_dim3A_54 {strides = array<i32>} : memref<2520xf32, #tpu.memory_space<vmem>>, vector<16xf32>,
      %broadcast_in_dim3A_58 = arith.constant 0.000000e+00 : f32
      %broadcast_in_dim3A_59 = vector.broadcast %broadcast_in_dim3A_58 : f32 to vector<16xf32>
      %mul3A_60 = arith.constant 16 : i32
      %mul3A_61 = arith.muli %scan3A_52, %mul3A_60 : i32
      %swap3A_62 = arith.index_cast %mul3A_61 : i32 to index
      %swap3A_63 = tpu.vector_load %arg19[%swap3A_62] {strides = array<i32>} : memref<2520xf32, #tpu.memory_space<vmem>>, vector<16xf32>,
      tpu.vector_store %arg19[%swap3A_62], %broadcast_in_dim3A_59 {strides = array<i32>} : memref<2520xf32, #tpu.memory_space<vmem>>, vector<16xf32>,
      %scan3A_64 = arith.constant 0 : i32
      scf.yield %scan3A_64 : i32
    }
    %scan3A_14 = arith.constant 157 : i32
    %scan3A_15 = arith.constant 0 : i32
    %scan3A_16 = arith.constant 0 : i32
    %scan3A_17 = arith.constant 2512 : i32
    %scan3A_18 = arith.addi %scan3A_16, %scan3A_17 : i32
    %scan3A_19 = arith.constant 1 : i32
    %scan3A_20 = scf.for %scan3A_52 = %scan3A_16 to %scan3A_18 step %scan3A_19 iter_args(%scan3A_53 = %scan3A_15) -> (i32)  : i32 {
      %broadcast_in_dim3A = arith.constant 0.000000e+00 : f32
      %broadcast_in_dim3A_54 = vector.broadcast %broadcast_in_dim3A : f32 to vector<16xf32>
      %mul3A_55 = arith.constant 16 : i32
      %mul3A_56 = arith.muli %scan3A_52, %mul3A_55 : i32
      %swap3A = arith.index_cast %mul3A_56 : i32 to index
      %swap3A_57 = tpu.vector_load %arg20[%swap3A] {strides = array<i32>} : memref<40192xf32, #tpu.memory_space<vmem>>, vector<16xf32>,
      tpu.vector_store %arg20[%swap3A], %broadcast_in_dim3A_54 {strides = array<i32>} : memref<40192xf32, #tpu.memory_space<vmem>>, vector<16xf32>,
      %scan3A_58 = arith.constant 0 : i32
      scf.yield %scan3A_58 : i32
    }
    %scan3A_21 = arith.constant 2512 : i32
    %scan3A_22 = arith.constant 0 : i32
    %scan3A_23 = arith.constant 0 : i32
    %scan3A_24 = arith.constant 128 : i32
    %scan3A_25 = arith.addi %scan3A_23, %scan3A_24 : i32
    %scan3A_26 = arith.constant 1 : i32
    %scan3A_27 = scf.for %scan3A_52 = %scan3A_23 to %scan3A_25 step %scan3A_26 iter_args(%scan3A_53 = %scan3A_22) -> (i32)  : i32 {
      %mul3A_54 = arith.constant 16 : i32
      %mul3A_55 = arith.muli %scan3A_52, %mul3A_54 : i32
      %add3A_56 = vector.broadcast %mul3A_55 : i32 to vector<16xi32>
      %add3A_57 = arith.addi %add3A_56, %iota3A : vector<16xi32>
      %mul3A_58 = arith.constant 16 : i32
      %mul3A_59 = arith.muli %scan3A_52, %mul3A_58 : i32
      %swap3A = arith.index_cast %mul3A_59 : i32 to index
      %swap3A_60 = tpu.vector_load %arg11[%swap3A] {strides = array<i32>} : memref<2048xi32, #tpu.memory_space<vmem>>, vector<16xi32>,
      tpu.vector_store %arg11[%swap3A], %add3A_57 {strides = array<i32>} : memref<2048xi32, #tpu.memory_space<vmem>>, vector<16xi32>,
      %mul3A_61 = arith.constant 16 : i32
      %mul3A_62 = arith.muli %scan3A_52, %mul3A_61 : i32
      %swap3A_63 = arith.index_cast %mul3A_62 : i32 to index
      %swap3A_64 = tpu.vector_load %arg12[%swap3A_63] {strides = array<i32>} : memref<2048xi32, #tpu.memory_space<vmem>>, vector<16xi32>,
      tpu.vector_store %arg12[%swap3A_63], %add3A_57 {strides = array<i32>} : memref<2048xi32, #tpu.memory_space<vmem>>, vector<16xi32>,
      %broadcast_in_dim3A = arith.constant 313 : i32
      %broadcast_in_dim3A_65 = vector.broadcast %broadcast_in_dim3A : i32 to vector<16xi32>
      %mul3A_66 = arith.constant 16 : i32
      %mul3A_67 = arith.muli %scan3A_52, %mul3A_66 : i32
      %swap3A_68 = arith.index_cast %mul3A_67 : i32 to index
      %swap3A_69 = tpu.vector_load %arg13[%swap3A_68] {strides = array<i32>} : memref<2048xi32, #tpu.memory_space<vmem>>, vector<16xi32>,
      tpu.vector_store %arg13[%swap3A_68], %broadcast_in_dim3A_65 {strides = array<i32>} : memref<2048xi32, #tpu.memory_space<vmem>>, vector<16xi32>,
      %scan3A_70 = arith.constant 0 : i32
      scf.yield %scan3A_70 : i32
    }
    %scan3A_28 = arith.constant 128 : i32
    %scan3A_29 = arith.constant 0 : i32
    %scan3A_30 = arith.constant 0 : i32
    %scan3A_31 = arith.constant 80 : i32
    %scan3A_32 = arith.addi %scan3A_30, %scan3A_31 : i32
    %scan3A_33 = arith.constant 1 : i32
    %scan3A_34 = scf.for %scan3A_52 = %scan3A_30 to %scan3A_32 step %scan3A_33 iter_args(%scan3A_53 = %scan3A_29) -> (i32)  : i32 {
      %mul3A_54 = arith.constant 2000 : i32
      %mul3A_55 = arith.muli %scan3A_52, %mul3A_54 : i32
      %dma_start3A = tpu.memref_slice %arg5[%mul3A_55] : memref<160000xi32, #tpu.memory_space<hbm>> -> memref<2000xi32, #tpu.memory_space<hbm>>
      %dma_start3A_56 = tpu.memref_slice %arg5[%mul3A_55] : memref<160000xi32, #tpu.memory_space<hbm>> -> memref<2000xi32, #tpu.memory_space<hbm>>
      tpu.enqueue_dma source(%dma_start3A_56 : memref<2000xi32, #tpu.memory_space<hbm>>) target(%arg8 : memref<2000xi32, #tpu.memory_space<vmem>>) target_semaphore(%arg21 : memref<!tpu.dma_semaphore, #tpu.memory_space<semaphore_mem>>)
      %mul3A_57 = arith.constant 2000 : i32
      %mul3A_58 = arith.muli %scan3A_52, %mul3A_57 : i32
      %dma_start3A_59 = tpu.memref_slice %arg4[%mul3A_58] : memref<160000xi32, #tpu.memory_space<hbm>> -> memref<2000xi32, #tpu.memory_space<hbm>>
      %dma_start3A_60 = tpu.memref_slice %arg4[%mul3A_58] : memref<160000xi32, #tpu.memory_space<hbm>> -> memref<2000xi32, #tpu.memory_space<hbm>>
      tpu.enqueue_dma source(%dma_start3A_60 : memref<2000xi32, #tpu.memory_space<hbm>>) target(%arg9 : memref<2000xi32, #tpu.memory_space<vmem>>) target_semaphore(%arg21 : memref<!tpu.dma_semaphore, #tpu.memory_space<semaphore_mem>>)
      %mul3A_61 = arith.constant 2000 : i32
      %mul3A_62 = arith.muli %scan3A_52, %mul3A_61 : i32
      %dma_start3A_63 = tpu.memref_slice %arg6[%mul3A_62] : memref<160000xi32, #tpu.memory_space<hbm>> -> memref<2000xi32, #tpu.memory_space<hbm>>
      %dma_start3A_64 = tpu.memref_slice %arg6[%mul3A_62] : memref<160000xi32, #tpu.memory_space<hbm>> -> memref<2000xi32, #tpu.memory_space<hbm>>
      tpu.enqueue_dma source(%dma_start3A_64 : memref<2000xi32, #tpu.memory_space<hbm>>) target(%arg10 : memref<2000xi32, #tpu.memory_space<vmem>>) target_semaphore(%arg21 : memref<!tpu.dma_semaphore, #tpu.memory_space<semaphore_mem>>)
      %dma_wait3A = tpu.memref_slice %arg5[%mul3A_55] : memref<160000xi32, #tpu.memory_space<hbm>> -> memref<2000xi32, #tpu.memory_space<hbm>>
      %dma_wait3A_65 = tpu.memref_slice %arg5[%mul3A_55] : memref<160000xi32, #tpu.memory_space<hbm>> -> memref<2000xi32, #tpu.memory_space<hbm>>
      tpu.wait_dma2 semaphore(%arg21 : memref<!tpu.dma_semaphore, #tpu.memory_space<semaphore_mem>>) src(%dma_wait3A_65 : memref<2000xi32, #tpu.memory_space<hbm>>) dst(%arg8 : memref<2000xi32, #tpu.memory_space<vmem>>)
      %dma_wait3A_66 = tpu.memref_slice %arg4[%mul3A_58] : memref<160000xi32, #tpu.memory_space<hbm>> -> memref<2000xi32, #tpu.memory_space<hbm>>
      %dma_wait3A_67 = tpu.memref_slice %arg4[%mul3A_58] : memref<160000xi32, #tpu.memory_space<hbm>> -> memref<2000xi32, #tpu.memory_space<hbm>>
      tpu.wait_dma2 semaphore(%arg21 : memref<!tpu.dma_semaphore, #tpu.memory_space<semaphore_mem>>) src(%dma_wait3A_67 : memref<2000xi32, #tpu.memory_space<hbm>>) dst(%arg9 : memref<2000xi32, #tpu.memory_space<vmem>>)
      %dma_wait3A_68 = tpu.memref_slice %arg6[%mul3A_62] : memref<160000xi32, #tpu.memory_space<hbm>> -> memref<2000xi32, #tpu.memory_space<hbm>>
      %dma_wait3A_69 = tpu.memref_slice %arg6[%mul3A_62] : memref<160000xi32, #tpu.memory_space<hbm>> -> memref<2000xi32, #tpu.memory_space<hbm>>
      tpu.wait_dma2 semaphore(%arg21 : memref<!tpu.dma_semaphore, #tpu.memory_space<semaphore_mem>>) src(%dma_wait3A_69 : memref<2000xi32, #tpu.memory_space<hbm>>) dst(%arg10 : memref<2000xi32, #tpu.memory_space<vmem>>)
      %broadcast_in_dim3A = vector.broadcast %mul3A_2 : i32 to vector<16xi32>
      %add3A_70 = arith.constant 313 : i32
      %add3A_71 = arith.addi %mul3A_2, %add3A_70 : i32
      %broadcast_in_dim3A_72 = vector.broadcast %add3A_71 : i32 to vector<16xi32>
      %scan3A_73 = arith.constant 0 : i32
      %scan3A_74 = arith.constant 0 : i32
      %scan3A_75 = arith.constant 125 : i32
      %scan3A_76 = arith.addi %scan3A_74, %scan3A_75 : i32
      %scan3A_77 = arith.constant 1 : i32
      %scan3A_78 = scf.for %scan3A_152 = %scan3A_74 to %scan3A_76 step %scan3A_77 iter_args(%scan3A_153 = %scan3A_73) -> (i32)  : i32 {
        %mul3A_154 = arith.constant 16 : i32
        %mul3A_155 = arith.muli %scan3A_152, %mul3A_154 : i32
        %get3A = arith.index_cast %mul3A_155 : i32 to index
        %get3A_156 = tpu.vector_load %arg8[%get3A] {strides = array<i32>} : memref<2000xi32, #tpu.memory_space<vmem>>, vector<16xi32>,
        %mul3A_157 = arith.constant 16 : i32
        %mul3A_158 = arith.muli %scan3A_152, %mul3A_157 : i32
        %get3A_159 = arith.index_cast %mul3A_158 : i32 to index
        %get3A_160 = tpu.vector_load %arg9[%get3A_159] {strides = array<i32>} : memref<2000xi32, #tpu.memory_space<vmem>>, vector<16xi32>,
        %mul3A_161 = arith.constant 16 : i32
        %mul3A_162 = arith.muli %scan3A_152, %mul3A_161 : i32
        %get3A_163 = arith.index_cast %mul3A_162 : i32 to index
        %get3A_164 = tpu.vector_load %arg10[%get3A_163] {strides = array<i32>} : memref<2000xi32, #tpu.memory_space<vmem>>, vector<16xi32>,
        %ge3A = arith.cmpi sge, %get3A_156, %broadcast_in_dim3A : vector<16xi32>
        %lt3A_165 = arith.cmpi slt, %get3A_156, %broadcast_in_dim3A_72 : vector<16xi32>
        %and3A_166 = arith.andi %ge3A, %lt3A_165 : vector<16xi1>
        %convert_element_type3A = arith.extui %and3A_166 : vector<16xi1> to vector<16xi32>
        %sub3A_167 = arith.constant 1 : i32
        %sub3A_168 = arith.subi %scan3A_153, %sub3A_167 : i32
        %broadcast_in_dim3A_169 = vector.broadcast %sub3A_168 : i32 to vector<16xi32>
        %cumsum3A = arith.constant true
        %cumsum3A_170 = vector.broadcast %cumsum3A : i1 to vector<16xi1>
        %cumsum3A_171 = tpu.scan <sum>, %convert_element_type3A masked %cumsum3A_170 : vector<16xi32>, vector<16xi1> -> vector<16xi32>
        %add3A_172 = arith.addi %broadcast_in_dim3A_169, %cumsum3A_171 : vector<16xi32>
        %mul3A_173 = arith.constant 8 : i32
        %mul3A_174 = vector.broadcast %mul3A_173 : i32 to vector<16xi32>
        %mul3A_175 = arith.muli %get3A_160, %mul3A_174 : vector<16xi32>
        %add3A_176 = arith.addi %mul3A_175, %get3A_164 : vector<16xi32>
        tpu.vector_store_idx %arg11[%add3A_172], %add3A_176 masked %and3A_166 : memref<2048xi32, #tpu.memory_space<vmem>>[vector<16xi32>], vector<16xi32>, vector<16xi1>
        %mul3A_177 = arith.constant 8 : i32
        %mul3A_178 = vector.broadcast %mul3A_177 : i32 to vector<16xi32>
        %mul3A_179 = arith.muli %get3A_156, %mul3A_178 : vector<16xi32>
        %add3A_180 = arith.addi %mul3A_179, %get3A_164 : vector<16xi32>
        tpu.vector_store_idx %arg12[%add3A_172], %add3A_180 masked %and3A_166 : memref<2048xi32, #tpu.memory_space<vmem>>[vector<16xi32>], vector<16xi32>, vector<16xi1>
        %sub3A_181 = arith.subi %get3A_156, %broadcast_in_dim3A : vector<16xi32>
        tpu.vector_store_idx %arg13[%add3A_172], %sub3A_181 masked %and3A_166 : memref<2048xi32, #tpu.memory_space<vmem>>[vector<16xi32>], vector<16xi32>, vector<16xi1>
        %reduce_sum3A = arith.constant true
        %reduce_sum3A_182 = vector.broadcast %reduce_sum3A : i1 to vector<16xi1>
        %reduce_sum3A_183 = tpu.scan <sum>, %convert_element_type3A masked %reduce_sum3A_182 : vector<16xi32>, vector<16xi1> -> vector<16xi32>
        %reduce_sum3A_184 = vector.extract %reduce_sum3A_183[15] : i32 from vector<16xi32>
        %add3A_185 = arith.addi %scan3A_153, %reduce_sum3A_184 : i32
        scf.yield %add3A_185 : i32
      }
      %scan3A_79 = arith.constant 125 : i32
      %broadcast_in_dim3A_80 = vector.broadcast %scan3A_78 : i32 to vector<16xi32>
      %lt3A = arith.constant 1 : i32
      %lt3A_81 = vector.broadcast %lt3A : i32 to vector<16xi32>
      %lt3A_82 = arith.cmpi slt, %iota3A, %lt3A_81 : vector<16xi32>
      %mul3A_83 = arith.constant 8 : i32
      %mul3A_84 = arith.muli %add3A, %mul3A_83 : i32
      %broadcast_in_dim3A_85 = vector.broadcast %mul3A_84 : i32 to vector<16xi32>
      tpu.vector_store_idx %arg11[%broadcast_in_dim3A_80], %broadcast_in_dim3A_85 masked %lt3A_82 : memref<2048xi32, #tpu.memory_space<vmem>>[vector<16xi32>], vector<16xi32>, vector<16xi1>
      %mul3A_86 = arith.constant 8 : i32
      %mul3A_87 = arith.muli %add3A, %mul3A_86 : i32
      %broadcast_in_dim3A_88 = vector.broadcast %mul3A_87 : i32 to vector<16xi32>
      tpu.vector_store_idx %arg12[%broadcast_in_dim3A_80], %broadcast_in_dim3A_88 masked %lt3A_82 : memref<2048xi32, #tpu.memory_space<vmem>>[vector<16xi32>], vector<16xi32>, vector<16xi1>
      %broadcast_in_dim3A_89 = arith.constant 313 : i32
      %broadcast_in_dim3A_90 = vector.broadcast %broadcast_in_dim3A_89 : i32 to vector<16xi32>
      tpu.vector_store_idx %arg13[%broadcast_in_dim3A_80], %broadcast_in_dim3A_90 masked %lt3A_82 : memref<2048xi32, #tpu.memory_space<vmem>>[vector<16xi32>], vector<16xi32>, vector<16xi1>
      %and3A_91 = arith.constant 1 : i32
      %and3A_92 = arith.andi %scan3A_78, %and3A_91 : i32
      %add3A_93 = arith.addi %scan3A_78, %and3A_92 : i32
      %jit3A = arith.constant 2 : i32
      %div3A = arith.divsi %add3A_93, %jit3A : i32
      %sign3A = arith.constant 0 : i32
      %sign3A_94 = arith.cmpi sgt, %add3A_93, %sign3A : i32
      %sign3A_95 = arith.extui %sign3A_94 : i1 to i32
      %sign3A_96 = arith.constant 0 : i32
      %sign3A_97 = arith.cmpi slt, %add3A_93, %sign3A_96 : i32
      %sign3A_98 = arith.extui %sign3A_97 : i1 to i32
      %sign3A_99 = arith.subi %sign3A_95, %sign3A_98 : i32
      %sign3A_100 = arith.constant 0 : i32
      %sign3A_101 = arith.cmpi sgt, %jit3A, %sign3A_100 : i32
      %sign3A_102 = arith.extui %sign3A_101 : i1 to i32
      %sign3A_103 = arith.constant 0 : i32
      %sign3A_104 = arith.cmpi slt, %jit3A, %sign3A_103 : i32
      %sign3A_105 = arith.extui %sign3A_104 : i1 to i32
      %sign3A_106 = arith.subi %sign3A_102, %sign3A_105 : i32
      %ne3A = arith.cmpi ne, %sign3A_99, %sign3A_106 : i32
      %rem3A = arith.remsi %add3A_93, %jit3A : i32
      %ne3A_107 = arith.constant 0 : i32
      %ne3A_108 = arith.cmpi ne, %rem3A, %ne3A_107 : i32
      %and3A_109 = arith.andi %ne3A, %ne3A_108 : i1
      %sub3A_110 = arith.constant 1 : i32
      %sub3A_111 = arith.subi %div3A, %sub3A_110 : i32
      %select_n3A = arith.select %and3A_109, %sub3A_111, %div3A : i32
      %add3A_112 = arith.constant 512 : i32
      %add3A_113 = arith.addi %add3A_93, %add3A_112 : i32
      %sub3A_114 = arith.constant 1 : i32
      %sub3A_115 = arith.subi %add3A_113, %sub3A_114 : i32
      %jit3A_116 = arith.constant 512 : i32
      %div3A_117 = arith.divsi %sub3A_115, %jit3A_116 : i32
      %sign3A_118 = arith.constant 0 : i32
      %sign3A_119 = arith.cmpi sgt, %sub3A_115, %sign3A_118 : i32
      %sign3A_120 = arith.extui %sign3A_119 : i1 to i32
      %sign3A_121 = arith.constant 0 : i32
      %sign3A_122 = arith.cmpi slt, %sub3A_115, %sign3A_121 : i32
      %sign3A_123 = arith.extui %sign3A_122 : i1 to i32
      %sign3A_124 = arith.subi %sign3A_120, %sign3A_123 : i32
      %sign3A_125 = arith.constant 0 : i32
      %sign3A_126 = arith.cmpi sgt, %jit3A_116, %sign3A_125 : i32
      %sign3A_127 = arith.extui %sign3A_126 : i1 to i32
      %sign3A_128 = arith.constant 0 : i32
      %sign3A_129 = arith.cmpi slt, %jit3A_116, %sign3A_128 : i32
      %sign3A_130 = arith.extui %sign3A_129 : i1 to i32
      %sign3A_131 = arith.subi %sign3A_127, %sign3A_130 : i32
      %ne3A_132 = arith.cmpi ne, %sign3A_124, %sign3A_131 : i32
      %rem3A_133 = arith.remsi %sub3A_115, %jit3A_116 : i32
      %ne3A_134 = arith.constant 0 : i32
      %ne3A_135 = arith.cmpi ne, %rem3A_133, %ne3A_134 : i32
      %and3A_136 = arith.andi %ne3A_132, %ne3A_135 : i1
      %sub3A_137 = arith.constant 1 : i32
      %sub3A_138 = arith.subi %div3A_117, %sub3A_137 : i32
      %select_n3A_139 = arith.select %and3A_136, %sub3A_138, %div3A_117 : i32
      %while3A = arith.constant 0 : i32
      %while3A_140 = arith.constant 0 : i32
      %while3A_141 = arith.subi %select_n3A_139, %while3A : i32
      %while3A_142 = arith.addi %while3A, %while3A_141 : i32
      %while3A_143 = arith.constant 1 : i32
      %while3A_144 = arith.divsi %while3A_141, %while3A_143 : i32
      %while3A_145 = arith.muli %while3A_144, %while3A_143 : i32
      %while3A_146 = arith.addi %while3A, %while3A_145 : i32
      %while3A_147 = arith.constant 1 : i32
      %while3A_148 = scf.for %while3A_152 = %while3A to %while3A_146 step %while3A_147 iter_args(%while3A_153 = %while3A_140) -> (i32)  : i32 {
        %mul3A_154 = arith.constant 512 : i32
        %mul3A_155 = arith.muli %while3A_152, %mul3A_154 : i32
        %dma_start3A_156 = tpu.memref_slice %arg11[%mul3A_155] : memref<2048xi32, #tpu.memory_space<vmem>> -> memref<512xi32, #tpu.memory_space<vmem>>
        %dma_start3A_157 = arith.constant 0 : i32
        %dma_start3A_158 = arith.constant 0 : i32
        %dma_start3A_159 = tpu.memref_slice %arg3[%dma_start3A_157, %dma_start3A_158] : memref<80000x16xf32, #tpu.memory_space<hbm>> -> memref<80000x16xf32, #tpu.memory_space<hbm>>
        tpu.enqueue_indirect_dma source(%dma_start3A_159 : memref<80000x16xf32, #tpu.memory_space<hbm>>) target(%arg14 : memref<512x16xf32, #tpu.memory_space<vmem>>) offsets(%dma_start3A_156 : memref<512xi32, #tpu.memory_space<vmem>>) semaphore(%arg21 : memref<!tpu.dma_semaphore, #tpu.memory_space<semaphore_mem>>)
        %mul3A_160 = arith.constant 512 : i32
        %mul3A_161 = arith.muli %while3A_152, %mul3A_160 : i32
        %dma_start3A_162 = tpu.memref_slice %arg12[%mul3A_161] : memref<2048xi32, #tpu.memory_space<vmem>> -> memref<512xi32, #tpu.memory_space<vmem>>
        %dma_start3A_163 = arith.constant 0 : i32
        %dma_start3A_164 = arith.constant 0 : i32
        %dma_start3A_165 = tpu.memref_slice %arg3[%dma_start3A_163, %dma_start3A_164] : memref<80000x16xf32, #tpu.memory_space<hbm>> -> memref<80000x16xf32, #tpu.memory_space<hbm>>
        tpu.enqueue_indirect_dma source(%dma_start3A_165 : memref<80000x16xf32, #tpu.memory_space<hbm>>) target(%arg15 : memref<512x16xf32, #tpu.memory_space<vmem>>) offsets(%dma_start3A_162 : memref<512xi32, #tpu.memory_space<vmem>>) semaphore(%arg21 : memref<!tpu.dma_semaphore, #tpu.memory_space<semaphore_mem>>)
        %dma_wait3A_166 = tpu.memref_slice %arg11[%mul3A_155] : memref<2048xi32, #tpu.memory_space<vmem>> -> memref<512xi32, #tpu.memory_space<vmem>>
        %dma_wait3A_167 = arith.constant 0 : i32
        %dma_wait3A_168 = arith.constant 0 : i32
        %dma_wait3A_169 = tpu.memref_slice %arg3[%dma_wait3A_167, %dma_wait3A_168] : memref<80000x16xf32, #tpu.memory_space<hbm>> -> memref<80000x16xf32, #tpu.memory_space<hbm>>
        tpu.wait_indirect_dma semaphore(%arg21 : memref<!tpu.dma_semaphore, #tpu.memory_space<semaphore_mem>>) src(%dma_wait3A_169 : memref<80000x16xf32, #tpu.memory_space<hbm>>) dst(%arg14 : memref<512x16xf32, #tpu.memory_space<vmem>>)
        %dma_wait3A_170 = tpu.memref_slice %arg12[%mul3A_161] : memref<2048xi32, #tpu.memory_space<vmem>> -> memref<512xi32, #tpu.memory_space<vmem>>
        %dma_wait3A_171 = arith.constant 0 : i32
        %dma_wait3A_172 = arith.constant 0 : i32
        %dma_wait3A_173 = tpu.memref_slice %arg3[%dma_wait3A_171, %dma_wait3A_172] : memref<80000x16xf32, #tpu.memory_space<hbm>> -> memref<80000x16xf32, #tpu.memory_space<hbm>>
        tpu.wait_indirect_dma semaphore(%arg21 : memref<!tpu.dma_semaphore, #tpu.memory_space<semaphore_mem>>) src(%dma_wait3A_173 : memref<80000x16xf32, #tpu.memory_space<hbm>>) dst(%arg15 : memref<512x16xf32, #tpu.memory_space<vmem>>)
        %mul3A_174 = arith.constant 256 : i32
        %mul3A_175 = arith.muli %while3A_152, %mul3A_174 : i32
        %sub3A_176 = arith.subi %select_n3A, %mul3A_175 : i32
        %min3A = arith.constant 256 : i32
        %min3A_177 = arith.minsi %min3A, %sub3A_176 : i32
        %while3A_178 = arith.constant 0 : i32
        %while3A_179 = arith.constant 0 : i32
        %while3A_180 = arith.subi %min3A_177, %while3A_178 : i32
        %while3A_181 = arith.addi %while3A_178, %while3A_180 : i32
        %while3A_182 = arith.constant 1 : i32
        %while3A_183 = arith.divsi %while3A_180, %while3A_182 : i32
        %while3A_184 = arith.muli %while3A_183, %while3A_182 : i32
        %while3A_185 = arith.addi %while3A_178, %while3A_184 : i32
        %while3A_186 = arith.constant 1 : i32
        %while3A_187 = scf.for %while3A_191 = %while3A_178 to %while3A_185 step %while3A_186 iter_args(%while3A_192 = %while3A_179) -> (i32)  : i32 {
          %mul3A_193 = arith.constant 2 : i32
          %mul3A_194 = arith.muli %while3A_191, %mul3A_193 : i32
          %add3A_195 = vector.broadcast %mul3A_194 : i32 to vector<16xi32>
          %add3A_196 = arith.addi %add3A_195, %shift_right_arithmetic3A_6 : vector<16xi32>
          %add3A_197 = vector.broadcast %mul3A_194 : i32 to vector<16xi32>
          %add3A_198 = arith.addi %add3A_197, %sub3A_8 : vector<16xi32>
          %gather3A = tpu.vector_load_idx %arg14[%add3A_196, %and3A_4] : memref<512x16xf32, #tpu.memory_space<vmem>>[vector<16xi32>, vector<16xi32>], vector<16xf32>,
          %add3A_199 = arith.constant 8 : i32
          %add3A_200 = vector.broadcast %add3A_199 : i32 to vector<16xi32>
          %add3A_201 = arith.addi %and3A_4, %add3A_200 : vector<16xi32>
          %gather3A_202 = tpu.vector_load_idx %arg15[%add3A_196, %add3A_201] : memref<512x16xf32, #tpu.memory_space<vmem>>[vector<16xi32>, vector<16xi32>], vector<16xf32>,
          %add3A_203 = arith.addf %gather3A, %gather3A_202 : vector<16xf32>
          %mul3A_204 = arith.constant 0.00999999977 : f32
          %mul3A_205 = vector.broadcast %mul3A_204 : f32 to vector<16xf32>
          %mul3A_206 = arith.mulf %mul3A_205, %add3A_203 : vector<16xf32>
          %max3A = arith.maximumf %add3A_203, %mul3A_206 : vector<16xf32>
          %gather3A_207 = tpu.vector_load_idx %arg14[%add3A_198, %and3A_4] : memref<512x16xf32, #tpu.memory_space<vmem>>[vector<16xi32>, vector<16xi32>], vector<16xf32>,
          %add3A_208 = arith.constant 8 : i32
          %add3A_209 = vector.broadcast %add3A_208 : i32 to vector<16xi32>
          %add3A_210 = arith.addi %and3A_4, %add3A_209 : vector<16xi32>
          %gather3A_211 = tpu.vector_load_idx %arg15[%add3A_198, %add3A_210] : memref<512x16xf32, #tpu.memory_space<vmem>>[vector<16xi32>, vector<16xi32>], vector<16xf32>,
          %add3A_212 = arith.addf %gather3A_207, %gather3A_211 : vector<16xf32>
          %mul3A_213 = arith.constant 0.00999999977 : f32
          %mul3A_214 = vector.broadcast %mul3A_213 : f32 to vector<16xf32>
          %mul3A_215 = arith.mulf %mul3A_214, %add3A_212 : vector<16xf32>
          %max3A_216 = arith.maximumf %add3A_212, %mul3A_215 : vector<16xf32>
          %mul3A_217 = arith.constant 512 : i32
          %mul3A_218 = arith.muli %while3A_152, %mul3A_217 : i32
          %add3A_219 = arith.addi %mul3A_218, %mul3A_194 : i32
          %add3A_220 = vector.broadcast %add3A_219 : i32 to vector<16xi32>
          %add3A_221 = arith.addi %add3A_220, %shift_right_arithmetic3A_6 : vector<16xi32>
          %gather3A_222 = tpu.vector_load_idx %arg13[%add3A_221] : memref<2048xi32, #tpu.memory_space<vmem>>[vector<16xi32>], vector<16xi32>,
          %add3A_223 = vector.broadcast %add3A_219 : i32 to vector<16xi32>
          %add3A_224 = arith.addi %add3A_223, %sub3A_8 : vector<16xi32>
          %gather3A_225 = tpu.vector_load_idx %arg13[%add3A_224] : memref<2048xi32, #tpu.memory_space<vmem>>[vector<16xi32>], vector<16xi32>,
          %eq3A = arith.cmpi eq, %gather3A_222, %gather3A_225 : vector<16xi32>
          %mul3A_226 = arith.constant 8 : i32
          %mul3A_227 = vector.broadcast %mul3A_226 : i32 to vector<16xi32>
          %mul3A_228 = arith.muli %gather3A_222, %mul3A_227 : vector<16xi32>
          %add3A_229 = arith.addi %mul3A_228, %and3A_4 : vector<16xi32>
          %max3A_230 = arith.maximumf %max3A, %max3A_216 : vector<16xf32>
          %select_n3A_231 = arith.select %eq3A, %max3A_230, %max3A : vector<16xi1>, vector<16xf32>
          %gather3A_232 = tpu.vector_load_idx %arg18[%add3A_229] : memref<2520xf32, #tpu.memory_space<vmem>>[vector<16xi32>], vector<16xf32>,
          %max3A_233 = arith.maximumf %gather3A_232, %select_n3A_231 : vector<16xf32>
          tpu.vector_store_idx %arg18[%add3A_229], %max3A_233 : memref<2520xf32, #tpu.memory_space<vmem>>[vector<16xi32>], vector<16xf32>,
          %while3A_234 = arith.constant 0 : i32
          scf.yield %while3A_234 : i32
        }
        %while3A_188 = arith.constant 1 : i32
        %while3A_189 = scf.for %while3A_191 = %while3A_185 to %while3A_181 step %while3A_188 iter_args(%while3A_192 = %while3A_187) -> (i32)  : i32 {
          %mul3A_193 = arith.constant 2 : i32
          %mul3A_194 = arith.muli %while3A_191, %mul3A_193 : i32
          %add3A_195 = vector.broadcast %mul3A_194 : i32 to vector<16xi32>
          %add3A_196 = arith.addi %add3A_195, %shift_right_arithmetic3A_6 : vector<16xi32>
          %add3A_197 = vector.broadcast %mul3A_194 : i32 to vector<16xi32>
          %add3A_198 = arith.addi %add3A_197, %sub3A_8 : vector<16xi32>
          %gather3A = tpu.vector_load_idx %arg14[%add3A_196, %and3A_4] : memref<512x16xf32, #tpu.memory_space<vmem>>[vector<16xi32>, vector<16xi32>], vector<16xf32>,
          %add3A_199 = arith.constant 8 : i32
          %add3A_200 = vector.broadcast %add3A_199 : i32 to vector<16xi32>
          %add3A_201 = arith.addi %and3A_4, %add3A_200 : vector<16xi32>
          %gather3A_202 = tpu.vector_load_idx %arg15[%add3A_196, %add3A_201] : memref<512x16xf32, #tpu.memory_space<vmem>>[vector<16xi32>, vector<16xi32>], vector<16xf32>,
          %add3A_203 = arith.addf %gather3A, %gather3A_202 : vector<16xf32>
          %mul3A_204 = arith.constant 0.00999999977 : f32
          %mul3A_205 = vector.broadcast %mul3A_204 : f32 to vector<16xf32>
          %mul3A_206 = arith.mulf %mul3A_205, %add3A_203 : vector<16xf32>
          %max3A = arith.maximumf %add3A_203, %mul3A_206 : vector<16xf32>
          %gather3A_207 = tpu.vector_load_idx %arg14[%add3A_198, %and3A_4] : memref<512x16xf32, #tpu.memory_space<vmem>>[vector<16xi32>, vector<16xi32>], vector<16xf32>,
          %add3A_208 = arith.constant 8 : i32
          %add3A_209 = vector.broadcast %add3A_208 : i32 to vector<16xi32>
          %add3A_210 = arith.addi %and3A_4, %add3A_209 : vector<16xi32>
          %gather3A_211 = tpu.vector_load_idx %arg15[%add3A_198, %add3A_210] : memref<512x16xf32, #tpu.memory_space<vmem>>[vector<16xi32>, vector<16xi32>], vector<16xf32>,
          %add3A_212 = arith.addf %gather3A_207, %gather3A_211 : vector<16xf32>
          %mul3A_213 = arith.constant 0.00999999977 : f32
          %mul3A_214 = vector.broadcast %mul3A_213 : f32 to vector<16xf32>
          %mul3A_215 = arith.mulf %mul3A_214, %add3A_212 : vector<16xf32>
          %max3A_216 = arith.maximumf %add3A_212, %mul3A_215 : vector<16xf32>
          %mul3A_217 = arith.constant 512 : i32
          %mul3A_218 = arith.muli %while3A_152, %mul3A_217 : i32
          %add3A_219 = arith.addi %mul3A_218, %mul3A_194 : i32
          %add3A_220 = vector.broadcast %add3A_219 : i32 to vector<16xi32>
          %add3A_221 = arith.addi %add3A_220, %shift_right_arithmetic3A_6 : vector<16xi32>
          %gather3A_222 = tpu.vector_load_idx %arg13[%add3A_221] : memref<2048xi32, #tpu.memory_space<vmem>>[vector<16xi32>], vector<16xi32>,
          %add3A_223 = vector.broadcast %add3A_219 : i32 to vector<16xi32>
          %add3A_224 = arith.addi %add3A_223, %sub3A_8 : vector<16xi32>
          %gather3A_225 = tpu.vector_load_idx %arg13[%add3A_224] : memref<2048xi32, #tpu.memory_space<vmem>>[vector<16xi32>], vector<16xi32>,
          %eq3A = arith.cmpi eq, %gather3A_222, %gather3A_225 : vector<16xi32>
          %mul3A_226 = arith.constant 8 : i32
          %mul3A_227 = vector.broadcast %mul3A_226 : i32 to vector<16xi32>
          %mul3A_228 = arith.muli %gather3A_222, %mul3A_227 : vector<16xi32>
          %add3A_229 = arith.addi %mul3A_228, %and3A_4 : vector<16xi32>
          %max3A_230 = arith.maximumf %max3A, %max3A_216 : vector<16xf32>
          %select_n3A_231 = arith.select %eq3A, %max3A_230, %max3A : vector<16xi1>, vector<16xf32>
          %gather3A_232 = tpu.vector_load_idx %arg18[%add3A_229] : memref<2520xf32, #tpu.memory_space<vmem>>[vector<16xi32>], vector<16xf32>,
          %max3A_233 = arith.maximumf %gather3A_232, %select_n3A_231 : vector<16xf32>
          tpu.vector_store_idx %arg18[%add3A_229], %max3A_233 : memref<2520xf32, #tpu.memory_space<vmem>>[vector<16xi32>], vector<16xf32>,
          %while3A_234 = arith.constant 0 : i32
          scf.yield %while3A_234 : i32
        }
        %while3A_190 = arith.constant 0 : i32
        scf.yield %while3A_190 : i32
      }
      %while3A_149 = arith.constant 1 : i32
      %while3A_150 = scf.for %while3A_152 = %while3A_146 to %while3A_142 step %while3A_149 iter_args(%while3A_153 = %while3A_148) -> (i32)  : i32 {
        %mul3A_154 = arith.constant 512 : i32
        %mul3A_155 = arith.muli %while3A_152, %mul3A_154 : i32
        %dma_start3A_156 = tpu.memref_slice %arg11[%mul3A_155] : memref<2048xi32, #tpu.memory_space<vmem>> -> memref<512xi32, #tpu.memory_space<vmem>>
        %dma_start3A_157 = arith.constant 0 : i32
        %dma_start3A_158 = arith.constant 0 : i32
        %dma_start3A_159 = tpu.memref_slice %arg3[%dma_start3A_157, %dma_start3A_158] : memref<80000x16xf32, #tpu.memory_space<hbm>> -> memref<80000x16xf32, #tpu.memory_space<hbm>>
        tpu.enqueue_indirect_dma source(%dma_start3A_159 : memref<80000x16xf32, #tpu.memory_space<hbm>>) target(%arg14 : memref<512x16xf32, #tpu.memory_space<vmem>>) offsets(%dma_start3A_156 : memref<512xi32, #tpu.memory_space<vmem>>) semaphore(%arg21 : memref<!tpu.dma_semaphore, #tpu.memory_space<semaphore_mem>>)
        %mul3A_160 = arith.constant 512 : i32
        %mul3A_161 = arith.muli %while3A_152, %mul3A_160 : i32
        %dma_start3A_162 = tpu.memref_slice %arg12[%mul3A_161] : memref<2048xi32, #tpu.memory_space<vmem>> -> memref<512xi32, #tpu.memory_space<vmem>>
        %dma_start3A_163 = arith.constant 0 : i32
        %dma_start3A_164 = arith.constant 0 : i32
        %dma_start3A_165 = tpu.memref_slice %arg3[%dma_start3A_163, %dma_start3A_164] : memref<80000x16xf32, #tpu.memory_space<hbm>> -> memref<80000x16xf32, #tpu.memory_space<hbm>>
        tpu.enqueue_indirect_dma source(%dma_start3A_165 : memref<80000x16xf32, #tpu.memory_space<hbm>>) target(%arg15 : memref<512x16xf32, #tpu.memory_space<vmem>>) offsets(%dma_start3A_162 : memref<512xi32, #tpu.memory_space<vmem>>) semaphore(%arg21 : memref<!tpu.dma_semaphore, #tpu.memory_space<semaphore_mem>>)
        %dma_wait3A_166 = tpu.memref_slice %arg11[%mul3A_155] : memref<2048xi32, #tpu.memory_space<vmem>> -> memref<512xi32, #tpu.memory_space<vmem>>
        %dma_wait3A_167 = arith.constant 0 : i32
        %dma_wait3A_168 = arith.constant 0 : i32
        %dma_wait3A_169 = tpu.memref_slice %arg3[%dma_wait3A_167, %dma_wait3A_168] : memref<80000x16xf32, #tpu.memory_space<hbm>> -> memref<80000x16xf32, #tpu.memory_space<hbm>>
        tpu.wait_indirect_dma semaphore(%arg21 : memref<!tpu.dma_semaphore, #tpu.memory_space<semaphore_mem>>) src(%dma_wait3A_169 : memref<80000x16xf32, #tpu.memory_space<hbm>>) dst(%arg14 : memref<512x16xf32, #tpu.memory_space<vmem>>)
        %dma_wait3A_170 = tpu.memref_slice %arg12[%mul3A_161] : memref<2048xi32, #tpu.memory_space<vmem>> -> memref<512xi32, #tpu.memory_space<vmem>>
        %dma_wait3A_171 = arith.constant 0 : i32
        %dma_wait3A_172 = arith.constant 0 : i32
        %dma_wait3A_173 = tpu.memref_slice %arg3[%dma_wait3A_171, %dma_wait3A_172] : memref<80000x16xf32, #tpu.memory_space<hbm>> -> memref<80000x16xf32, #tpu.memory_space<hbm>>
        tpu.wait_indirect_dma semaphore(%arg21 : memref<!tpu.dma_semaphore, #tpu.memory_space<semaphore_mem>>) src(%dma_wait3A_173 : memref<80000x16xf32, #tpu.memory_space<hbm>>) dst(%arg15 : memref<512x16xf32, #tpu.memory_space<vmem>>)
        %mul3A_174 = arith.constant 256 : i32
        %mul3A_175 = arith.muli %while3A_152, %mul3A_174 : i32
        %sub3A_176 = arith.subi %select_n3A, %mul3A_175 : i32
        %min3A = arith.constant 256 : i32
        %min3A_177 = arith.minsi %min3A, %sub3A_176 : i32
        %while3A_178 = arith.constant 0 : i32
        %while3A_179 = arith.constant 0 : i32
        %while3A_180 = arith.subi %min3A_177, %while3A_178 : i32
        %while3A_181 = arith.addi %while3A_178, %while3A_180 : i32
        %while3A_182 = arith.constant 1 : i32
        %while3A_183 = arith.divsi %while3A_180, %while3A_182 : i32
        %while3A_184 = arith.muli %while3A_183, %while3A_182 : i32
        %while3A_185 = arith.addi %while3A_178, %while3A_184 : i32
        %while3A_186 = arith.constant 1 : i32
        %while3A_187 = scf.for %while3A_191 = %while3A_178 to %while3A_185 step %while3A_186 iter_args(%while3A_192 = %while3A_179) -> (i32)  : i32 {
          %mul3A_193 = arith.constant 2 : i32
          %mul3A_194 = arith.muli %while3A_191, %mul3A_193 : i32
          %add3A_195 = vector.broadcast %mul3A_194 : i32 to vector<16xi32>
          %add3A_196 = arith.addi %add3A_195, %shift_right_arithmetic3A_6 : vector<16xi32>
          %add3A_197 = vector.broadcast %mul3A_194 : i32 to vector<16xi32>
          %add3A_198 = arith.addi %add3A_197, %sub3A_8 : vector<16xi32>
          %gather3A = tpu.vector_load_idx %arg14[%add3A_196, %and3A_4] : memref<512x16xf32, #tpu.memory_space<vmem>>[vector<16xi32>, vector<16xi32>], vector<16xf32>,
          %add3A_199 = arith.constant 8 : i32
          %add3A_200 = vector.broadcast %add3A_199 : i32 to vector<16xi32>
          %add3A_201 = arith.addi %and3A_4, %add3A_200 : vector<16xi32>
          %gather3A_202 = tpu.vector_load_idx %arg15[%add3A_196, %add3A_201] : memref<512x16xf32, #tpu.memory_space<vmem>>[vector<16xi32>, vector<16xi32>], vector<16xf32>,
          %add3A_203 = arith.addf %gather3A, %gather3A_202 : vector<16xf32>
          %mul3A_204 = arith.constant 0.00999999977 : f32
          %mul3A_205 = vector.broadcast %mul3A_204 : f32 to vector<16xf32>
          %mul3A_206 = arith.mulf %mul3A_205, %add3A_203 : vector<16xf32>
          %max3A = arith.maximumf %add3A_203, %mul3A_206 : vector<16xf32>
          %gather3A_207 = tpu.vector_load_idx %arg14[%add3A_198, %and3A_4] : memref<512x16xf32, #tpu.memory_space<vmem>>[vector<16xi32>, vector<16xi32>], vector<16xf32>,
          %add3A_208 = arith.constant 8 : i32
          %add3A_209 = vector.broadcast %add3A_208 : i32 to vector<16xi32>
          %add3A_210 = arith.addi %and3A_4, %add3A_209 : vector<16xi32>
          %gather3A_211 = tpu.vector_load_idx %arg15[%add3A_198, %add3A_210] : memref<512x16xf32, #tpu.memory_space<vmem>>[vector<16xi32>, vector<16xi32>], vector<16xf32>,
          %add3A_212 = arith.addf %gather3A_207, %gather3A_211 : vector<16xf32>
          %mul3A_213 = arith.constant 0.00999999977 : f32
          %mul3A_214 = vector.broadcast %mul3A_213 : f32 to vector<16xf32>
          %mul3A_215 = arith.mulf %mul3A_214, %add3A_212 : vector<16xf32>
          %max3A_216 = arith.maximumf %add3A_212, %mul3A_215 : vector<16xf32>
          %mul3A_217 = arith.constant 512 : i32
          %mul3A_218 = arith.muli %while3A_152, %mul3A_217 : i32
          %add3A_219 = arith.addi %mul3A_218, %mul3A_194 : i32
          %add3A_220 = vector.broadcast %add3A_219 : i32 to vector<16xi32>
          %add3A_221 = arith.addi %add3A_220, %shift_right_arithmetic3A_6 : vector<16xi32>
          %gather3A_222 = tpu.vector_load_idx %arg13[%add3A_221] : memref<2048xi32, #tpu.memory_space<vmem>>[vector<16xi32>], vector<16xi32>,
          %add3A_223 = vector.broadcast %add3A_219 : i32 to vector<16xi32>
          %add3A_224 = arith.addi %add3A_223, %sub3A_8 : vector<16xi32>
          %gather3A_225 = tpu.vector_load_idx %arg13[%add3A_224] : memref<2048xi32, #tpu.memory_space<vmem>>[vector<16xi32>], vector<16xi32>,
          %eq3A = arith.cmpi eq, %gather3A_222, %gather3A_225 : vector<16xi32>
          %mul3A_226 = arith.constant 8 : i32
          %mul3A_227 = vector.broadcast %mul3A_226 : i32 to vector<16xi32>
          %mul3A_228 = arith.muli %gather3A_222, %mul3A_227 : vector<16xi32>
          %add3A_229 = arith.addi %mul3A_228, %and3A_4 : vector<16xi32>
          %max3A_230 = arith.maximumf %max3A, %max3A_216 : vector<16xf32>
          %select_n3A_231 = arith.select %eq3A, %max3A_230, %max3A : vector<16xi1>, vector<16xf32>
          %gather3A_232 = tpu.vector_load_idx %arg18[%add3A_229] : memref<2520xf32, #tpu.memory_space<vmem>>[vector<16xi32>], vector<16xf32>,
          %max3A_233 = arith.maximumf %gather3A_232, %select_n3A_231 : vector<16xf32>
          tpu.vector_store_idx %arg18[%add3A_229], %max3A_233 : memref<2520xf32, #tpu.memory_space<vmem>>[vector<16xi32>], vector<16xf32>,
          %while3A_234 = arith.constant 0 : i32
          scf.yield %while3A_234 : i32
        }
        %while3A_188 = arith.constant 1 : i32
        %while3A_189 = scf.for %while3A_191 = %while3A_185 to %while3A_181 step %while3A_188 iter_args(%while3A_192 = %while3A_187) -> (i32)  : i32 {
          %mul3A_193 = arith.constant 2 : i32
          %mul3A_194 = arith.muli %while3A_191, %mul3A_193 : i32
          %add3A_195 = vector.broadcast %mul3A_194 : i32 to vector<16xi32>
          %add3A_196 = arith.addi %add3A_195, %shift_right_arithmetic3A_6 : vector<16xi32>
          %add3A_197 = vector.broadcast %mul3A_194 : i32 to vector<16xi32>
          %add3A_198 = arith.addi %add3A_197, %sub3A_8 : vector<16xi32>
          %gather3A = tpu.vector_load_idx %arg14[%add3A_196, %and3A_4] : memref<512x16xf32, #tpu.memory_space<vmem>>[vector<16xi32>, vector<16xi32>], vector<16xf32>,
          %add3A_199 = arith.constant 8 : i32
          %add3A_200 = vector.broadcast %add3A_199 : i32 to vector<16xi32>
          %add3A_201 = arith.addi %and3A_4, %add3A_200 : vector<16xi32>
          %gather3A_202 = tpu.vector_load_idx %arg15[%add3A_196, %add3A_201] : memref<512x16xf32, #tpu.memory_space<vmem>>[vector<16xi32>, vector<16xi32>], vector<16xf32>,
          %add3A_203 = arith.addf %gather3A, %gather3A_202 : vector<16xf32>
          %mul3A_204 = arith.constant 0.00999999977 : f32
          %mul3A_205 = vector.broadcast %mul3A_204 : f32 to vector<16xf32>
          %mul3A_206 = arith.mulf %mul3A_205, %add3A_203 : vector<16xf32>
          %max3A = arith.maximumf %add3A_203, %mul3A_206 : vector<16xf32>
          %gather3A_207 = tpu.vector_load_idx %arg14[%add3A_198, %and3A_4] : memref<512x16xf32, #tpu.memory_space<vmem>>[vector<16xi32>, vector<16xi32>], vector<16xf32>,
          %add3A_208 = arith.constant 8 : i32
          %add3A_209 = vector.broadcast %add3A_208 : i32 to vector<16xi32>
          %add3A_210 = arith.addi %and3A_4, %add3A_209 : vector<16xi32>
          %gather3A_211 = tpu.vector_load_idx %arg15[%add3A_198, %add3A_210] : memref<512x16xf32, #tpu.memory_space<vmem>>[vector<16xi32>, vector<16xi32>], vector<16xf32>,
          %add3A_212 = arith.addf %gather3A_207, %gather3A_211 : vector<16xf32>
          %mul3A_213 = arith.constant 0.00999999977 : f32
          %mul3A_214 = vector.broadcast %mul3A_213 : f32 to vector<16xf32>
          %mul3A_215 = arith.mulf %mul3A_214, %add3A_212 : vector<16xf32>
          %max3A_216 = arith.maximumf %add3A_212, %mul3A_215 : vector<16xf32>
          %mul3A_217 = arith.constant 512 : i32
          %mul3A_218 = arith.muli %while3A_152, %mul3A_217 : i32
          %add3A_219 = arith.addi %mul3A_218, %mul3A_194 : i32
          %add3A_220 = vector.broadcast %add3A_219 : i32 to vector<16xi32>
          %add3A_221 = arith.addi %add3A_220, %shift_right_arithmetic3A_6 : vector<16xi32>
          %gather3A_222 = tpu.vector_load_idx %arg13[%add3A_221] : memref<2048xi32, #tpu.memory_space<vmem>>[vector<16xi32>], vector<16xi32>,
          %add3A_223 = vector.broadcast %add3A_219 : i32 to vector<16xi32>
          %add3A_224 = arith.addi %add3A_223, %sub3A_8 : vector<16xi32>
          %gather3A_225 = tpu.vector_load_idx %arg13[%add3A_224] : memref<2048xi32, #tpu.memory_space<vmem>>[vector<16xi32>], vector<16xi32>,
          %eq3A = arith.cmpi eq, %gather3A_222, %gather3A_225 : vector<16xi32>
          %mul3A_226 = arith.constant 8 : i32
          %mul3A_227 = vector.broadcast %mul3A_226 : i32 to vector<16xi32>
          %mul3A_228 = arith.muli %gather3A_222, %mul3A_227 : vector<16xi32>
          %add3A_229 = arith.addi %mul3A_228, %and3A_4 : vector<16xi32>
          %max3A_230 = arith.maximumf %max3A, %max3A_216 : vector<16xf32>
          %select_n3A_231 = arith.select %eq3A, %max3A_230, %max3A : vector<16xi1>, vector<16xf32>
          %gather3A_232 = tpu.vector_load_idx %arg18[%add3A_229] : memref<2520xf32, #tpu.memory_space<vmem>>[vector<16xi32>], vector<16xf32>,
          %max3A_233 = arith.maximumf %gather3A_232, %select_n3A_231 : vector<16xf32>
          tpu.vector_store_idx %arg18[%add3A_229], %max3A_233 : memref<2520xf32, #tpu.memory_space<vmem>>[vector<16xi32>], vector<16xf32>,
          %while3A_234 = arith.constant 0 : i32
          scf.yield %while3A_234 : i32
        }
        %while3A_190 = arith.constant 0 : i32
        scf.yield %while3A_190 : i32
      }
      %scan3A_151 = arith.constant 0 : i32
      scf.yield %scan3A_151 : i32
    }
    %scan3A_35 = arith.constant 80 : i32
    %scan3A_36 = arith.constant 0 : i32
    %scan3A_37 = arith.constant 0 : i32
    %scan3A_38 = arith.constant 80 : i32
    %scan3A_39 = arith.addi %scan3A_37, %scan3A_38 : i32
    %scan3A_40 = arith.constant 1 : i32
    %scan3A_41 = scf.for %scan3A_52 = %scan3A_37 to %scan3A_39 step %scan3A_40 iter_args(%scan3A_53 = %scan3A_36) -> (i32)  : i32 {
      %mul3A_54 = arith.constant 2000 : i32
      %mul3A_55 = arith.muli %scan3A_52, %mul3A_54 : i32
      %dma_start3A = tpu.memref_slice %arg5[%mul3A_55] : memref<160000xi32, #tpu.memory_space<hbm>> -> memref<2000xi32, #tpu.memory_space<hbm>>
      %dma_start3A_56 = tpu.memref_slice %arg5[%mul3A_55] : memref<160000xi32, #tpu.memory_space<hbm>> -> memref<2000xi32, #tpu.memory_space<hbm>>
      tpu.enqueue_dma source(%dma_start3A_56 : memref<2000xi32, #tpu.memory_space<hbm>>) target(%arg8 : memref<2000xi32, #tpu.memory_space<vmem>>) target_semaphore(%arg21 : memref<!tpu.dma_semaphore, #tpu.memory_space<semaphore_mem>>)
      %mul3A_57 = arith.constant 2000 : i32
      %mul3A_58 = arith.muli %scan3A_52, %mul3A_57 : i32
      %dma_start3A_59 = tpu.memref_slice %arg4[%mul3A_58] : memref<160000xi32, #tpu.memory_space<hbm>> -> memref<2000xi32, #tpu.memory_space<hbm>>
      %dma_start3A_60 = tpu.memref_slice %arg4[%mul3A_58] : memref<160000xi32, #tpu.memory_space<hbm>> -> memref<2000xi32, #tpu.memory_space<hbm>>
      tpu.enqueue_dma source(%dma_start3A_60 : memref<2000xi32, #tpu.memory_space<hbm>>) target(%arg9 : memref<2000xi32, #tpu.memory_space<vmem>>) target_semaphore(%arg21 : memref<!tpu.dma_semaphore, #tpu.memory_space<semaphore_mem>>)
      %mul3A_61 = arith.constant 2000 : i32
      %mul3A_62 = arith.muli %scan3A_52, %mul3A_61 : i32
      %dma_start3A_63 = tpu.memref_slice %arg6[%mul3A_62] : memref<160000xi32, #tpu.memory_space<hbm>> -> memref<2000xi32, #tpu.memory_space<hbm>>
      %dma_start3A_64 = tpu.memref_slice %arg6[%mul3A_62] : memref<160000xi32, #tpu.memory_space<hbm>> -> memref<2000xi32, #tpu.memory_space<hbm>>
      tpu.enqueue_dma source(%dma_start3A_64 : memref<2000xi32, #tpu.memory_space<hbm>>) target(%arg10 : memref<2000xi32, #tpu.memory_space<vmem>>) target_semaphore(%arg21 : memref<!tpu.dma_semaphore, #tpu.memory_space<semaphore_mem>>)
      %dma_wait3A = tpu.memref_slice %arg5[%mul3A_55] : memref<160000xi32, #tpu.memory_space<hbm>> -> memref<2000xi32, #tpu.memory_space<hbm>>
      %dma_wait3A_65 = tpu.memref_slice %arg5[%mul3A_55] : memref<160000xi32, #tpu.memory_space<hbm>> -> memref<2000xi32, #tpu.memory_space<hbm>>
      tpu.wait_dma2 semaphore(%arg21 : memref<!tpu.dma_semaphore, #tpu.memory_space<semaphore_mem>>) src(%dma_wait3A_65 : memref<2000xi32, #tpu.memory_space<hbm>>) dst(%arg8 : memref<2000xi32, #tpu.memory_space<vmem>>)
      %dma_wait3A_66 = tpu.memref_slice %arg4[%mul3A_58] : memref<160000xi32, #tpu.memory_space<hbm>> -> memref<2000xi32, #tpu.memory_space<hbm>>
      %dma_wait3A_67 = tpu.memref_slice %arg4[%mul3A_58] : memref<160000xi32, #tpu.memory_space<hbm>> -> memref<2000xi32, #tpu.memory_space<hbm>>
      tpu.wait_dma2 semaphore(%arg21 : memref<!tpu.dma_semaphore, #tpu.memory_space<semaphore_mem>>) src(%dma_wait3A_67 : memref<2000xi32, #tpu.memory_space<hbm>>) dst(%arg9 : memref<2000xi32, #tpu.memory_space<vmem>>)
      %dma_wait3A_68 = tpu.memref_slice %arg6[%mul3A_62] : memref<160000xi32, #tpu.memory_space<hbm>> -> memref<2000xi32, #tpu.memory_space<hbm>>
      %dma_wait3A_69 = tpu.memref_slice %arg6[%mul3A_62] : memref<160000xi32, #tpu.memory_space<hbm>> -> memref<2000xi32, #tpu.memory_space<hbm>>
      tpu.wait_dma2 semaphore(%arg21 : memref<!tpu.dma_semaphore, #tpu.memory_space<semaphore_mem>>) src(%dma_wait3A_69 : memref<2000xi32, #tpu.memory_space<hbm>>) dst(%arg10 : memref<2000xi32, #tpu.memory_space<vmem>>)
      %broadcast_in_dim3A = vector.broadcast %mul3A_2 : i32 to vector<16xi32>
      %add3A_70 = arith.constant 313 : i32
      %add3A_71 = arith.addi %mul3A_2, %add3A_70 : i32
      %broadcast_in_dim3A_72 = vector.broadcast %add3A_71 : i32 to vector<16xi32>
      %scan3A_73 = arith.constant 0 : i32
      %scan3A_74 = arith.constant 0 : i32
      %scan3A_75 = arith.constant 125 : i32
      %scan3A_76 = arith.addi %scan3A_74, %scan3A_75 : i32
      %scan3A_77 = arith.constant 1 : i32
      %scan3A_78 = scf.for %scan3A_192 = %scan3A_74 to %scan3A_76 step %scan3A_77 iter_args(%scan3A_193 = %scan3A_73) -> (i32)  : i32 {
        %mul3A_194 = arith.constant 16 : i32
        %mul3A_195 = arith.muli %scan3A_192, %mul3A_194 : i32
        %get3A = arith.index_cast %mul3A_195 : i32 to index
        %get3A_196 = tpu.vector_load %arg8[%get3A] {strides = array<i32>} : memref<2000xi32, #tpu.memory_space<vmem>>, vector<16xi32>,
        %mul3A_197 = arith.constant 16 : i32
        %mul3A_198 = arith.muli %scan3A_192, %mul3A_197 : i32
        %get3A_199 = arith.index_cast %mul3A_198 : i32 to index
        %get3A_200 = tpu.vector_load %arg9[%get3A_199] {strides = array<i32>} : memref<2000xi32, #tpu.memory_space<vmem>>, vector<16xi32>,
        %mul3A_201 = arith.constant 16 : i32
        %mul3A_202 = arith.muli %scan3A_192, %mul3A_201 : i32
        %get3A_203 = arith.index_cast %mul3A_202 : i32 to index
        %get3A_204 = tpu.vector_load %arg10[%get3A_203] {strides = array<i32>} : memref<2000xi32, #tpu.memory_space<vmem>>, vector<16xi32>,
        %ge3A = arith.cmpi sge, %get3A_196, %broadcast_in_dim3A : vector<16xi32>
        %lt3A_205 = arith.cmpi slt, %get3A_196, %broadcast_in_dim3A_72 : vector<16xi32>
        %and3A_206 = arith.andi %ge3A, %lt3A_205 : vector<16xi1>
        %convert_element_type3A = arith.extui %and3A_206 : vector<16xi1> to vector<16xi32>
        %sub3A_207 = arith.constant 1 : i32
        %sub3A_208 = arith.subi %scan3A_193, %sub3A_207 : i32
        %broadcast_in_dim3A_209 = vector.broadcast %sub3A_208 : i32 to vector<16xi32>
        %cumsum3A = arith.constant true
        %cumsum3A_210 = vector.broadcast %cumsum3A : i1 to vector<16xi1>
        %cumsum3A_211 = tpu.scan <sum>, %convert_element_type3A masked %cumsum3A_210 : vector<16xi32>, vector<16xi1> -> vector<16xi32>
        %add3A_212 = arith.addi %broadcast_in_dim3A_209, %cumsum3A_211 : vector<16xi32>
        %mul3A_213 = arith.constant 8 : i32
        %mul3A_214 = vector.broadcast %mul3A_213 : i32 to vector<16xi32>
        %mul3A_215 = arith.muli %get3A_200, %mul3A_214 : vector<16xi32>
        %add3A_216 = arith.addi %mul3A_215, %get3A_204 : vector<16xi32>
        tpu.vector_store_idx %arg11[%add3A_212], %add3A_216 masked %and3A_206 : memref<2048xi32, #tpu.memory_space<vmem>>[vector<16xi32>], vector<16xi32>, vector<16xi1>
        %mul3A_217 = arith.constant 8 : i32
        %mul3A_218 = vector.broadcast %mul3A_217 : i32 to vector<16xi32>
        %mul3A_219 = arith.muli %get3A_196, %mul3A_218 : vector<16xi32>
        %add3A_220 = arith.addi %mul3A_219, %get3A_204 : vector<16xi32>
        tpu.vector_store_idx %arg12[%add3A_212], %add3A_220 masked %and3A_206 : memref<2048xi32, #tpu.memory_space<vmem>>[vector<16xi32>], vector<16xi32>, vector<16xi1>
        %sub3A_221 = arith.subi %get3A_196, %broadcast_in_dim3A : vector<16xi32>
        tpu.vector_store_idx %arg13[%add3A_212], %sub3A_221 masked %and3A_206 : memref<2048xi32, #tpu.memory_space<vmem>>[vector<16xi32>], vector<16xi32>, vector<16xi1>
        %reduce_sum3A = arith.constant true
        %reduce_sum3A_222 = vector.broadcast %reduce_sum3A : i1 to vector<16xi1>
        %reduce_sum3A_223 = tpu.scan <sum>, %convert_element_type3A masked %reduce_sum3A_222 : vector<16xi32>, vector<16xi1> -> vector<16xi32>
        %reduce_sum3A_224 = vector.extract %reduce_sum3A_223[15] : i32 from vector<16xi32>
        %add3A_225 = arith.addi %scan3A_193, %reduce_sum3A_224 : i32
        scf.yield %add3A_225 : i32
      }
      %scan3A_79 = arith.constant 125 : i32
      %broadcast_in_dim3A_80 = vector.broadcast %scan3A_78 : i32 to vector<16xi32>
      %lt3A = arith.constant 1 : i32
      %lt3A_81 = vector.broadcast %lt3A : i32 to vector<16xi32>
      %lt3A_82 = arith.cmpi slt, %iota3A, %lt3A_81 : vector<16xi32>
      %mul3A_83 = arith.constant 8 : i32
      %mul3A_84 = arith.muli %add3A, %mul3A_83 : i32
      %broadcast_in_dim3A_85 = vector.broadcast %mul3A_84 : i32 to vector<16xi32>
      tpu.vector_store_idx %arg11[%broadcast_in_dim3A_80], %broadcast_in_dim3A_85 masked %lt3A_82 : memref<2048xi32, #tpu.memory_space<vmem>>[vector<16xi32>], vector<16xi32>, vector<16xi1>
      %mul3A_86 = arith.constant 8 : i32
      %mul3A_87 = arith.muli %add3A, %mul3A_86 : i32
      %broadcast_in_dim3A_88 = vector.broadcast %mul3A_87 : i32 to vector<16xi32>
      tpu.vector_store_idx %arg12[%broadcast_in_dim3A_80], %broadcast_in_dim3A_88 masked %lt3A_82 : memref<2048xi32, #tpu.memory_space<vmem>>[vector<16xi32>], vector<16xi32>, vector<16xi1>
      %broadcast_in_dim3A_89 = arith.constant 313 : i32
      %broadcast_in_dim3A_90 = vector.broadcast %broadcast_in_dim3A_89 : i32 to vector<16xi32>
      tpu.vector_store_idx %arg13[%broadcast_in_dim3A_80], %broadcast_in_dim3A_90 masked %lt3A_82 : memref<2048xi32, #tpu.memory_space<vmem>>[vector<16xi32>], vector<16xi32>, vector<16xi1>
      %and3A_91 = arith.constant 1 : i32
      %and3A_92 = arith.andi %scan3A_78, %and3A_91 : i32
      %add3A_93 = arith.addi %scan3A_78, %and3A_92 : i32
      %jit3A = arith.constant 2 : i32
      %div3A = arith.divsi %add3A_93, %jit3A : i32
      %sign3A = arith.constant 0 : i32
      %sign3A_94 = arith.cmpi sgt, %add3A_93, %sign3A : i32
      %sign3A_95 = arith.extui %sign3A_94 : i1 to i32
      %sign3A_96 = arith.constant 0 : i32
      %sign3A_97 = arith.cmpi slt, %add3A_93, %sign3A_96 : i32
      %sign3A_98 = arith.extui %sign3A_97 : i1 to i32
      %sign3A_99 = arith.subi %sign3A_95, %sign3A_98 : i32
      %sign3A_100 = arith.constant 0 : i32
      %sign3A_101 = arith.cmpi sgt, %jit3A, %sign3A_100 : i32
      %sign3A_102 = arith.extui %sign3A_101 : i1 to i32
      %sign3A_103 = arith.constant 0 : i32
      %sign3A_104 = arith.cmpi slt, %jit3A, %sign3A_103 : i32
      %sign3A_105 = arith.extui %sign3A_104 : i1 to i32
      %sign3A_106 = arith.subi %sign3A_102, %sign3A_105 : i32
      %ne3A = arith.cmpi ne, %sign3A_99, %sign3A_106 : i32
      %rem3A = arith.remsi %add3A_93, %jit3A : i32
      %ne3A_107 = arith.constant 0 : i32
      %ne3A_108 = arith.cmpi ne, %rem3A, %ne3A_107 : i32
      %and3A_109 = arith.andi %ne3A, %ne3A_108 : i1
      %sub3A_110 = arith.constant 1 : i32
      %sub3A_111 = arith.subi %div3A, %sub3A_110 : i32
      %select_n3A = arith.select %and3A_109, %sub3A_111, %div3A : i32
      %add3A_112 = arith.constant 512 : i32
      %add3A_113 = arith.addi %add3A_93, %add3A_112 : i32
      %sub3A_114 = arith.constant 1 : i32
      %sub3A_115 = arith.subi %add3A_113, %sub3A_114 : i32
      %jit3A_116 = arith.constant 512 : i32
      %div3A_117 = arith.divsi %sub3A_115, %jit3A_116 : i32
      %sign3A_118 = arith.constant 0 : i32
      %sign3A_119 = arith.cmpi sgt, %sub3A_115, %sign3A_118 : i32
      %sign3A_120 = arith.extui %sign3A_119 : i1 to i32
      %sign3A_121 = arith.constant 0 : i32
      %sign3A_122 = arith.cmpi slt, %sub3A_115, %sign3A_121 : i32
      %sign3A_123 = arith.extui %sign3A_122 : i1 to i32
      %sign3A_124 = arith.subi %sign3A_120, %sign3A_123 : i32
      %sign3A_125 = arith.constant 0 : i32
      %sign3A_126 = arith.cmpi sgt, %jit3A_116, %sign3A_125 : i32
      %sign3A_127 = arith.extui %sign3A_126 : i1 to i32
      %sign3A_128 = arith.constant 0 : i32
      %sign3A_129 = arith.cmpi slt, %jit3A_116, %sign3A_128 : i32
      %sign3A_130 = arith.extui %sign3A_129 : i1 to i32
      %sign3A_131 = arith.subi %sign3A_127, %sign3A_130 : i32
      %ne3A_132 = arith.cmpi ne, %sign3A_124, %sign3A_131 : i32
      %rem3A_133 = arith.remsi %sub3A_115, %jit3A_116 : i32
      %ne3A_134 = arith.constant 0 : i32
      %ne3A_135 = arith.cmpi ne, %rem3A_133, %ne3A_134 : i32
      %and3A_136 = arith.andi %ne3A_132, %ne3A_135 : i1
      %sub3A_137 = arith.constant 1 : i32
      %sub3A_138 = arith.subi %div3A_117, %sub3A_137 : i32
      %select_n3A_139 = arith.select %and3A_136, %sub3A_138, %div3A_117 : i32
      %while3A = arith.constant 0 : i32
      %while3A_140 = arith.constant 0 : i32
      %while3A_141 = arith.subi %select_n3A_139, %while3A : i32
      %while3A_142 = arith.addi %while3A, %while3A_141 : i32
      %while3A_143 = arith.constant 1 : i32
      %while3A_144 = arith.divsi %while3A_141, %while3A_143 : i32
      %while3A_145 = arith.muli %while3A_144, %while3A_143 : i32
      %while3A_146 = arith.addi %while3A, %while3A_145 : i32
      %while3A_147 = arith.constant 1 : i32
      %while3A_148 = scf.for %while3A_192 = %while3A to %while3A_146 step %while3A_147 iter_args(%while3A_193 = %while3A_140) -> (i32)  : i32 {
        %mul3A_194 = arith.constant 512 : i32
        %mul3A_195 = arith.muli %while3A_192, %mul3A_194 : i32
        %dma_start3A_196 = tpu.memref_slice %arg11[%mul3A_195] : memref<2048xi32, #tpu.memory_space<vmem>> -> memref<512xi32, #tpu.memory_space<vmem>>
        %dma_start3A_197 = arith.constant 0 : i32
        %dma_start3A_198 = arith.constant 0 : i32
        %dma_start3A_199 = tpu.memref_slice %arg3[%dma_start3A_197, %dma_start3A_198] : memref<80000x16xf32, #tpu.memory_space<hbm>> -> memref<80000x16xf32, #tpu.memory_space<hbm>>
        tpu.enqueue_indirect_dma source(%dma_start3A_199 : memref<80000x16xf32, #tpu.memory_space<hbm>>) target(%arg14 : memref<512x16xf32, #tpu.memory_space<vmem>>) offsets(%dma_start3A_196 : memref<512xi32, #tpu.memory_space<vmem>>) semaphore(%arg21 : memref<!tpu.dma_semaphore, #tpu.memory_space<semaphore_mem>>)
        %mul3A_200 = arith.constant 512 : i32
        %mul3A_201 = arith.muli %while3A_192, %mul3A_200 : i32
        %dma_start3A_202 = tpu.memref_slice %arg12[%mul3A_201] : memref<2048xi32, #tpu.memory_space<vmem>> -> memref<512xi32, #tpu.memory_space<vmem>>
        %dma_start3A_203 = arith.constant 0 : i32
        %dma_start3A_204 = arith.constant 0 : i32
        %dma_start3A_205 = tpu.memref_slice %arg3[%dma_start3A_203, %dma_start3A_204] : memref<80000x16xf32, #tpu.memory_space<hbm>> -> memref<80000x16xf32, #tpu.memory_space<hbm>>
        tpu.enqueue_indirect_dma source(%dma_start3A_205 : memref<80000x16xf32, #tpu.memory_space<hbm>>) target(%arg15 : memref<512x16xf32, #tpu.memory_space<vmem>>) offsets(%dma_start3A_202 : memref<512xi32, #tpu.memory_space<vmem>>) semaphore(%arg21 : memref<!tpu.dma_semaphore, #tpu.memory_space<semaphore_mem>>)
        %dma_wait3A_206 = tpu.memref_slice %arg11[%mul3A_195] : memref<2048xi32, #tpu.memory_space<vmem>> -> memref<512xi32, #tpu.memory_space<vmem>>
        %dma_wait3A_207 = arith.constant 0 : i32
        %dma_wait3A_208 = arith.constant 0 : i32
        %dma_wait3A_209 = tpu.memref_slice %arg3[%dma_wait3A_207, %dma_wait3A_208] : memref<80000x16xf32, #tpu.memory_space<hbm>> -> memref<80000x16xf32, #tpu.memory_space<hbm>>
        tpu.wait_indirect_dma semaphore(%arg21 : memref<!tpu.dma_semaphore, #tpu.memory_space<semaphore_mem>>) src(%dma_wait3A_209 : memref<80000x16xf32, #tpu.memory_space<hbm>>) dst(%arg14 : memref<512x16xf32, #tpu.memory_space<vmem>>)
        %dma_wait3A_210 = tpu.memref_slice %arg12[%mul3A_201] : memref<2048xi32, #tpu.memory_space<vmem>> -> memref<512xi32, #tpu.memory_space<vmem>>
        %dma_wait3A_211 = arith.constant 0 : i32
        %dma_wait3A_212 = arith.constant 0 : i32
        %dma_wait3A_213 = tpu.memref_slice %arg3[%dma_wait3A_211, %dma_wait3A_212] : memref<80000x16xf32, #tpu.memory_space<hbm>> -> memref<80000x16xf32, #tpu.memory_space<hbm>>
        tpu.wait_indirect_dma semaphore(%arg21 : memref<!tpu.dma_semaphore, #tpu.memory_space<semaphore_mem>>) src(%dma_wait3A_213 : memref<80000x16xf32, #tpu.memory_space<hbm>>) dst(%arg15 : memref<512x16xf32, #tpu.memory_space<vmem>>)
        %mul3A_214 = arith.constant 256 : i32
        %mul3A_215 = arith.muli %while3A_192, %mul3A_214 : i32
        %sub3A_216 = arith.subi %select_n3A, %mul3A_215 : i32
        %min3A = arith.constant 256 : i32
        %min3A_217 = arith.minsi %min3A, %sub3A_216 : i32
        %while3A_218 = arith.constant 0 : i32
        %while3A_219 = arith.constant 0 : i32
        %while3A_220 = arith.subi %min3A_217, %while3A_218 : i32
        %while3A_221 = arith.addi %while3A_218, %while3A_220 : i32
        %while3A_222 = arith.constant 1 : i32
        %while3A_223 = arith.divsi %while3A_220, %while3A_222 : i32
        %while3A_224 = arith.muli %while3A_223, %while3A_222 : i32
        %while3A_225 = arith.addi %while3A_218, %while3A_224 : i32
        %while3A_226 = arith.constant 1 : i32
        %while3A_227 = scf.for %while3A_231 = %while3A_218 to %while3A_225 step %while3A_226 iter_args(%while3A_232 = %while3A_219) -> (i32)  : i32 {
          %mul3A_233 = arith.constant 2 : i32
          %mul3A_234 = arith.muli %while3A_231, %mul3A_233 : i32
          %add3A_235 = vector.broadcast %mul3A_234 : i32 to vector<16xi32>
          %add3A_236 = arith.addi %add3A_235, %shift_right_arithmetic3A_6 : vector<16xi32>
          %add3A_237 = vector.broadcast %mul3A_234 : i32 to vector<16xi32>
          %add3A_238 = arith.addi %add3A_237, %sub3A_8 : vector<16xi32>
          %gather3A = tpu.vector_load_idx %arg14[%add3A_236, %and3A_4] : memref<512x16xf32, #tpu.memory_space<vmem>>[vector<16xi32>, vector<16xi32>], vector<16xf32>,
          %add3A_239 = arith.constant 8 : i32
          %add3A_240 = vector.broadcast %add3A_239 : i32 to vector<16xi32>
          %add3A_241 = arith.addi %and3A_4, %add3A_240 : vector<16xi32>
          %gather3A_242 = tpu.vector_load_idx %arg15[%add3A_236, %add3A_241] : memref<512x16xf32, #tpu.memory_space<vmem>>[vector<16xi32>, vector<16xi32>], vector<16xf32>,
          %add3A_243 = arith.addf %gather3A, %gather3A_242 : vector<16xf32>
          %mul3A_244 = arith.constant 0.00999999977 : f32
          %mul3A_245 = vector.broadcast %mul3A_244 : f32 to vector<16xf32>
          %mul3A_246 = arith.mulf %mul3A_245, %add3A_243 : vector<16xf32>
          %max3A = arith.maximumf %add3A_243, %mul3A_246 : vector<16xf32>
          %gather3A_247 = tpu.vector_load_idx %arg14[%add3A_238, %and3A_4] : memref<512x16xf32, #tpu.memory_space<vmem>>[vector<16xi32>, vector<16xi32>], vector<16xf32>,
          %add3A_248 = arith.constant 8 : i32
          %add3A_249 = vector.broadcast %add3A_248 : i32 to vector<16xi32>
          %add3A_250 = arith.addi %and3A_4, %add3A_249 : vector<16xi32>
          %gather3A_251 = tpu.vector_load_idx %arg15[%add3A_238, %add3A_250] : memref<512x16xf32, #tpu.memory_space<vmem>>[vector<16xi32>, vector<16xi32>], vector<16xf32>,
          %add3A_252 = arith.addf %gather3A_247, %gather3A_251 : vector<16xf32>
          %mul3A_253 = arith.constant 0.00999999977 : f32
          %mul3A_254 = vector.broadcast %mul3A_253 : f32 to vector<16xf32>
          %mul3A_255 = arith.mulf %mul3A_254, %add3A_252 : vector<16xf32>
          %max3A_256 = arith.maximumf %add3A_252, %mul3A_255 : vector<16xf32>
          %mul3A_257 = arith.constant 512 : i32
          %mul3A_258 = arith.muli %while3A_192, %mul3A_257 : i32
          %add3A_259 = arith.addi %mul3A_258, %mul3A_234 : i32
          %add3A_260 = vector.broadcast %add3A_259 : i32 to vector<16xi32>
          %add3A_261 = arith.addi %add3A_260, %shift_right_arithmetic3A_6 : vector<16xi32>
          %gather3A_262 = tpu.vector_load_idx %arg13[%add3A_261] : memref<2048xi32, #tpu.memory_space<vmem>>[vector<16xi32>], vector<16xi32>,
          %add3A_263 = vector.broadcast %add3A_259 : i32 to vector<16xi32>
          %add3A_264 = arith.addi %add3A_263, %sub3A_8 : vector<16xi32>
          %gather3A_265 = tpu.vector_load_idx %arg13[%add3A_264] : memref<2048xi32, #tpu.memory_space<vmem>>[vector<16xi32>], vector<16xi32>,
          %eq3A = arith.cmpi eq, %gather3A_262, %gather3A_265 : vector<16xi32>
          %mul3A_266 = arith.constant 8 : i32
          %mul3A_267 = vector.broadcast %mul3A_266 : i32 to vector<16xi32>
          %mul3A_268 = arith.muli %gather3A_262, %mul3A_267 : vector<16xi32>
          %add3A_269 = arith.addi %mul3A_268, %and3A_4 : vector<16xi32>
          %gather3A_270 = tpu.vector_load_idx %arg18[%add3A_269] : memref<2520xf32, #tpu.memory_space<vmem>>[vector<16xi32>], vector<16xf32>,
          %sub3A_271 = arith.subf %max3A, %gather3A_270 : vector<16xf32>
          %exp3A = math.exp %sub3A_271 : vector<16xf32>
          %sub3A_272 = arith.subf %max3A_256, %gather3A_270 : vector<16xf32>
          %exp3A_273 = math.exp %sub3A_272 : vector<16xf32>
          %add3A_274 = arith.addf %exp3A, %exp3A_273 : vector<16xf32>
          %select_n3A_275 = arith.select %eq3A, %add3A_274, %exp3A : vector<16xi1>, vector<16xf32>
          %gather3A_276 = tpu.vector_load_idx %arg19[%add3A_269] : memref<2520xf32, #tpu.memory_space<vmem>>[vector<16xi32>], vector<16xf32>,
          %add3A_277 = arith.addf %gather3A_276, %select_n3A_275 : vector<16xf32>
          tpu.vector_store_idx %arg19[%add3A_269], %add3A_277 : memref<2520xf32, #tpu.memory_space<vmem>>[vector<16xi32>], vector<16xf32>,
          %mul3A_278 = arith.constant 256 : i32
          %mul3A_279 = arith.muli %while3A_192, %mul3A_278 : i32
          %add3A_280 = arith.addi %mul3A_279, %while3A_231 : i32
          %mul3A_281 = arith.constant 16 : i32
          %mul3A_282 = arith.muli %add3A_280, %mul3A_281 : i32
          %swap3A = arith.index_cast %mul3A_282 : i32 to index
          %swap3A_283 = tpu.vector_load %arg16[%swap3A] {strides = array<i32>} : memref<16000xf32, #tpu.memory_space<vmem>>, vector<16xf32>,
          tpu.vector_store %arg16[%swap3A], %exp3A {strides = array<i32>} : memref<16000xf32, #tpu.memory_space<vmem>>, vector<16xf32>,
          %while3A_284 = arith.constant 0 : i32
          scf.yield %while3A_284 : i32
        }
        %while3A_228 = arith.constant 1 : i32
        %while3A_229 = scf.for %while3A_231 = %while3A_225 to %while3A_221 step %while3A_228 iter_args(%while3A_232 = %while3A_227) -> (i32)  : i32 {
          %mul3A_233 = arith.constant 2 : i32
          %mul3A_234 = arith.muli %while3A_231, %mul3A_233 : i32
          %add3A_235 = vector.broadcast %mul3A_234 : i32 to vector<16xi32>
          %add3A_236 = arith.addi %add3A_235, %shift_right_arithmetic3A_6 : vector<16xi32>
          %add3A_237 = vector.broadcast %mul3A_234 : i32 to vector<16xi32>
          %add3A_238 = arith.addi %add3A_237, %sub3A_8 : vector<16xi32>
          %gather3A = tpu.vector_load_idx %arg14[%add3A_236, %and3A_4] : memref<512x16xf32, #tpu.memory_space<vmem>>[vector<16xi32>, vector<16xi32>], vector<16xf32>,
          %add3A_239 = arith.constant 8 : i32
          %add3A_240 = vector.broadcast %add3A_239 : i32 to vector<16xi32>
          %add3A_241 = arith.addi %and3A_4, %add3A_240 : vector<16xi32>
          %gather3A_242 = tpu.vector_load_idx %arg15[%add3A_236, %add3A_241] : memref<512x16xf32, #tpu.memory_space<vmem>>[vector<16xi32>, vector<16xi32>], vector<16xf32>,
          %add3A_243 = arith.addf %gather3A, %gather3A_242 : vector<16xf32>
          %mul3A_244 = arith.constant 0.00999999977 : f32
          %mul3A_245 = vector.broadcast %mul3A_244 : f32 to vector<16xf32>
          %mul3A_246 = arith.mulf %mul3A_245, %add3A_243 : vector<16xf32>
          %max3A = arith.maximumf %add3A_243, %mul3A_246 : vector<16xf32>
          %gather3A_247 = tpu.vector_load_idx %arg14[%add3A_238, %and3A_4] : memref<512x16xf32, #tpu.memory_space<vmem>>[vector<16xi32>, vector<16xi32>], vector<16xf32>,
          %add3A_248 = arith.constant 8 : i32
          %add3A_249 = vector.broadcast %add3A_248 : i32 to vector<16xi32>
          %add3A_250 = arith.addi %and3A_4, %add3A_249 : vector<16xi32>
          %gather3A_251 = tpu.vector_load_idx %arg15[%add3A_238, %add3A_250] : memref<512x16xf32, #tpu.memory_space<vmem>>[vector<16xi32>, vector<16xi32>], vector<16xf32>,
          %add3A_252 = arith.addf %gather3A_247, %gather3A_251 : vector<16xf32>
          %mul3A_253 = arith.constant 0.00999999977 : f32
          %mul3A_254 = vector.broadcast %mul3A_253 : f32 to vector<16xf32>
          %mul3A_255 = arith.mulf %mul3A_254, %add3A_252 : vector<16xf32>
          %max3A_256 = arith.maximumf %add3A_252, %mul3A_255 : vector<16xf32>
          %mul3A_257 = arith.constant 512 : i32
          %mul3A_258 = arith.muli %while3A_192, %mul3A_257 : i32
          %add3A_259 = arith.addi %mul3A_258, %mul3A_234 : i32
          %add3A_260 = vector.broadcast %add3A_259 : i32 to vector<16xi32>
          %add3A_261 = arith.addi %add3A_260, %shift_right_arithmetic3A_6 : vector<16xi32>
          %gather3A_262 = tpu.vector_load_idx %arg13[%add3A_261] : memref<2048xi32, #tpu.memory_space<vmem>>[vector<16xi32>], vector<16xi32>,
          %add3A_263 = vector.broadcast %add3A_259 : i32 to vector<16xi32>
          %add3A_264 = arith.addi %add3A_263, %sub3A_8 : vector<16xi32>
          %gather3A_265 = tpu.vector_load_idx %arg13[%add3A_264] : memref<2048xi32, #tpu.memory_space<vmem>>[vector<16xi32>], vector<16xi32>,
          %eq3A = arith.cmpi eq, %gather3A_262, %gather3A_265 : vector<16xi32>
          %mul3A_266 = arith.constant 8 : i32
          %mul3A_267 = vector.broadcast %mul3A_266 : i32 to vector<16xi32>
          %mul3A_268 = arith.muli %gather3A_262, %mul3A_267 : vector<16xi32>
          %add3A_269 = arith.addi %mul3A_268, %and3A_4 : vector<16xi32>
          %gather3A_270 = tpu.vector_load_idx %arg18[%add3A_269] : memref<2520xf32, #tpu.memory_space<vmem>>[vector<16xi32>], vector<16xf32>,
          %sub3A_271 = arith.subf %max3A, %gather3A_270 : vector<16xf32>
          %exp3A = math.exp %sub3A_271 : vector<16xf32>
          %sub3A_272 = arith.subf %max3A_256, %gather3A_270 : vector<16xf32>
          %exp3A_273 = math.exp %sub3A_272 : vector<16xf32>
          %add3A_274 = arith.addf %exp3A, %exp3A_273 : vector<16xf32>
          %select_n3A_275 = arith.select %eq3A, %add3A_274, %exp3A : vector<16xi1>, vector<16xf32>
          %gather3A_276 = tpu.vector_load_idx %arg19[%add3A_269] : memref<2520xf32, #tpu.memory_space<vmem>>[vector<16xi32>], vector<16xf32>,
          %add3A_277 = arith.addf %gather3A_276, %select_n3A_275 : vector<16xf32>
          tpu.vector_store_idx %arg19[%add3A_269], %add3A_277 : memref<2520xf32, #tpu.memory_space<vmem>>[vector<16xi32>], vector<16xf32>,
          %mul3A_278 = arith.constant 256 : i32
          %mul3A_279 = arith.muli %while3A_192, %mul3A_278 : i32
          %add3A_280 = arith.addi %mul3A_279, %while3A_231 : i32
          %mul3A_281 = arith.constant 16 : i32
          %mul3A_282 = arith.muli %add3A_280, %mul3A_281 : i32
          %swap3A = arith.index_cast %mul3A_282 : i32 to index
          %swap3A_283 = tpu.vector_load %arg16[%swap3A] {strides = array<i32>} : memref<16000xf32, #tpu.memory_space<vmem>>, vector<16xf32>,
          tpu.vector_store %arg16[%swap3A], %exp3A {strides = array<i32>} : memref<16000xf32, #tpu.memory_space<vmem>>, vector<16xf32>,
          %while3A_284 = arith.constant 0 : i32
          scf.yield %while3A_284 : i32
        }
        %while3A_230 = arith.constant 0 : i32
        scf.yield %while3A_230 : i32
      }
      %while3A_149 = arith.constant 1 : i32
      %while3A_150 = scf.for %while3A_192 = %while3A_146 to %while3A_142 step %while3A_149 iter_args(%while3A_193 = %while3A_148) -> (i32)  : i32 {
        %mul3A_194 = arith.constant 512 : i32
        %mul3A_195 = arith.muli %while3A_192, %mul3A_194 : i32
        %dma_start3A_196 = tpu.memref_slice %arg11[%mul3A_195] : memref<2048xi32, #tpu.memory_space<vmem>> -> memref<512xi32, #tpu.memory_space<vmem>>
        %dma_start3A_197 = arith.constant 0 : i32
        %dma_start3A_198 = arith.constant 0 : i32
        %dma_start3A_199 = tpu.memref_slice %arg3[%dma_start3A_197, %dma_start3A_198] : memref<80000x16xf32, #tpu.memory_space<hbm>> -> memref<80000x16xf32, #tpu.memory_space<hbm>>
        tpu.enqueue_indirect_dma source(%dma_start3A_199 : memref<80000x16xf32, #tpu.memory_space<hbm>>) target(%arg14 : memref<512x16xf32, #tpu.memory_space<vmem>>) offsets(%dma_start3A_196 : memref<512xi32, #tpu.memory_space<vmem>>) semaphore(%arg21 : memref<!tpu.dma_semaphore, #tpu.memory_space<semaphore_mem>>)
        %mul3A_200 = arith.constant 512 : i32
        %mul3A_201 = arith.muli %while3A_192, %mul3A_200 : i32
        %dma_start3A_202 = tpu.memref_slice %arg12[%mul3A_201] : memref<2048xi32, #tpu.memory_space<vmem>> -> memref<512xi32, #tpu.memory_space<vmem>>
        %dma_start3A_203 = arith.constant 0 : i32
        %dma_start3A_204 = arith.constant 0 : i32
        %dma_start3A_205 = tpu.memref_slice %arg3[%dma_start3A_203, %dma_start3A_204] : memref<80000x16xf32, #tpu.memory_space<hbm>> -> memref<80000x16xf32, #tpu.memory_space<hbm>>
        tpu.enqueue_indirect_dma source(%dma_start3A_205 : memref<80000x16xf32, #tpu.memory_space<hbm>>) target(%arg15 : memref<512x16xf32, #tpu.memory_space<vmem>>) offsets(%dma_start3A_202 : memref<512xi32, #tpu.memory_space<vmem>>) semaphore(%arg21 : memref<!tpu.dma_semaphore, #tpu.memory_space<semaphore_mem>>)
        %dma_wait3A_206 = tpu.memref_slice %arg11[%mul3A_195] : memref<2048xi32, #tpu.memory_space<vmem>> -> memref<512xi32, #tpu.memory_space<vmem>>
        %dma_wait3A_207 = arith.constant 0 : i32
        %dma_wait3A_208 = arith.constant 0 : i32
        %dma_wait3A_209 = tpu.memref_slice %arg3[%dma_wait3A_207, %dma_wait3A_208] : memref<80000x16xf32, #tpu.memory_space<hbm>> -> memref<80000x16xf32, #tpu.memory_space<hbm>>
        tpu.wait_indirect_dma semaphore(%arg21 : memref<!tpu.dma_semaphore, #tpu.memory_space<semaphore_mem>>) src(%dma_wait3A_209 : memref<80000x16xf32, #tpu.memory_space<hbm>>) dst(%arg14 : memref<512x16xf32, #tpu.memory_space<vmem>>)
        %dma_wait3A_210 = tpu.memref_slice %arg12[%mul3A_201] : memref<2048xi32, #tpu.memory_space<vmem>> -> memref<512xi32, #tpu.memory_space<vmem>>
        %dma_wait3A_211 = arith.constant 0 : i32
        %dma_wait3A_212 = arith.constant 0 : i32
        %dma_wait3A_213 = tpu.memref_slice %arg3[%dma_wait3A_211, %dma_wait3A_212] : memref<80000x16xf32, #tpu.memory_space<hbm>> -> memref<80000x16xf32, #tpu.memory_space<hbm>>
        tpu.wait_indirect_dma semaphore(%arg21 : memref<!tpu.dma_semaphore, #tpu.memory_space<semaphore_mem>>) src(%dma_wait3A_213 : memref<80000x16xf32, #tpu.memory_space<hbm>>) dst(%arg15 : memref<512x16xf32, #tpu.memory_space<vmem>>)
        %mul3A_214 = arith.constant 256 : i32
        %mul3A_215 = arith.muli %while3A_192, %mul3A_214 : i32
        %sub3A_216 = arith.subi %select_n3A, %mul3A_215 : i32
        %min3A = arith.constant 256 : i32
        %min3A_217 = arith.minsi %min3A, %sub3A_216 : i32
        %while3A_218 = arith.constant 0 : i32
        %while3A_219 = arith.constant 0 : i32
        %while3A_220 = arith.subi %min3A_217, %while3A_218 : i32
        %while3A_221 = arith.addi %while3A_218, %while3A_220 : i32
        %while3A_222 = arith.constant 1 : i32
        %while3A_223 = arith.divsi %while3A_220, %while3A_222 : i32
        %while3A_224 = arith.muli %while3A_223, %while3A_222 : i32
        %while3A_225 = arith.addi %while3A_218, %while3A_224 : i32
        %while3A_226 = arith.constant 1 : i32
        %while3A_227 = scf.for %while3A_231 = %while3A_218 to %while3A_225 step %while3A_226 iter_args(%while3A_232 = %while3A_219) -> (i32)  : i32 {
          %mul3A_233 = arith.constant 2 : i32
          %mul3A_234 = arith.muli %while3A_231, %mul3A_233 : i32
          %add3A_235 = vector.broadcast %mul3A_234 : i32 to vector<16xi32>
          %add3A_236 = arith.addi %add3A_235, %shift_right_arithmetic3A_6 : vector<16xi32>
          %add3A_237 = vector.broadcast %mul3A_234 : i32 to vector<16xi32>
          %add3A_238 = arith.addi %add3A_237, %sub3A_8 : vector<16xi32>
          %gather3A = tpu.vector_load_idx %arg14[%add3A_236, %and3A_4] : memref<512x16xf32, #tpu.memory_space<vmem>>[vector<16xi32>, vector<16xi32>], vector<16xf32>,
          %add3A_239 = arith.constant 8 : i32
          %add3A_240 = vector.broadcast %add3A_239 : i32 to vector<16xi32>
          %add3A_241 = arith.addi %and3A_4, %add3A_240 : vector<16xi32>
          %gather3A_242 = tpu.vector_load_idx %arg15[%add3A_236, %add3A_241] : memref<512x16xf32, #tpu.memory_space<vmem>>[vector<16xi32>, vector<16xi32>], vector<16xf32>,
          %add3A_243 = arith.addf %gather3A, %gather3A_242 : vector<16xf32>
          %mul3A_244 = arith.constant 0.00999999977 : f32
          %mul3A_245 = vector.broadcast %mul3A_244 : f32 to vector<16xf32>
          %mul3A_246 = arith.mulf %mul3A_245, %add3A_243 : vector<16xf32>
          %max3A = arith.maximumf %add3A_243, %mul3A_246 : vector<16xf32>
          %gather3A_247 = tpu.vector_load_idx %arg14[%add3A_238, %and3A_4] : memref<512x16xf32, #tpu.memory_space<vmem>>[vector<16xi32>, vector<16xi32>], vector<16xf32>,
          %add3A_248 = arith.constant 8 : i32
          %add3A_249 = vector.broadcast %add3A_248 : i32 to vector<16xi32>
          %add3A_250 = arith.addi %and3A_4, %add3A_249 : vector<16xi32>
          %gather3A_251 = tpu.vector_load_idx %arg15[%add3A_238, %add3A_250] : memref<512x16xf32, #tpu.memory_space<vmem>>[vector<16xi32>, vector<16xi32>], vector<16xf32>,
          %add3A_252 = arith.addf %gather3A_247, %gather3A_251 : vector<16xf32>
          %mul3A_253 = arith.constant 0.00999999977 : f32
          %mul3A_254 = vector.broadcast %mul3A_253 : f32 to vector<16xf32>
          %mul3A_255 = arith.mulf %mul3A_254, %add3A_252 : vector<16xf32>
          %max3A_256 = arith.maximumf %add3A_252, %mul3A_255 : vector<16xf32>
          %mul3A_257 = arith.constant 512 : i32
          %mul3A_258 = arith.muli %while3A_192, %mul3A_257 : i32
          %add3A_259 = arith.addi %mul3A_258, %mul3A_234 : i32
          %add3A_260 = vector.broadcast %add3A_259 : i32 to vector<16xi32>
          %add3A_261 = arith.addi %add3A_260, %shift_right_arithmetic3A_6 : vector<16xi32>
          %gather3A_262 = tpu.vector_load_idx %arg13[%add3A_261] : memref<2048xi32, #tpu.memory_space<vmem>>[vector<16xi32>], vector<16xi32>,
          %add3A_263 = vector.broadcast %add3A_259 : i32 to vector<16xi32>
          %add3A_264 = arith.addi %add3A_263, %sub3A_8 : vector<16xi32>
          %gather3A_265 = tpu.vector_load_idx %arg13[%add3A_264] : memref<2048xi32, #tpu.memory_space<vmem>>[vector<16xi32>], vector<16xi32>,
          %eq3A = arith.cmpi eq, %gather3A_262, %gather3A_265 : vector<16xi32>
          %mul3A_266 = arith.constant 8 : i32
          %mul3A_267 = vector.broadcast %mul3A_266 : i32 to vector<16xi32>
          %mul3A_268 = arith.muli %gather3A_262, %mul3A_267 : vector<16xi32>
          %add3A_269 = arith.addi %mul3A_268, %and3A_4 : vector<16xi32>
          %gather3A_270 = tpu.vector_load_idx %arg18[%add3A_269] : memref<2520xf32, #tpu.memory_space<vmem>>[vector<16xi32>], vector<16xf32>,
          %sub3A_271 = arith.subf %max3A, %gather3A_270 : vector<16xf32>
          %exp3A = math.exp %sub3A_271 : vector<16xf32>
          %sub3A_272 = arith.subf %max3A_256, %gather3A_270 : vector<16xf32>
          %exp3A_273 = math.exp %sub3A_272 : vector<16xf32>
          %add3A_274 = arith.addf %exp3A, %exp3A_273 : vector<16xf32>
          %select_n3A_275 = arith.select %eq3A, %add3A_274, %exp3A : vector<16xi1>, vector<16xf32>
          %gather3A_276 = tpu.vector_load_idx %arg19[%add3A_269] : memref<2520xf32, #tpu.memory_space<vmem>>[vector<16xi32>], vector<16xf32>,
          %add3A_277 = arith.addf %gather3A_276, %select_n3A_275 : vector<16xf32>
          tpu.vector_store_idx %arg19[%add3A_269], %add3A_277 : memref<2520xf32, #tpu.memory_space<vmem>>[vector<16xi32>], vector<16xf32>,
          %mul3A_278 = arith.constant 256 : i32
          %mul3A_279 = arith.muli %while3A_192, %mul3A_278 : i32
          %add3A_280 = arith.addi %mul3A_279, %while3A_231 : i32
          %mul3A_281 = arith.constant 16 : i32
          %mul3A_282 = arith.muli %add3A_280, %mul3A_281 : i32
          %swap3A = arith.index_cast %mul3A_282 : i32 to index
          %swap3A_283 = tpu.vector_load %arg16[%swap3A] {strides = array<i32>} : memref<16000xf32, #tpu.memory_space<vmem>>, vector<16xf32>,
          tpu.vector_store %arg16[%swap3A], %exp3A {strides = array<i32>} : memref<16000xf32, #tpu.memory_space<vmem>>, vector<16xf32>,
          %while3A_284 = arith.constant 0 : i32
          scf.yield %while3A_284 : i32
        }
        %while3A_228 = arith.constant 1 : i32
        %while3A_229 = scf.for %while3A_231 = %while3A_225 to %while3A_221 step %while3A_228 iter_args(%while3A_232 = %while3A_227) -> (i32)  : i32 {
          %mul3A_233 = arith.constant 2 : i32
          %mul3A_234 = arith.muli %while3A_231, %mul3A_233 : i32
          %add3A_235 = vector.broadcast %mul3A_234 : i32 to vector<16xi32>
          %add3A_236 = arith.addi %add3A_235, %shift_right_arithmetic3A_6 : vector<16xi32>
          %add3A_237 = vector.broadcast %mul3A_234 : i32 to vector<16xi32>
          %add3A_238 = arith.addi %add3A_237, %sub3A_8 : vector<16xi32>
          %gather3A = tpu.vector_load_idx %arg14[%add3A_236, %and3A_4] : memref<512x16xf32, #tpu.memory_space<vmem>>[vector<16xi32>, vector<16xi32>], vector<16xf32>,
          %add3A_239 = arith.constant 8 : i32
          %add3A_240 = vector.broadcast %add3A_239 : i32 to vector<16xi32>
          %add3A_241 = arith.addi %and3A_4, %add3A_240 : vector<16xi32>
          %gather3A_242 = tpu.vector_load_idx %arg15[%add3A_236, %add3A_241] : memref<512x16xf32, #tpu.memory_space<vmem>>[vector<16xi32>, vector<16xi32>], vector<16xf32>,
          %add3A_243 = arith.addf %gather3A, %gather3A_242 : vector<16xf32>
          %mul3A_244 = arith.constant 0.00999999977 : f32
          %mul3A_245 = vector.broadcast %mul3A_244 : f32 to vector<16xf32>
          %mul3A_246 = arith.mulf %mul3A_245, %add3A_243 : vector<16xf32>
          %max3A = arith.maximumf %add3A_243, %mul3A_246 : vector<16xf32>
          %gather3A_247 = tpu.vector_load_idx %arg14[%add3A_238, %and3A_4] : memref<512x16xf32, #tpu.memory_space<vmem>>[vector<16xi32>, vector<16xi32>], vector<16xf32>,
          %add3A_248 = arith.constant 8 : i32
          %add3A_249 = vector.broadcast %add3A_248 : i32 to vector<16xi32>
          %add3A_250 = arith.addi %and3A_4, %add3A_249 : vector<16xi32>
          %gather3A_251 = tpu.vector_load_idx %arg15[%add3A_238, %add3A_250] : memref<512x16xf32, #tpu.memory_space<vmem>>[vector<16xi32>, vector<16xi32>], vector<16xf32>,
          %add3A_252 = arith.addf %gather3A_247, %gather3A_251 : vector<16xf32>
          %mul3A_253 = arith.constant 0.00999999977 : f32
          %mul3A_254 = vector.broadcast %mul3A_253 : f32 to vector<16xf32>
          %mul3A_255 = arith.mulf %mul3A_254, %add3A_252 : vector<16xf32>
          %max3A_256 = arith.maximumf %add3A_252, %mul3A_255 : vector<16xf32>
          %mul3A_257 = arith.constant 512 : i32
          %mul3A_258 = arith.muli %while3A_192, %mul3A_257 : i32
          %add3A_259 = arith.addi %mul3A_258, %mul3A_234 : i32
          %add3A_260 = vector.broadcast %add3A_259 : i32 to vector<16xi32>
          %add3A_261 = arith.addi %add3A_260, %shift_right_arithmetic3A_6 : vector<16xi32>
          %gather3A_262 = tpu.vector_load_idx %arg13[%add3A_261] : memref<2048xi32, #tpu.memory_space<vmem>>[vector<16xi32>], vector<16xi32>,
          %add3A_263 = vector.broadcast %add3A_259 : i32 to vector<16xi32>
          %add3A_264 = arith.addi %add3A_263, %sub3A_8 : vector<16xi32>
          %gather3A_265 = tpu.vector_load_idx %arg13[%add3A_264] : memref<2048xi32, #tpu.memory_space<vmem>>[vector<16xi32>], vector<16xi32>,
          %eq3A = arith.cmpi eq, %gather3A_262, %gather3A_265 : vector<16xi32>
          %mul3A_266 = arith.constant 8 : i32
          %mul3A_267 = vector.broadcast %mul3A_266 : i32 to vector<16xi32>
          %mul3A_268 = arith.muli %gather3A_262, %mul3A_267 : vector<16xi32>
          %add3A_269 = arith.addi %mul3A_268, %and3A_4 : vector<16xi32>
          %gather3A_270 = tpu.vector_load_idx %arg18[%add3A_269] : memref<2520xf32, #tpu.memory_space<vmem>>[vector<16xi32>], vector<16xf32>,
          %sub3A_271 = arith.subf %max3A, %gather3A_270 : vector<16xf32>
          %exp3A = math.exp %sub3A_271 : vector<16xf32>
          %sub3A_272 = arith.subf %max3A_256, %gather3A_270 : vector<16xf32>
          %exp3A_273 = math.exp %sub3A_272 : vector<16xf32>
          %add3A_274 = arith.addf %exp3A, %exp3A_273 : vector<16xf32>
          %select_n3A_275 = arith.select %eq3A, %add3A_274, %exp3A : vector<16xi1>, vector<16xf32>
          %gather3A_276 = tpu.vector_load_idx %arg19[%add3A_269] : memref<2520xf32, #tpu.memory_space<vmem>>[vector<16xi32>], vector<16xf32>,
          %add3A_277 = arith.addf %gather3A_276, %select_n3A_275 : vector<16xf32>
          tpu.vector_store_idx %arg19[%add3A_269], %add3A_277 : memref<2520xf32, #tpu.memory_space<vmem>>[vector<16xi32>], vector<16xf32>,
          %mul3A_278 = arith.constant 256 : i32
          %mul3A_279 = arith.muli %while3A_192, %mul3A_278 : i32
          %add3A_280 = arith.addi %mul3A_279, %while3A_231 : i32
          %mul3A_281 = arith.constant 16 : i32
          %mul3A_282 = arith.muli %add3A_280, %mul3A_281 : i32
          %swap3A = arith.index_cast %mul3A_282 : i32 to index
          %swap3A_283 = tpu.vector_load %arg16[%swap3A] {strides = array<i32>} : memref<16000xf32, #tpu.memory_space<vmem>>, vector<16xf32>,
          tpu.vector_store %arg16[%swap3A], %exp3A {strides = array<i32>} : memref<16000xf32, #tpu.memory_space<vmem>>, vector<16xf32>,
          %while3A_284 = arith.constant 0 : i32
          scf.yield %while3A_284 : i32
        }
        %while3A_230 = arith.constant 0 : i32
        scf.yield %while3A_230 : i32
      }
      %add3A_151 = arith.constant 128 : i32
      %add3A_152 = arith.addi %add3A_93, %add3A_151 : i32
      %sub3A_153 = arith.constant 1 : i32
      %sub3A_154 = arith.subi %add3A_152, %sub3A_153 : i32
      %jit3A_155 = arith.constant 128 : i32
      %div3A_156 = arith.divsi %sub3A_154, %jit3A_155 : i32
      %sign3A_157 = arith.constant 0 : i32
      %sign3A_158 = arith.cmpi sgt, %sub3A_154, %sign3A_157 : i32
      %sign3A_159 = arith.extui %sign3A_158 : i1 to i32
      %sign3A_160 = arith.constant 0 : i32
      %sign3A_161 = arith.cmpi slt, %sub3A_154, %sign3A_160 : i32
      %sign3A_162 = arith.extui %sign3A_161 : i1 to i32
      %sign3A_163 = arith.subi %sign3A_159, %sign3A_162 : i32
      %sign3A_164 = arith.constant 0 : i32
      %sign3A_165 = arith.cmpi sgt, %jit3A_155, %sign3A_164 : i32
      %sign3A_166 = arith.extui %sign3A_165 : i1 to i32
      %sign3A_167 = arith.constant 0 : i32
      %sign3A_168 = arith.cmpi slt, %jit3A_155, %sign3A_167 : i32
      %sign3A_169 = arith.extui %sign3A_168 : i1 to i32
      %sign3A_170 = arith.subi %sign3A_166, %sign3A_169 : i32
      %ne3A_171 = arith.cmpi ne, %sign3A_163, %sign3A_170 : i32
      %rem3A_172 = arith.remsi %sub3A_154, %jit3A_155 : i32
      %ne3A_173 = arith.constant 0 : i32
      %ne3A_174 = arith.cmpi ne, %rem3A_172, %ne3A_173 : i32
      %and3A_175 = arith.andi %ne3A_171, %ne3A_174 : i1
      %sub3A_176 = arith.constant 1 : i32
      %sub3A_177 = arith.subi %div3A_156, %sub3A_176 : i32
      %select_n3A_178 = arith.select %and3A_175, %sub3A_177, %div3A_156 : i32
      %while3A_179 = arith.constant 0 : i32
      %while3A_180 = arith.constant 0 : i32
      %while3A_181 = arith.subi %select_n3A_178, %while3A_179 : i32
      %while3A_182 = arith.addi %while3A_179, %while3A_181 : i32
      %while3A_183 = arith.constant 1 : i32
      %while3A_184 = arith.divsi %while3A_181, %while3A_183 : i32
      %while3A_185 = arith.muli %while3A_184, %while3A_183 : i32
      %while3A_186 = arith.addi %while3A_179, %while3A_185 : i32
      %while3A_187 = arith.constant 1 : i32
      %while3A_188 = scf.for %while3A_192 = %while3A_179 to %while3A_186 step %while3A_187 iter_args(%while3A_193 = %while3A_180) -> (i32)  : i32 {
        %mul3A_194 = arith.constant 128 : i32
        %mul3A_195 = arith.muli %while3A_192, %mul3A_194 : i32
        %dma_start3A_196 = tpu.memref_slice %arg11[%mul3A_195] : memref<2048xi32, #tpu.memory_space<vmem>> -> memref<128xi32, #tpu.memory_space<vmem>>
        %dma_start3A_197 = arith.constant 0 : i32
        %dma_start3A_198 = arith.constant 0 : i32
        %dma_start3A_199 = tpu.memref_slice %arg2[%dma_start3A_197, %dma_start3A_198] : memref<80000x128xf32, #tpu.memory_space<hbm>> -> memref<80000x128xf32, #tpu.memory_space<hbm>>
        tpu.enqueue_indirect_dma source(%dma_start3A_199 : memref<80000x128xf32, #tpu.memory_space<hbm>>) target(%arg17 : memref<128x128xf32, #tpu.memory_space<vmem>>) offsets(%dma_start3A_196 : memref<128xi32, #tpu.memory_space<vmem>>) semaphore(%arg21 : memref<!tpu.dma_semaphore, #tpu.memory_space<semaphore_mem>>)
        %dma_wait3A_200 = tpu.memref_slice %arg11[%mul3A_195] : memref<2048xi32, #tpu.memory_space<vmem>> -> memref<128xi32, #tpu.memory_space<vmem>>
        %dma_wait3A_201 = arith.constant 0 : i32
        %dma_wait3A_202 = arith.constant 0 : i32
        %dma_wait3A_203 = tpu.memref_slice %arg2[%dma_wait3A_201, %dma_wait3A_202] : memref<80000x128xf32, #tpu.memory_space<hbm>> -> memref<80000x128xf32, #tpu.memory_space<hbm>>
        tpu.wait_indirect_dma semaphore(%arg21 : memref<!tpu.dma_semaphore, #tpu.memory_space<semaphore_mem>>) src(%dma_wait3A_203 : memref<80000x128xf32, #tpu.memory_space<hbm>>) dst(%arg17 : memref<128x128xf32, #tpu.memory_space<vmem>>)
        %mul3A_204 = arith.constant 128 : i32
        %mul3A_205 = arith.muli %while3A_192, %mul3A_204 : i32
        %sub3A_206 = arith.subi %add3A_93, %mul3A_205 : i32
        %min3A = arith.constant 128 : i32
        %min3A_207 = arith.minsi %min3A, %sub3A_206 : i32
        %while3A_208 = arith.constant 0 : i32
        %while3A_209 = arith.constant 0 : i32
        %while3A_210 = arith.subi %min3A_207, %while3A_208 : i32
        %while3A_211 = arith.addi %while3A_208, %while3A_210 : i32
        %while3A_212 = arith.constant 1 : i32
        %while3A_213 = arith.divsi %while3A_210, %while3A_212 : i32
        %while3A_214 = arith.muli %while3A_213, %while3A_212 : i32
        %while3A_215 = arith.addi %while3A_208, %while3A_214 : i32
        %while3A_216 = arith.constant 1 : i32
        %while3A_217 = scf.for %while3A_221 = %while3A_208 to %while3A_215 step %while3A_216 iter_args(%while3A_222 = %while3A_209) -> (i32)  : i32 {
          %mul3A_223 = arith.constant 128 : i32
          %mul3A_224 = arith.muli %while3A_192, %mul3A_223 : i32
          %add3A_225 = arith.addi %mul3A_224, %while3A_221 : i32
          %broadcast_in_dim3A_226 = vector.broadcast %add3A_225 : i32 to vector<16xi32>
          %gather3A = tpu.vector_load_idx %arg13[%broadcast_in_dim3A_226] : memref<2048xi32, #tpu.memory_space<vmem>>[vector<16xi32>], vector<16xi32>,
          %broadcast_in_dim3A_227 = vector.broadcast %while3A_221 : i32 to vector<16xi32>
          %mul3A_228 = arith.constant 128 : i32
          %mul3A_229 = vector.broadcast %mul3A_228 : i32 to vector<16xi32>
          %mul3A_230 = arith.muli %gather3A, %mul3A_229 : vector<16xi32>
          %add3A_231 = arith.addi %mul3A_230, %iota3A : vector<16xi32>
          %mul3A_232 = arith.constant 8 : i32
          %mul3A_233 = arith.muli %add3A_225, %mul3A_232 : i32
          %add3A_234 = arith.constant 0 : i32
          %add3A_235 = arith.addi %mul3A_233, %add3A_234 : i32
          %broadcast_in_dim3A_236 = vector.broadcast %add3A_235 : i32 to vector<16xi32>
          %gather3A_237 = tpu.vector_load_idx %arg16[%broadcast_in_dim3A_236] : memref<16000xf32, #tpu.memory_space<vmem>>[vector<16xi32>], vector<16xf32>,
          %add3A_238 = arith.constant 0 : i32
          %add3A_239 = vector.broadcast %add3A_238 : i32 to vector<16xi32>
          %add3A_240 = arith.addi %add3A_239, %iota3A : vector<16xi32>
          %gather3A_241 = tpu.vector_load_idx %arg17[%broadcast_in_dim3A_227, %add3A_240] : memref<128x128xf32, #tpu.memory_space<vmem>>[vector<16xi32>, vector<16xi32>], vector<16xf32>,
          %add3A_242 = arith.constant 0 : i32
          %add3A_243 = vector.broadcast %add3A_242 : i32 to vector<16xi32>
          %add3A_244 = arith.addi %add3A_231, %add3A_243 : vector<16xi32>
          %gather3A_245 = tpu.vector_load_idx %arg20[%add3A_244] : memref<40192xf32, #tpu.memory_space<vmem>>[vector<16xi32>], vector<16xf32>,
          %mul3A_246 = arith.mulf %gather3A_237, %gather3A_241 : vector<16xf32>
          %add3A_247 = arith.addf %gather3A_245, %mul3A_246 : vector<16xf32>
          tpu.vector_store_idx %arg20[%add3A_244], %add3A_247 : memref<40192xf32, #tpu.memory_space<vmem>>[vector<16xi32>], vector<16xf32>,
          %mul3A_248 = arith.constant 8 : i32
          %mul3A_249 = arith.muli %add3A_225, %mul3A_248 : i32
          %add3A_250 = arith.constant 1 : i32
          %add3A_251 = arith.addi %mul3A_249, %add3A_250 : i32
          %broadcast_in_dim3A_252 = vector.broadcast %add3A_251 : i32 to vector<16xi32>
          %gather3A_253 = tpu.vector_load_idx %arg16[%broadcast_in_dim3A_252] : memref<16000xf32, #tpu.memory_space<vmem>>[vector<16xi32>], vector<16xf32>,
          %add3A_254 = arith.constant 16 : i32
          %add3A_255 = vector.broadcast %add3A_254 : i32 to vector<16xi32>
          %add3A_256 = arith.addi %add3A_255, %iota3A : vector<16xi32>
          %gather3A_257 = tpu.vector_load_idx %arg17[%broadcast_in_dim3A_227, %add3A_256] : memref<128x128xf32, #tpu.memory_space<vmem>>[vector<16xi32>, vector<16xi32>], vector<16xf32>,
          %add3A_258 = arith.constant 16 : i32
          %add3A_259 = vector.broadcast %add3A_258 : i32 to vector<16xi32>
          %add3A_260 = arith.addi %add3A_231, %add3A_259 : vector<16xi32>
          %gather3A_261 = tpu.vector_load_idx %arg20[%add3A_260] : memref<40192xf32, #tpu.memory_space<vmem>>[vector<16xi32>], vector<16xf32>,
          %mul3A_262 = arith.mulf %gather3A_253, %gather3A_257 : vector<16xf32>
          %add3A_263 = arith.addf %gather3A_261, %mul3A_262 : vector<16xf32>
          tpu.vector_store_idx %arg20[%add3A_260], %add3A_263 : memref<40192xf32, #tpu.memory_space<vmem>>[vector<16xi32>], vector<16xf32>,
          %mul3A_264 = arith.constant 8 : i32
          %mul3A_265 = arith.muli %add3A_225, %mul3A_264 : i32
          %add3A_266 = arith.constant 2 : i32
          %add3A_267 = arith.addi %mul3A_265, %add3A_266 : i32
          %broadcast_in_dim3A_268 = vector.broadcast %add3A_267 : i32 to vector<16xi32>
          %gather3A_269 = tpu.vector_load_idx %arg16[%broadcast_in_dim3A_268] : memref<16000xf32, #tpu.memory_space<vmem>>[vector<16xi32>], vector<16xf32>,
          %add3A_270 = arith.constant 32 : i32
          %add3A_271 = vector.broadcast %add3A_270 : i32 to vector<16xi32>
          %add3A_272 = arith.addi %add3A_271, %iota3A : vector<16xi32>
          %gather3A_273 = tpu.vector_load_idx %arg17[%broadcast_in_dim3A_227, %add3A_272] : memref<128x128xf32, #tpu.memory_space<vmem>>[vector<16xi32>, vector<16xi32>], vector<16xf32>,
          %add3A_274 = arith.constant 32 : i32
          %add3A_275 = vector.broadcast %add3A_274 : i32 to vector<16xi32>
          %add3A_276 = arith.addi %add3A_231, %add3A_275 : vector<16xi32>
          %gather3A_277 = tpu.vector_load_idx %arg20[%add3A_276] : memref<40192xf32, #tpu.memory_space<vmem>>[vector<16xi32>], vector<16xf32>,
          %mul3A_278 = arith.mulf %gather3A_269, %gather3A_273 : vector<16xf32>
          %add3A_279 = arith.addf %gather3A_277, %mul3A_278 : vector<16xf32>
          tpu.vector_store_idx %arg20[%add3A_276], %add3A_279 : memref<40192xf32, #tpu.memory_space<vmem>>[vector<16xi32>], vector<16xf32>,
          %mul3A_280 = arith.constant 8 : i32
          %mul3A_281 = arith.muli %add3A_225, %mul3A_280 : i32
          %add3A_282 = arith.constant 3 : i32
          %add3A_283 = arith.addi %mul3A_281, %add3A_282 : i32
          %broadcast_in_dim3A_284 = vector.broadcast %add3A_283 : i32 to vector<16xi32>
          %gather3A_285 = tpu.vector_load_idx %arg16[%broadcast_in_dim3A_284] : memref<16000xf32, #tpu.memory_space<vmem>>[vector<16xi32>], vector<16xf32>,
          %add3A_286 = arith.constant 48 : i32
          %add3A_287 = vector.broadcast %add3A_286 : i32 to vector<16xi32>
          %add3A_288 = arith.addi %add3A_287, %iota3A : vector<16xi32>
          %gather3A_289 = tpu.vector_load_idx %arg17[%broadcast_in_dim3A_227, %add3A_288] : memref<128x128xf32, #tpu.memory_space<vmem>>[vector<16xi32>, vector<16xi32>], vector<16xf32>,
          %add3A_290 = arith.constant 48 : i32
          %add3A_291 = vector.broadcast %add3A_290 : i32 to vector<16xi32>
          %add3A_292 = arith.addi %add3A_231, %add3A_291 : vector<16xi32>
          %gather3A_293 = tpu.vector_load_idx %arg20[%add3A_292] : memref<40192xf32, #tpu.memory_space<vmem>>[vector<16xi32>], vector<16xf32>,
          %mul3A_294 = arith.mulf %gather3A_285, %gather3A_289 : vector<16xf32>
          %add3A_295 = arith.addf %gather3A_293, %mul3A_294 : vector<16xf32>
          tpu.vector_store_idx %arg20[%add3A_292], %add3A_295 : memref<40192xf32, #tpu.memory_space<vmem>>[vector<16xi32>], vector<16xf32>,
          %mul3A_296 = arith.constant 8 : i32
          %mul3A_297 = arith.muli %add3A_225, %mul3A_296 : i32
          %add3A_298 = arith.constant 4 : i32
          %add3A_299 = arith.addi %mul3A_297, %add3A_298 : i32
          %broadcast_in_dim3A_300 = vector.broadcast %add3A_299 : i32 to vector<16xi32>
          %gather3A_301 = tpu.vector_load_idx %arg16[%broadcast_in_dim3A_300] : memref<16000xf32, #tpu.memory_space<vmem>>[vector<16xi32>], vector<16xf32>,
          %add3A_302 = arith.constant 64 : i32
          %add3A_303 = vector.broadcast %add3A_302 : i32 to vector<16xi32>
          %add3A_304 = arith.addi %add3A_303, %iota3A : vector<16xi32>
          %gather3A_305 = tpu.vector_load_idx %arg17[%broadcast_in_dim3A_227, %add3A_304] : memref<128x128xf32, #tpu.memory_space<vmem>>[vector<16xi32>, vector<16xi32>], vector<16xf32>,
          %add3A_306 = arith.constant 64 : i32
          %add3A_307 = vector.broadcast %add3A_306 : i32 to vector<16xi32>
          %add3A_308 = arith.addi %add3A_231, %add3A_307 : vector<16xi32>
          %gather3A_309 = tpu.vector_load_idx %arg20[%add3A_308] : memref<40192xf32, #tpu.memory_space<vmem>>[vector<16xi32>], vector<16xf32>,
          %mul3A_310 = arith.mulf %gather3A_301, %gather3A_305 : vector<16xf32>
          %add3A_311 = arith.addf %gather3A_309, %mul3A_310 : vector<16xf32>
          tpu.vector_store_idx %arg20[%add3A_308], %add3A_311 : memref<40192xf32, #tpu.memory_space<vmem>>[vector<16xi32>], vector<16xf32>,
          %mul3A_312 = arith.constant 8 : i32
          %mul3A_313 = arith.muli %add3A_225, %mul3A_312 : i32
          %add3A_314 = arith.constant 5 : i32
          %add3A_315 = arith.addi %mul3A_313, %add3A_314 : i32
          %broadcast_in_dim3A_316 = vector.broadcast %add3A_315 : i32 to vector<16xi32>
          %gather3A_317 = tpu.vector_load_idx %arg16[%broadcast_in_dim3A_316] : memref<16000xf32, #tpu.memory_space<vmem>>[vector<16xi32>], vector<16xf32>,
          %add3A_318 = arith.constant 80 : i32
          %add3A_319 = vector.broadcast %add3A_318 : i32 to vector<16xi32>
          %add3A_320 = arith.addi %add3A_319, %iota3A : vector<16xi32>
          %gather3A_321 = tpu.vector_load_idx %arg17[%broadcast_in_dim3A_227, %add3A_320] : memref<128x128xf32, #tpu.memory_space<vmem>>[vector<16xi32>, vector<16xi32>], vector<16xf32>,
          %add3A_322 = arith.constant 80 : i32
          %add3A_323 = vector.broadcast %add3A_322 : i32 to vector<16xi32>
          %add3A_324 = arith.addi %add3A_231, %add3A_323 : vector<16xi32>
          %gather3A_325 = tpu.vector_load_idx %arg20[%add3A_324] : memref<40192xf32, #tpu.memory_space<vmem>>[vector<16xi32>], vector<16xf32>,
          %mul3A_326 = arith.mulf %gather3A_317, %gather3A_321 : vector<16xf32>
          %add3A_327 = arith.addf %gather3A_325, %mul3A_326 : vector<16xf32>
          tpu.vector_store_idx %arg20[%add3A_324], %add3A_327 : memref<40192xf32, #tpu.memory_space<vmem>>[vector<16xi32>], vector<16xf32>,
          %mul3A_328 = arith.constant 8 : i32
          %mul3A_329 = arith.muli %add3A_225, %mul3A_328 : i32
          %add3A_330 = arith.constant 6 : i32
          %add3A_331 = arith.addi %mul3A_329, %add3A_330 : i32
          %broadcast_in_dim3A_332 = vector.broadcast %add3A_331 : i32 to vector<16xi32>
          %gather3A_333 = tpu.vector_load_idx %arg16[%broadcast_in_dim3A_332] : memref<16000xf32, #tpu.memory_space<vmem>>[vector<16xi32>], vector<16xf32>,
          %add3A_334 = arith.constant 96 : i32
          %add3A_335 = vector.broadcast %add3A_334 : i32 to vector<16xi32>
          %add3A_336 = arith.addi %add3A_335, %iota3A : vector<16xi32>
          %gather3A_337 = tpu.vector_load_idx %arg17[%broadcast_in_dim3A_227, %add3A_336] : memref<128x128xf32, #tpu.memory_space<vmem>>[vector<16xi32>, vector<16xi32>], vector<16xf32>,
          %add3A_338 = arith.constant 96 : i32
          %add3A_339 = vector.broadcast %add3A_338 : i32 to vector<16xi32>
          %add3A_340 = arith.addi %add3A_231, %add3A_339 : vector<16xi32>
          %gather3A_341 = tpu.vector_load_idx %arg20[%add3A_340] : memref<40192xf32, #tpu.memory_space<vmem>>[vector<16xi32>], vector<16xf32>,
          %mul3A_342 = arith.mulf %gather3A_333, %gather3A_337 : vector<16xf32>
          %add3A_343 = arith.addf %gather3A_341, %mul3A_342 : vector<16xf32>
          tpu.vector_store_idx %arg20[%add3A_340], %add3A_343 : memref<40192xf32, #tpu.memory_space<vmem>>[vector<16xi32>], vector<16xf32>,
          %mul3A_344 = arith.constant 8 : i32
          %mul3A_345 = arith.muli %add3A_225, %mul3A_344 : i32
          %add3A_346 = arith.constant 7 : i32
          %add3A_347 = arith.addi %mul3A_345, %add3A_346 : i32
          %broadcast_in_dim3A_348 = vector.broadcast %add3A_347 : i32 to vector<16xi32>
          %gather3A_349 = tpu.vector_load_idx %arg16[%broadcast_in_dim3A_348] : memref<16000xf32, #tpu.memory_space<vmem>>[vector<16xi32>], vector<16xf32>,
          %add3A_350 = arith.constant 112 : i32
          %add3A_351 = vector.broadcast %add3A_350 : i32 to vector<16xi32>
          %add3A_352 = arith.addi %add3A_351, %iota3A : vector<16xi32>
          %gather3A_353 = tpu.vector_load_idx %arg17[%broadcast_in_dim3A_227, %add3A_352] : memref<128x128xf32, #tpu.memory_space<vmem>>[vector<16xi32>, vector<16xi32>], vector<16xf32>,
          %add3A_354 = arith.constant 112 : i32
          %add3A_355 = vector.broadcast %add3A_354 : i32 to vector<16xi32>
          %add3A_356 = arith.addi %add3A_231, %add3A_355 : vector<16xi32>
          %gather3A_357 = tpu.vector_load_idx %arg20[%add3A_356] : memref<40192xf32, #tpu.memory_space<vmem>>[vector<16xi32>], vector<16xf32>,
          %mul3A_358 = arith.mulf %gather3A_349, %gather3A_353 : vector<16xf32>
          %add3A_359 = arith.addf %gather3A_357, %mul3A_358 : vector<16xf32>
          tpu.vector_store_idx %arg20[%add3A_356], %add3A_359 : memref<40192xf32, #tpu.memory_space<vmem>>[vector<16xi32>], vector<16xf32>,
          %while3A_360 = arith.constant 0 : i32
          scf.yield %while3A_360 : i32
        }
        %while3A_218 = arith.constant 1 : i32
        %while3A_219 = scf.for %while3A_221 = %while3A_215 to %while3A_211 step %while3A_218 iter_args(%while3A_222 = %while3A_217) -> (i32)  : i32 {
          %mul3A_223 = arith.constant 128 : i32
          %mul3A_224 = arith.muli %while3A_192, %mul3A_223 : i32
          %add3A_225 = arith.addi %mul3A_224, %while3A_221 : i32
          %broadcast_in_dim3A_226 = vector.broadcast %add3A_225 : i32 to vector<16xi32>
          %gather3A = tpu.vector_load_idx %arg13[%broadcast_in_dim3A_226] : memref<2048xi32, #tpu.memory_space<vmem>>[vector<16xi32>], vector<16xi32>,
          %broadcast_in_dim3A_227 = vector.broadcast %while3A_221 : i32 to vector<16xi32>
          %mul3A_228 = arith.constant 128 : i32
          %mul3A_229 = vector.broadcast %mul3A_228 : i32 to vector<16xi32>
          %mul3A_230 = arith.muli %gather3A, %mul3A_229 : vector<16xi32>
          %add3A_231 = arith.addi %mul3A_230, %iota3A : vector<16xi32>
          %mul3A_232 = arith.constant 8 : i32
          %mul3A_233 = arith.muli %add3A_225, %mul3A_232 : i32
          %add3A_234 = arith.constant 0 : i32
          %add3A_235 = arith.addi %mul3A_233, %add3A_234 : i32
          %broadcast_in_dim3A_236 = vector.broadcast %add3A_235 : i32 to vector<16xi32>
          %gather3A_237 = tpu.vector_load_idx %arg16[%broadcast_in_dim3A_236] : memref<16000xf32, #tpu.memory_space<vmem>>[vector<16xi32>], vector<16xf32>,
          %add3A_238 = arith.constant 0 : i32
          %add3A_239 = vector.broadcast %add3A_238 : i32 to vector<16xi32>
          %add3A_240 = arith.addi %add3A_239, %iota3A : vector<16xi32>
          %gather3A_241 = tpu.vector_load_idx %arg17[%broadcast_in_dim3A_227, %add3A_240] : memref<128x128xf32, #tpu.memory_space<vmem>>[vector<16xi32>, vector<16xi32>], vector<16xf32>,
          %add3A_242 = arith.constant 0 : i32
          %add3A_243 = vector.broadcast %add3A_242 : i32 to vector<16xi32>
          %add3A_244 = arith.addi %add3A_231, %add3A_243 : vector<16xi32>
          %gather3A_245 = tpu.vector_load_idx %arg20[%add3A_244] : memref<40192xf32, #tpu.memory_space<vmem>>[vector<16xi32>], vector<16xf32>,
          %mul3A_246 = arith.mulf %gather3A_237, %gather3A_241 : vector<16xf32>
          %add3A_247 = arith.addf %gather3A_245, %mul3A_246 : vector<16xf32>
          tpu.vector_store_idx %arg20[%add3A_244], %add3A_247 : memref<40192xf32, #tpu.memory_space<vmem>>[vector<16xi32>], vector<16xf32>,
          %mul3A_248 = arith.constant 8 : i32
          %mul3A_249 = arith.muli %add3A_225, %mul3A_248 : i32
          %add3A_250 = arith.constant 1 : i32
          %add3A_251 = arith.addi %mul3A_249, %add3A_250 : i32
          %broadcast_in_dim3A_252 = vector.broadcast %add3A_251 : i32 to vector<16xi32>
          %gather3A_253 = tpu.vector_load_idx %arg16[%broadcast_in_dim3A_252] : memref<16000xf32, #tpu.memory_space<vmem>>[vector<16xi32>], vector<16xf32>,
          %add3A_254 = arith.constant 16 : i32
          %add3A_255 = vector.broadcast %add3A_254 : i32 to vector<16xi32>
          %add3A_256 = arith.addi %add3A_255, %iota3A : vector<16xi32>
          %gather3A_257 = tpu.vector_load_idx %arg17[%broadcast_in_dim3A_227, %add3A_256] : memref<128x128xf32, #tpu.memory_space<vmem>>[vector<16xi32>, vector<16xi32>], vector<16xf32>,
          %add3A_258 = arith.constant 16 : i32
          %add3A_259 = vector.broadcast %add3A_258 : i32 to vector<16xi32>
          %add3A_260 = arith.addi %add3A_231, %add3A_259 : vector<16xi32>
          %gather3A_261 = tpu.vector_load_idx %arg20[%add3A_260] : memref<40192xf32, #tpu.memory_space<vmem>>[vector<16xi32>], vector<16xf32>,
          %mul3A_262 = arith.mulf %gather3A_253, %gather3A_257 : vector<16xf32>
          %add3A_263 = arith.addf %gather3A_261, %mul3A_262 : vector<16xf32>
          tpu.vector_store_idx %arg20[%add3A_260], %add3A_263 : memref<40192xf32, #tpu.memory_space<vmem>>[vector<16xi32>], vector<16xf32>,
          %mul3A_264 = arith.constant 8 : i32
          %mul3A_265 = arith.muli %add3A_225, %mul3A_264 : i32
          %add3A_266 = arith.constant 2 : i32
          %add3A_267 = arith.addi %mul3A_265, %add3A_266 : i32
          %broadcast_in_dim3A_268 = vector.broadcast %add3A_267 : i32 to vector<16xi32>
          %gather3A_269 = tpu.vector_load_idx %arg16[%broadcast_in_dim3A_268] : memref<16000xf32, #tpu.memory_space<vmem>>[vector<16xi32>], vector<16xf32>,
          %add3A_270 = arith.constant 32 : i32
          %add3A_271 = vector.broadcast %add3A_270 : i32 to vector<16xi32>
          %add3A_272 = arith.addi %add3A_271, %iota3A : vector<16xi32>
          %gather3A_273 = tpu.vector_load_idx %arg17[%broadcast_in_dim3A_227, %add3A_272] : memref<128x128xf32, #tpu.memory_space<vmem>>[vector<16xi32>, vector<16xi32>], vector<16xf32>,
          %add3A_274 = arith.constant 32 : i32
          %add3A_275 = vector.broadcast %add3A_274 : i32 to vector<16xi32>
          %add3A_276 = arith.addi %add3A_231, %add3A_275 : vector<16xi32>
          %gather3A_277 = tpu.vector_load_idx %arg20[%add3A_276] : memref<40192xf32, #tpu.memory_space<vmem>>[vector<16xi32>], vector<16xf32>,
          %mul3A_278 = arith.mulf %gather3A_269, %gather3A_273 : vector<16xf32>
          %add3A_279 = arith.addf %gather3A_277, %mul3A_278 : vector<16xf32>
          tpu.vector_store_idx %arg20[%add3A_276], %add3A_279 : memref<40192xf32, #tpu.memory_space<vmem>>[vector<16xi32>], vector<16xf32>,
          %mul3A_280 = arith.constant 8 : i32
          %mul3A_281 = arith.muli %add3A_225, %mul3A_280 : i32
          %add3A_282 = arith.constant 3 : i32
          %add3A_283 = arith.addi %mul3A_281, %add3A_282 : i32
          %broadcast_in_dim3A_284 = vector.broadcast %add3A_283 : i32 to vector<16xi32>
          %gather3A_285 = tpu.vector_load_idx %arg16[%broadcast_in_dim3A_284] : memref<16000xf32, #tpu.memory_space<vmem>>[vector<16xi32>], vector<16xf32>,
          %add3A_286 = arith.constant 48 : i32
          %add3A_287 = vector.broadcast %add3A_286 : i32 to vector<16xi32>
          %add3A_288 = arith.addi %add3A_287, %iota3A : vector<16xi32>
          %gather3A_289 = tpu.vector_load_idx %arg17[%broadcast_in_dim3A_227, %add3A_288] : memref<128x128xf32, #tpu.memory_space<vmem>>[vector<16xi32>, vector<16xi32>], vector<16xf32>,
          %add3A_290 = arith.constant 48 : i32
          %add3A_291 = vector.broadcast %add3A_290 : i32 to vector<16xi32>
          %add3A_292 = arith.addi %add3A_231, %add3A_291 : vector<16xi32>
          %gather3A_293 = tpu.vector_load_idx %arg20[%add3A_292] : memref<40192xf32, #tpu.memory_space<vmem>>[vector<16xi32>], vector<16xf32>,
          %mul3A_294 = arith.mulf %gather3A_285, %gather3A_289 : vector<16xf32>
          %add3A_295 = arith.addf %gather3A_293, %mul3A_294 : vector<16xf32>
          tpu.vector_store_idx %arg20[%add3A_292], %add3A_295 : memref<40192xf32, #tpu.memory_space<vmem>>[vector<16xi32>], vector<16xf32>,
          %mul3A_296 = arith.constant 8 : i32
          %mul3A_297 = arith.muli %add3A_225, %mul3A_296 : i32
          %add3A_298 = arith.constant 4 : i32
          %add3A_299 = arith.addi %mul3A_297, %add3A_298 : i32
          %broadcast_in_dim3A_300 = vector.broadcast %add3A_299 : i32 to vector<16xi32>
          %gather3A_301 = tpu.vector_load_idx %arg16[%broadcast_in_dim3A_300] : memref<16000xf32, #tpu.memory_space<vmem>>[vector<16xi32>], vector<16xf32>,
          %add3A_302 = arith.constant 64 : i32
          %add3A_303 = vector.broadcast %add3A_302 : i32 to vector<16xi32>
          %add3A_304 = arith.addi %add3A_303, %iota3A : vector<16xi32>
          %gather3A_305 = tpu.vector_load_idx %arg17[%broadcast_in_dim3A_227, %add3A_304] : memref<128x128xf32, #tpu.memory_space<vmem>>[vector<16xi32>, vector<16xi32>], vector<16xf32>,
          %add3A_306 = arith.constant 64 : i32
          %add3A_307 = vector.broadcast %add3A_306 : i32 to vector<16xi32>
          %add3A_308 = arith.addi %add3A_231, %add3A_307 : vector<16xi32>
          %gather3A_309 = tpu.vector_load_idx %arg20[%add3A_308] : memref<40192xf32, #tpu.memory_space<vmem>>[vector<16xi32>], vector<16xf32>,
          %mul3A_310 = arith.mulf %gather3A_301, %gather3A_305 : vector<16xf32>
          %add3A_311 = arith.addf %gather3A_309, %mul3A_310 : vector<16xf32>
          tpu.vector_store_idx %arg20[%add3A_308], %add3A_311 : memref<40192xf32, #tpu.memory_space<vmem>>[vector<16xi32>], vector<16xf32>,
          %mul3A_312 = arith.constant 8 : i32
          %mul3A_313 = arith.muli %add3A_225, %mul3A_312 : i32
          %add3A_314 = arith.constant 5 : i32
          %add3A_315 = arith.addi %mul3A_313, %add3A_314 : i32
          %broadcast_in_dim3A_316 = vector.broadcast %add3A_315 : i32 to vector<16xi32>
          %gather3A_317 = tpu.vector_load_idx %arg16[%broadcast_in_dim3A_316] : memref<16000xf32, #tpu.memory_space<vmem>>[vector<16xi32>], vector<16xf32>,
          %add3A_318 = arith.constant 80 : i32
          %add3A_319 = vector.broadcast %add3A_318 : i32 to vector<16xi32>
          %add3A_320 = arith.addi %add3A_319, %iota3A : vector<16xi32>
          %gather3A_321 = tpu.vector_load_idx %arg17[%broadcast_in_dim3A_227, %add3A_320] : memref<128x128xf32, #tpu.memory_space<vmem>>[vector<16xi32>, vector<16xi32>], vector<16xf32>,
          %add3A_322 = arith.constant 80 : i32
          %add3A_323 = vector.broadcast %add3A_322 : i32 to vector<16xi32>
          %add3A_324 = arith.addi %add3A_231, %add3A_323 : vector<16xi32>
          %gather3A_325 = tpu.vector_load_idx %arg20[%add3A_324] : memref<40192xf32, #tpu.memory_space<vmem>>[vector<16xi32>], vector<16xf32>,
          %mul3A_326 = arith.mulf %gather3A_317, %gather3A_321 : vector<16xf32>
          %add3A_327 = arith.addf %gather3A_325, %mul3A_326 : vector<16xf32>
          tpu.vector_store_idx %arg20[%add3A_324], %add3A_327 : memref<40192xf32, #tpu.memory_space<vmem>>[vector<16xi32>], vector<16xf32>,
          %mul3A_328 = arith.constant 8 : i32
          %mul3A_329 = arith.muli %add3A_225, %mul3A_328 : i32
          %add3A_330 = arith.constant 6 : i32
          %add3A_331 = arith.addi %mul3A_329, %add3A_330 : i32
          %broadcast_in_dim3A_332 = vector.broadcast %add3A_331 : i32 to vector<16xi32>
          %gather3A_333 = tpu.vector_load_idx %arg16[%broadcast_in_dim3A_332] : memref<16000xf32, #tpu.memory_space<vmem>>[vector<16xi32>], vector<16xf32>,
          %add3A_334 = arith.constant 96 : i32
          %add3A_335 = vector.broadcast %add3A_334 : i32 to vector<16xi32>
          %add3A_336 = arith.addi %add3A_335, %iota3A : vector<16xi32>
          %gather3A_337 = tpu.vector_load_idx %arg17[%broadcast_in_dim3A_227, %add3A_336] : memref<128x128xf32, #tpu.memory_space<vmem>>[vector<16xi32>, vector<16xi32>], vector<16xf32>,
          %add3A_338 = arith.constant 96 : i32
          %add3A_339 = vector.broadcast %add3A_338 : i32 to vector<16xi32>
          %add3A_340 = arith.addi %add3A_231, %add3A_339 : vector<16xi32>
          %gather3A_341 = tpu.vector_load_idx %arg20[%add3A_340] : memref<40192xf32, #tpu.memory_space<vmem>>[vector<16xi32>], vector<16xf32>,
          %mul3A_342 = arith.mulf %gather3A_333, %gather3A_337 : vector<16xf32>
          %add3A_343 = arith.addf %gather3A_341, %mul3A_342 : vector<16xf32>
          tpu.vector_store_idx %arg20[%add3A_340], %add3A_343 : memref<40192xf32, #tpu.memory_space<vmem>>[vector<16xi32>], vector<16xf32>,
          %mul3A_344 = arith.constant 8 : i32
          %mul3A_345 = arith.muli %add3A_225, %mul3A_344 : i32
          %add3A_346 = arith.constant 7 : i32
          %add3A_347 = arith.addi %mul3A_345, %add3A_346 : i32
          %broadcast_in_dim3A_348 = vector.broadcast %add3A_347 : i32 to vector<16xi32>
          %gather3A_349 = tpu.vector_load_idx %arg16[%broadcast_in_dim3A_348] : memref<16000xf32, #tpu.memory_space<vmem>>[vector<16xi32>], vector<16xf32>,
          %add3A_350 = arith.constant 112 : i32
          %add3A_351 = vector.broadcast %add3A_350 : i32 to vector<16xi32>
          %add3A_352 = arith.addi %add3A_351, %iota3A : vector<16xi32>
          %gather3A_353 = tpu.vector_load_idx %arg17[%broadcast_in_dim3A_227, %add3A_352] : memref<128x128xf32, #tpu.memory_space<vmem>>[vector<16xi32>, vector<16xi32>], vector<16xf32>,
          %add3A_354 = arith.constant 112 : i32
          %add3A_355 = vector.broadcast %add3A_354 : i32 to vector<16xi32>
          %add3A_356 = arith.addi %add3A_231, %add3A_355 : vector<16xi32>
          %gather3A_357 = tpu.vector_load_idx %arg20[%add3A_356] : memref<40192xf32, #tpu.memory_space<vmem>>[vector<16xi32>], vector<16xf32>,
          %mul3A_358 = arith.mulf %gather3A_349, %gather3A_353 : vector<16xf32>
          %add3A_359 = arith.addf %gather3A_357, %mul3A_358 : vector<16xf32>
          tpu.vector_store_idx %arg20[%add3A_356], %add3A_359 : memref<40192xf32, #tpu.memory_space<vmem>>[vector<16xi32>], vector<16xf32>,
          %while3A_360 = arith.constant 0 : i32
          scf.yield %while3A_360 : i32
        }
        %while3A_220 = arith.constant 0 : i32
        scf.yield %while3A_220 : i32
      }
      %while3A_189 = arith.constant 1 : i32
      %while3A_190 = scf.for %while3A_192 = %while3A_186 to %while3A_182 step %while3A_189 iter_args(%while3A_193 = %while3A_188) -> (i32)  : i32 {
        %mul3A_194 = arith.constant 128 : i32
        %mul3A_195 = arith.muli %while3A_192, %mul3A_194 : i32
        %dma_start3A_196 = tpu.memref_slice %arg11[%mul3A_195] : memref<2048xi32, #tpu.memory_space<vmem>> -> memref<128xi32, #tpu.memory_space<vmem>>
        %dma_start3A_197 = arith.constant 0 : i32
        %dma_start3A_198 = arith.constant 0 : i32
        %dma_start3A_199 = tpu.memref_slice %arg2[%dma_start3A_197, %dma_start3A_198] : memref<80000x128xf32, #tpu.memory_space<hbm>> -> memref<80000x128xf32, #tpu.memory_space<hbm>>
        tpu.enqueue_indirect_dma source(%dma_start3A_199 : memref<80000x128xf32, #tpu.memory_space<hbm>>) target(%arg17 : memref<128x128xf32, #tpu.memory_space<vmem>>) offsets(%dma_start3A_196 : memref<128xi32, #tpu.memory_space<vmem>>) semaphore(%arg21 : memref<!tpu.dma_semaphore, #tpu.memory_space<semaphore_mem>>)
        %dma_wait3A_200 = tpu.memref_slice %arg11[%mul3A_195] : memref<2048xi32, #tpu.memory_space<vmem>> -> memref<128xi32, #tpu.memory_space<vmem>>
        %dma_wait3A_201 = arith.constant 0 : i32
        %dma_wait3A_202 = arith.constant 0 : i32
        %dma_wait3A_203 = tpu.memref_slice %arg2[%dma_wait3A_201, %dma_wait3A_202] : memref<80000x128xf32, #tpu.memory_space<hbm>> -> memref<80000x128xf32, #tpu.memory_space<hbm>>
        tpu.wait_indirect_dma semaphore(%arg21 : memref<!tpu.dma_semaphore, #tpu.memory_space<semaphore_mem>>) src(%dma_wait3A_203 : memref<80000x128xf32, #tpu.memory_space<hbm>>) dst(%arg17 : memref<128x128xf32, #tpu.memory_space<vmem>>)
        %mul3A_204 = arith.constant 128 : i32
        %mul3A_205 = arith.muli %while3A_192, %mul3A_204 : i32
        %sub3A_206 = arith.subi %add3A_93, %mul3A_205 : i32
        %min3A = arith.constant 128 : i32
        %min3A_207 = arith.minsi %min3A, %sub3A_206 : i32
        %while3A_208 = arith.constant 0 : i32
        %while3A_209 = arith.constant 0 : i32
        %while3A_210 = arith.subi %min3A_207, %while3A_208 : i32
        %while3A_211 = arith.addi %while3A_208, %while3A_210 : i32
        %while3A_212 = arith.constant 1 : i32
        %while3A_213 = arith.divsi %while3A_210, %while3A_212 : i32
        %while3A_214 = arith.muli %while3A_213, %while3A_212 : i32
        %while3A_215 = arith.addi %while3A_208, %while3A_214 : i32
        %while3A_216 = arith.constant 1 : i32
        %while3A_217 = scf.for %while3A_221 = %while3A_208 to %while3A_215 step %while3A_216 iter_args(%while3A_222 = %while3A_209) -> (i32)  : i32 {
          %mul3A_223 = arith.constant 128 : i32
          %mul3A_224 = arith.muli %while3A_192, %mul3A_223 : i32
          %add3A_225 = arith.addi %mul3A_224, %while3A_221 : i32
          %broadcast_in_dim3A_226 = vector.broadcast %add3A_225 : i32 to vector<16xi32>
          %gather3A = tpu.vector_load_idx %arg13[%broadcast_in_dim3A_226] : memref<2048xi32, #tpu.memory_space<vmem>>[vector<16xi32>], vector<16xi32>,
          %broadcast_in_dim3A_227 = vector.broadcast %while3A_221 : i32 to vector<16xi32>
          %mul3A_228 = arith.constant 128 : i32
          %mul3A_229 = vector.broadcast %mul3A_228 : i32 to vector<16xi32>
          %mul3A_230 = arith.muli %gather3A, %mul3A_229 : vector<16xi32>
          %add3A_231 = arith.addi %mul3A_230, %iota3A : vector<16xi32>
          %mul3A_232 = arith.constant 8 : i32
          %mul3A_233 = arith.muli %add3A_225, %mul3A_232 : i32
          %add3A_234 = arith.constant 0 : i32
          %add3A_235 = arith.addi %mul3A_233, %add3A_234 : i32
          %broadcast_in_dim3A_236 = vector.broadcast %add3A_235 : i32 to vector<16xi32>
          %gather3A_237 = tpu.vector_load_idx %arg16[%broadcast_in_dim3A_236] : memref<16000xf32, #tpu.memory_space<vmem>>[vector<16xi32>], vector<16xf32>,
          %add3A_238 = arith.constant 0 : i32
          %add3A_239 = vector.broadcast %add3A_238 : i32 to vector<16xi32>
          %add3A_240 = arith.addi %add3A_239, %iota3A : vector<16xi32>
          %gather3A_241 = tpu.vector_load_idx %arg17[%broadcast_in_dim3A_227, %add3A_240] : memref<128x128xf32, #tpu.memory_space<vmem>>[vector<16xi32>, vector<16xi32>], vector<16xf32>,
          %add3A_242 = arith.constant 0 : i32
          %add3A_243 = vector.broadcast %add3A_242 : i32 to vector<16xi32>
          %add3A_244 = arith.addi %add3A_231, %add3A_243 : vector<16xi32>
          %gather3A_245 = tpu.vector_load_idx %arg20[%add3A_244] : memref<40192xf32, #tpu.memory_space<vmem>>[vector<16xi32>], vector<16xf32>,
          %mul3A_246 = arith.mulf %gather3A_237, %gather3A_241 : vector<16xf32>
          %add3A_247 = arith.addf %gather3A_245, %mul3A_246 : vector<16xf32>
          tpu.vector_store_idx %arg20[%add3A_244], %add3A_247 : memref<40192xf32, #tpu.memory_space<vmem>>[vector<16xi32>], vector<16xf32>,
          %mul3A_248 = arith.constant 8 : i32
          %mul3A_249 = arith.muli %add3A_225, %mul3A_248 : i32
          %add3A_250 = arith.constant 1 : i32
          %add3A_251 = arith.addi %mul3A_249, %add3A_250 : i32
          %broadcast_in_dim3A_252 = vector.broadcast %add3A_251 : i32 to vector<16xi32>
          %gather3A_253 = tpu.vector_load_idx %arg16[%broadcast_in_dim3A_252] : memref<16000xf32, #tpu.memory_space<vmem>>[vector<16xi32>], vector<16xf32>,
          %add3A_254 = arith.constant 16 : i32
          %add3A_255 = vector.broadcast %add3A_254 : i32 to vector<16xi32>
          %add3A_256 = arith.addi %add3A_255, %iota3A : vector<16xi32>
          %gather3A_257 = tpu.vector_load_idx %arg17[%broadcast_in_dim3A_227, %add3A_256] : memref<128x128xf32, #tpu.memory_space<vmem>>[vector<16xi32>, vector<16xi32>], vector<16xf32>,
          %add3A_258 = arith.constant 16 : i32
          %add3A_259 = vector.broadcast %add3A_258 : i32 to vector<16xi32>
          %add3A_260 = arith.addi %add3A_231, %add3A_259 : vector<16xi32>
          %gather3A_261 = tpu.vector_load_idx %arg20[%add3A_260] : memref<40192xf32, #tpu.memory_space<vmem>>[vector<16xi32>], vector<16xf32>,
          %mul3A_262 = arith.mulf %gather3A_253, %gather3A_257 : vector<16xf32>
          %add3A_263 = arith.addf %gather3A_261, %mul3A_262 : vector<16xf32>
          tpu.vector_store_idx %arg20[%add3A_260], %add3A_263 : memref<40192xf32, #tpu.memory_space<vmem>>[vector<16xi32>], vector<16xf32>,
          %mul3A_264 = arith.constant 8 : i32
          %mul3A_265 = arith.muli %add3A_225, %mul3A_264 : i32
          %add3A_266 = arith.constant 2 : i32
          %add3A_267 = arith.addi %mul3A_265, %add3A_266 : i32
          %broadcast_in_dim3A_268 = vector.broadcast %add3A_267 : i32 to vector<16xi32>
          %gather3A_269 = tpu.vector_load_idx %arg16[%broadcast_in_dim3A_268] : memref<16000xf32, #tpu.memory_space<vmem>>[vector<16xi32>], vector<16xf32>,
          %add3A_270 = arith.constant 32 : i32
          %add3A_271 = vector.broadcast %add3A_270 : i32 to vector<16xi32>
          %add3A_272 = arith.addi %add3A_271, %iota3A : vector<16xi32>
          %gather3A_273 = tpu.vector_load_idx %arg17[%broadcast_in_dim3A_227, %add3A_272] : memref<128x128xf32, #tpu.memory_space<vmem>>[vector<16xi32>, vector<16xi32>], vector<16xf32>,
          %add3A_274 = arith.constant 32 : i32
          %add3A_275 = vector.broadcast %add3A_274 : i32 to vector<16xi32>
          %add3A_276 = arith.addi %add3A_231, %add3A_275 : vector<16xi32>
          %gather3A_277 = tpu.vector_load_idx %arg20[%add3A_276] : memref<40192xf32, #tpu.memory_space<vmem>>[vector<16xi32>], vector<16xf32>,
          %mul3A_278 = arith.mulf %gather3A_269, %gather3A_273 : vector<16xf32>
          %add3A_279 = arith.addf %gather3A_277, %mul3A_278 : vector<16xf32>
          tpu.vector_store_idx %arg20[%add3A_276], %add3A_279 : memref<40192xf32, #tpu.memory_space<vmem>>[vector<16xi32>], vector<16xf32>,
          %mul3A_280 = arith.constant 8 : i32
          %mul3A_281 = arith.muli %add3A_225, %mul3A_280 : i32
          %add3A_282 = arith.constant 3 : i32
          %add3A_283 = arith.addi %mul3A_281, %add3A_282 : i32
          %broadcast_in_dim3A_284 = vector.broadcast %add3A_283 : i32 to vector<16xi32>
          %gather3A_285 = tpu.vector_load_idx %arg16[%broadcast_in_dim3A_284] : memref<16000xf32, #tpu.memory_space<vmem>>[vector<16xi32>], vector<16xf32>,
          %add3A_286 = arith.constant 48 : i32
          %add3A_287 = vector.broadcast %add3A_286 : i32 to vector<16xi32>
          %add3A_288 = arith.addi %add3A_287, %iota3A : vector<16xi32>
          %gather3A_289 = tpu.vector_load_idx %arg17[%broadcast_in_dim3A_227, %add3A_288] : memref<128x128xf32, #tpu.memory_space<vmem>>[vector<16xi32>, vector<16xi32>], vector<16xf32>,
          %add3A_290 = arith.constant 48 : i32
          %add3A_291 = vector.broadcast %add3A_290 : i32 to vector<16xi32>
          %add3A_292 = arith.addi %add3A_231, %add3A_291 : vector<16xi32>
          %gather3A_293 = tpu.vector_load_idx %arg20[%add3A_292] : memref<40192xf32, #tpu.memory_space<vmem>>[vector<16xi32>], vector<16xf32>,
          %mul3A_294 = arith.mulf %gather3A_285, %gather3A_289 : vector<16xf32>
          %add3A_295 = arith.addf %gather3A_293, %mul3A_294 : vector<16xf32>
          tpu.vector_store_idx %arg20[%add3A_292], %add3A_295 : memref<40192xf32, #tpu.memory_space<vmem>>[vector<16xi32>], vector<16xf32>,
          %mul3A_296 = arith.constant 8 : i32
          %mul3A_297 = arith.muli %add3A_225, %mul3A_296 : i32
          %add3A_298 = arith.constant 4 : i32
          %add3A_299 = arith.addi %mul3A_297, %add3A_298 : i32
          %broadcast_in_dim3A_300 = vector.broadcast %add3A_299 : i32 to vector<16xi32>
          %gather3A_301 = tpu.vector_load_idx %arg16[%broadcast_in_dim3A_300] : memref<16000xf32, #tpu.memory_space<vmem>>[vector<16xi32>], vector<16xf32>,
          %add3A_302 = arith.constant 64 : i32
          %add3A_303 = vector.broadcast %add3A_302 : i32 to vector<16xi32>
          %add3A_304 = arith.addi %add3A_303, %iota3A : vector<16xi32>
          %gather3A_305 = tpu.vector_load_idx %arg17[%broadcast_in_dim3A_227, %add3A_304] : memref<128x128xf32, #tpu.memory_space<vmem>>[vector<16xi32>, vector<16xi32>], vector<16xf32>,
          %add3A_306 = arith.constant 64 : i32
          %add3A_307 = vector.broadcast %add3A_306 : i32 to vector<16xi32>
          %add3A_308 = arith.addi %add3A_231, %add3A_307 : vector<16xi32>
          %gather3A_309 = tpu.vector_load_idx %arg20[%add3A_308] : memref<40192xf32, #tpu.memory_space<vmem>>[vector<16xi32>], vector<16xf32>,
          %mul3A_310 = arith.mulf %gather3A_301, %gather3A_305 : vector<16xf32>
          %add3A_311 = arith.addf %gather3A_309, %mul3A_310 : vector<16xf32>
          tpu.vector_store_idx %arg20[%add3A_308], %add3A_311 : memref<40192xf32, #tpu.memory_space<vmem>>[vector<16xi32>], vector<16xf32>,
          %mul3A_312 = arith.constant 8 : i32
          %mul3A_313 = arith.muli %add3A_225, %mul3A_312 : i32
          %add3A_314 = arith.constant 5 : i32
          %add3A_315 = arith.addi %mul3A_313, %add3A_314 : i32
          %broadcast_in_dim3A_316 = vector.broadcast %add3A_315 : i32 to vector<16xi32>
          %gather3A_317 = tpu.vector_load_idx %arg16[%broadcast_in_dim3A_316] : memref<16000xf32, #tpu.memory_space<vmem>>[vector<16xi32>], vector<16xf32>,
          %add3A_318 = arith.constant 80 : i32
          %add3A_319 = vector.broadcast %add3A_318 : i32 to vector<16xi32>
          %add3A_320 = arith.addi %add3A_319, %iota3A : vector<16xi32>
          %gather3A_321 = tpu.vector_load_idx %arg17[%broadcast_in_dim3A_227, %add3A_320] : memref<128x128xf32, #tpu.memory_space<vmem>>[vector<16xi32>, vector<16xi32>], vector<16xf32>,
          %add3A_322 = arith.constant 80 : i32
          %add3A_323 = vector.broadcast %add3A_322 : i32 to vector<16xi32>
          %add3A_324 = arith.addi %add3A_231, %add3A_323 : vector<16xi32>
          %gather3A_325 = tpu.vector_load_idx %arg20[%add3A_324] : memref<40192xf32, #tpu.memory_space<vmem>>[vector<16xi32>], vector<16xf32>,
          %mul3A_326 = arith.mulf %gather3A_317, %gather3A_321 : vector<16xf32>
          %add3A_327 = arith.addf %gather3A_325, %mul3A_326 : vector<16xf32>
          tpu.vector_store_idx %arg20[%add3A_324], %add3A_327 : memref<40192xf32, #tpu.memory_space<vmem>>[vector<16xi32>], vector<16xf32>,
          %mul3A_328 = arith.constant 8 : i32
          %mul3A_329 = arith.muli %add3A_225, %mul3A_328 : i32
          %add3A_330 = arith.constant 6 : i32
          %add3A_331 = arith.addi %mul3A_329, %add3A_330 : i32
          %broadcast_in_dim3A_332 = vector.broadcast %add3A_331 : i32 to vector<16xi32>
          %gather3A_333 = tpu.vector_load_idx %arg16[%broadcast_in_dim3A_332] : memref<16000xf32, #tpu.memory_space<vmem>>[vector<16xi32>], vector<16xf32>,
          %add3A_334 = arith.constant 96 : i32
          %add3A_335 = vector.broadcast %add3A_334 : i32 to vector<16xi32>
          %add3A_336 = arith.addi %add3A_335, %iota3A : vector<16xi32>
          %gather3A_337 = tpu.vector_load_idx %arg17[%broadcast_in_dim3A_227, %add3A_336] : memref<128x128xf32, #tpu.memory_space<vmem>>[vector<16xi32>, vector<16xi32>], vector<16xf32>,
          %add3A_338 = arith.constant 96 : i32
          %add3A_339 = vector.broadcast %add3A_338 : i32 to vector<16xi32>
          %add3A_340 = arith.addi %add3A_231, %add3A_339 : vector<16xi32>
          %gather3A_341 = tpu.vector_load_idx %arg20[%add3A_340] : memref<40192xf32, #tpu.memory_space<vmem>>[vector<16xi32>], vector<16xf32>,
          %mul3A_342 = arith.mulf %gather3A_333, %gather3A_337 : vector<16xf32>
          %add3A_343 = arith.addf %gather3A_341, %mul3A_342 : vector<16xf32>
          tpu.vector_store_idx %arg20[%add3A_340], %add3A_343 : memref<40192xf32, #tpu.memory_space<vmem>>[vector<16xi32>], vector<16xf32>,
          %mul3A_344 = arith.constant 8 : i32
          %mul3A_345 = arith.muli %add3A_225, %mul3A_344 : i32
          %add3A_346 = arith.constant 7 : i32
          %add3A_347 = arith.addi %mul3A_345, %add3A_346 : i32
          %broadcast_in_dim3A_348 = vector.broadcast %add3A_347 : i32 to vector<16xi32>
          %gather3A_349 = tpu.vector_load_idx %arg16[%broadcast_in_dim3A_348] : memref<16000xf32, #tpu.memory_space<vmem>>[vector<16xi32>], vector<16xf32>,
          %add3A_350 = arith.constant 112 : i32
          %add3A_351 = vector.broadcast %add3A_350 : i32 to vector<16xi32>
          %add3A_352 = arith.addi %add3A_351, %iota3A : vector<16xi32>
          %gather3A_353 = tpu.vector_load_idx %arg17[%broadcast_in_dim3A_227, %add3A_352] : memref<128x128xf32, #tpu.memory_space<vmem>>[vector<16xi32>, vector<16xi32>], vector<16xf32>,
          %add3A_354 = arith.constant 112 : i32
          %add3A_355 = vector.broadcast %add3A_354 : i32 to vector<16xi32>
          %add3A_356 = arith.addi %add3A_231, %add3A_355 : vector<16xi32>
          %gather3A_357 = tpu.vector_load_idx %arg20[%add3A_356] : memref<40192xf32, #tpu.memory_space<vmem>>[vector<16xi32>], vector<16xf32>,
          %mul3A_358 = arith.mulf %gather3A_349, %gather3A_353 : vector<16xf32>
          %add3A_359 = arith.addf %gather3A_357, %mul3A_358 : vector<16xf32>
          tpu.vector_store_idx %arg20[%add3A_356], %add3A_359 : memref<40192xf32, #tpu.memory_space<vmem>>[vector<16xi32>], vector<16xf32>,
          %while3A_360 = arith.constant 0 : i32
          scf.yield %while3A_360 : i32
        }
        %while3A_218 = arith.constant 1 : i32
        %while3A_219 = scf.for %while3A_221 = %while3A_215 to %while3A_211 step %while3A_218 iter_args(%while3A_222 = %while3A_217) -> (i32)  : i32 {
          %mul3A_223 = arith.constant 128 : i32
          %mul3A_224 = arith.muli %while3A_192, %mul3A_223 : i32
          %add3A_225 = arith.addi %mul3A_224, %while3A_221 : i32
          %broadcast_in_dim3A_226 = vector.broadcast %add3A_225 : i32 to vector<16xi32>
          %gather3A = tpu.vector_load_idx %arg13[%broadcast_in_dim3A_226] : memref<2048xi32, #tpu.memory_space<vmem>>[vector<16xi32>], vector<16xi32>,
          %broadcast_in_dim3A_227 = vector.broadcast %while3A_221 : i32 to vector<16xi32>
          %mul3A_228 = arith.constant 128 : i32
          %mul3A_229 = vector.broadcast %mul3A_228 : i32 to vector<16xi32>
          %mul3A_230 = arith.muli %gather3A, %mul3A_229 : vector<16xi32>
          %add3A_231 = arith.addi %mul3A_230, %iota3A : vector<16xi32>
          %mul3A_232 = arith.constant 8 : i32
          %mul3A_233 = arith.muli %add3A_225, %mul3A_232 : i32
          %add3A_234 = arith.constant 0 : i32
          %add3A_235 = arith.addi %mul3A_233, %add3A_234 : i32
          %broadcast_in_dim3A_236 = vector.broadcast %add3A_235 : i32 to vector<16xi32>
          %gather3A_237 = tpu.vector_load_idx %arg16[%broadcast_in_dim3A_236] : memref<16000xf32, #tpu.memory_space<vmem>>[vector<16xi32>], vector<16xf32>,
          %add3A_238 = arith.constant 0 : i32
          %add3A_239 = vector.broadcast %add3A_238 : i32 to vector<16xi32>
          %add3A_240 = arith.addi %add3A_239, %iota3A : vector<16xi32>
          %gather3A_241 = tpu.vector_load_idx %arg17[%broadcast_in_dim3A_227, %add3A_240] : memref<128x128xf32, #tpu.memory_space<vmem>>[vector<16xi32>, vector<16xi32>], vector<16xf32>,
          %add3A_242 = arith.constant 0 : i32
          %add3A_243 = vector.broadcast %add3A_242 : i32 to vector<16xi32>
          %add3A_244 = arith.addi %add3A_231, %add3A_243 : vector<16xi32>
          %gather3A_245 = tpu.vector_load_idx %arg20[%add3A_244] : memref<40192xf32, #tpu.memory_space<vmem>>[vector<16xi32>], vector<16xf32>,
          %mul3A_246 = arith.mulf %gather3A_237, %gather3A_241 : vector<16xf32>
          %add3A_247 = arith.addf %gather3A_245, %mul3A_246 : vector<16xf32>
          tpu.vector_store_idx %arg20[%add3A_244], %add3A_247 : memref<40192xf32, #tpu.memory_space<vmem>>[vector<16xi32>], vector<16xf32>,
          %mul3A_248 = arith.constant 8 : i32
          %mul3A_249 = arith.muli %add3A_225, %mul3A_248 : i32
          %add3A_250 = arith.constant 1 : i32
          %add3A_251 = arith.addi %mul3A_249, %add3A_250 : i32
          %broadcast_in_dim3A_252 = vector.broadcast %add3A_251 : i32 to vector<16xi32>
          %gather3A_253 = tpu.vector_load_idx %arg16[%broadcast_in_dim3A_252] : memref<16000xf32, #tpu.memory_space<vmem>>[vector<16xi32>], vector<16xf32>,
          %add3A_254 = arith.constant 16 : i32
          %add3A_255 = vector.broadcast %add3A_254 : i32 to vector<16xi32>
          %add3A_256 = arith.addi %add3A_255, %iota3A : vector<16xi32>
          %gather3A_257 = tpu.vector_load_idx %arg17[%broadcast_in_dim3A_227, %add3A_256] : memref<128x128xf32, #tpu.memory_space<vmem>>[vector<16xi32>, vector<16xi32>], vector<16xf32>,
          %add3A_258 = arith.constant 16 : i32
          %add3A_259 = vector.broadcast %add3A_258 : i32 to vector<16xi32>
          %add3A_260 = arith.addi %add3A_231, %add3A_259 : vector<16xi32>
          %gather3A_261 = tpu.vector_load_idx %arg20[%add3A_260] : memref<40192xf32, #tpu.memory_space<vmem>>[vector<16xi32>], vector<16xf32>,
          %mul3A_262 = arith.mulf %gather3A_253, %gather3A_257 : vector<16xf32>
          %add3A_263 = arith.addf %gather3A_261, %mul3A_262 : vector<16xf32>
          tpu.vector_store_idx %arg20[%add3A_260], %add3A_263 : memref<40192xf32, #tpu.memory_space<vmem>>[vector<16xi32>], vector<16xf32>,
          %mul3A_264 = arith.constant 8 : i32
          %mul3A_265 = arith.muli %add3A_225, %mul3A_264 : i32
          %add3A_266 = arith.constant 2 : i32
          %add3A_267 = arith.addi %mul3A_265, %add3A_266 : i32
          %broadcast_in_dim3A_268 = vector.broadcast %add3A_267 : i32 to vector<16xi32>
          %gather3A_269 = tpu.vector_load_idx %arg16[%broadcast_in_dim3A_268] : memref<16000xf32, #tpu.memory_space<vmem>>[vector<16xi32>], vector<16xf32>,
          %add3A_270 = arith.constant 32 : i32
          %add3A_271 = vector.broadcast %add3A_270 : i32 to vector<16xi32>
          %add3A_272 = arith.addi %add3A_271, %iota3A : vector<16xi32>
          %gather3A_273 = tpu.vector_load_idx %arg17[%broadcast_in_dim3A_227, %add3A_272] : memref<128x128xf32, #tpu.memory_space<vmem>>[vector<16xi32>, vector<16xi32>], vector<16xf32>,
          %add3A_274 = arith.constant 32 : i32
          %add3A_275 = vector.broadcast %add3A_274 : i32 to vector<16xi32>
          %add3A_276 = arith.addi %add3A_231, %add3A_275 : vector<16xi32>
          %gather3A_277 = tpu.vector_load_idx %arg20[%add3A_276] : memref<40192xf32, #tpu.memory_space<vmem>>[vector<16xi32>], vector<16xf32>,
          %mul3A_278 = arith.mulf %gather3A_269, %gather3A_273 : vector<16xf32>
          %add3A_279 = arith.addf %gather3A_277, %mul3A_278 : vector<16xf32>
          tpu.vector_store_idx %arg20[%add3A_276], %add3A_279 : memref<40192xf32, #tpu.memory_space<vmem>>[vector<16xi32>], vector<16xf32>,
          %mul3A_280 = arith.constant 8 : i32
          %mul3A_281 = arith.muli %add3A_225, %mul3A_280 : i32
          %add3A_282 = arith.constant 3 : i32
          %add3A_283 = arith.addi %mul3A_281, %add3A_282 : i32
          %broadcast_in_dim3A_284 = vector.broadcast %add3A_283 : i32 to vector<16xi32>
          %gather3A_285 = tpu.vector_load_idx %arg16[%broadcast_in_dim3A_284] : memref<16000xf32, #tpu.memory_space<vmem>>[vector<16xi32>], vector<16xf32>,
          %add3A_286 = arith.constant 48 : i32
          %add3A_287 = vector.broadcast %add3A_286 : i32 to vector<16xi32>
          %add3A_288 = arith.addi %add3A_287, %iota3A : vector<16xi32>
          %gather3A_289 = tpu.vector_load_idx %arg17[%broadcast_in_dim3A_227, %add3A_288] : memref<128x128xf32, #tpu.memory_space<vmem>>[vector<16xi32>, vector<16xi32>], vector<16xf32>,
          %add3A_290 = arith.constant 48 : i32
          %add3A_291 = vector.broadcast %add3A_290 : i32 to vector<16xi32>
          %add3A_292 = arith.addi %add3A_231, %add3A_291 : vector<16xi32>
          %gather3A_293 = tpu.vector_load_idx %arg20[%add3A_292] : memref<40192xf32, #tpu.memory_space<vmem>>[vector<16xi32>], vector<16xf32>,
          %mul3A_294 = arith.mulf %gather3A_285, %gather3A_289 : vector<16xf32>
          %add3A_295 = arith.addf %gather3A_293, %mul3A_294 : vector<16xf32>
          tpu.vector_store_idx %arg20[%add3A_292], %add3A_295 : memref<40192xf32, #tpu.memory_space<vmem>>[vector<16xi32>], vector<16xf32>,
          %mul3A_296 = arith.constant 8 : i32
          %mul3A_297 = arith.muli %add3A_225, %mul3A_296 : i32
          %add3A_298 = arith.constant 4 : i32
          %add3A_299 = arith.addi %mul3A_297, %add3A_298 : i32
          %broadcast_in_dim3A_300 = vector.broadcast %add3A_299 : i32 to vector<16xi32>
          %gather3A_301 = tpu.vector_load_idx %arg16[%broadcast_in_dim3A_300] : memref<16000xf32, #tpu.memory_space<vmem>>[vector<16xi32>], vector<16xf32>,
          %add3A_302 = arith.constant 64 : i32
          %add3A_303 = vector.broadcast %add3A_302 : i32 to vector<16xi32>
          %add3A_304 = arith.addi %add3A_303, %iota3A : vector<16xi32>
          %gather3A_305 = tpu.vector_load_idx %arg17[%broadcast_in_dim3A_227, %add3A_304] : memref<128x128xf32, #tpu.memory_space<vmem>>[vector<16xi32>, vector<16xi32>], vector<16xf32>,
          %add3A_306 = arith.constant 64 : i32
          %add3A_307 = vector.broadcast %add3A_306 : i32 to vector<16xi32>
          %add3A_308 = arith.addi %add3A_231, %add3A_307 : vector<16xi32>
          %gather3A_309 = tpu.vector_load_idx %arg20[%add3A_308] : memref<40192xf32, #tpu.memory_space<vmem>>[vector<16xi32>], vector<16xf32>,
          %mul3A_310 = arith.mulf %gather3A_301, %gather3A_305 : vector<16xf32>
          %add3A_311 = arith.addf %gather3A_309, %mul3A_310 : vector<16xf32>
          tpu.vector_store_idx %arg20[%add3A_308], %add3A_311 : memref<40192xf32, #tpu.memory_space<vmem>>[vector<16xi32>], vector<16xf32>,
          %mul3A_312 = arith.constant 8 : i32
          %mul3A_313 = arith.muli %add3A_225, %mul3A_312 : i32
          %add3A_314 = arith.constant 5 : i32
          %add3A_315 = arith.addi %mul3A_313, %add3A_314 : i32
          %broadcast_in_dim3A_316 = vector.broadcast %add3A_315 : i32 to vector<16xi32>
          %gather3A_317 = tpu.vector_load_idx %arg16[%broadcast_in_dim3A_316] : memref<16000xf32, #tpu.memory_space<vmem>>[vector<16xi32>], vector<16xf32>,
          %add3A_318 = arith.constant 80 : i32
          %add3A_319 = vector.broadcast %add3A_318 : i32 to vector<16xi32>
          %add3A_320 = arith.addi %add3A_319, %iota3A : vector<16xi32>
          %gather3A_321 = tpu.vector_load_idx %arg17[%broadcast_in_dim3A_227, %add3A_320] : memref<128x128xf32, #tpu.memory_space<vmem>>[vector<16xi32>, vector<16xi32>], vector<16xf32>,
          %add3A_322 = arith.constant 80 : i32
          %add3A_323 = vector.broadcast %add3A_322 : i32 to vector<16xi32>
          %add3A_324 = arith.addi %add3A_231, %add3A_323 : vector<16xi32>
          %gather3A_325 = tpu.vector_load_idx %arg20[%add3A_324] : memref<40192xf32, #tpu.memory_space<vmem>>[vector<16xi32>], vector<16xf32>,
          %mul3A_326 = arith.mulf %gather3A_317, %gather3A_321 : vector<16xf32>
          %add3A_327 = arith.addf %gather3A_325, %mul3A_326 : vector<16xf32>
          tpu.vector_store_idx %arg20[%add3A_324], %add3A_327 : memref<40192xf32, #tpu.memory_space<vmem>>[vector<16xi32>], vector<16xf32>,
          %mul3A_328 = arith.constant 8 : i32
          %mul3A_329 = arith.muli %add3A_225, %mul3A_328 : i32
          %add3A_330 = arith.constant 6 : i32
          %add3A_331 = arith.addi %mul3A_329, %add3A_330 : i32
          %broadcast_in_dim3A_332 = vector.broadcast %add3A_331 : i32 to vector<16xi32>
          %gather3A_333 = tpu.vector_load_idx %arg16[%broadcast_in_dim3A_332] : memref<16000xf32, #tpu.memory_space<vmem>>[vector<16xi32>], vector<16xf32>,
          %add3A_334 = arith.constant 96 : i32
          %add3A_335 = vector.broadcast %add3A_334 : i32 to vector<16xi32>
          %add3A_336 = arith.addi %add3A_335, %iota3A : vector<16xi32>
          %gather3A_337 = tpu.vector_load_idx %arg17[%broadcast_in_dim3A_227, %add3A_336] : memref<128x128xf32, #tpu.memory_space<vmem>>[vector<16xi32>, vector<16xi32>], vector<16xf32>,
          %add3A_338 = arith.constant 96 : i32
          %add3A_339 = vector.broadcast %add3A_338 : i32 to vector<16xi32>
          %add3A_340 = arith.addi %add3A_231, %add3A_339 : vector<16xi32>
          %gather3A_341 = tpu.vector_load_idx %arg20[%add3A_340] : memref<40192xf32, #tpu.memory_space<vmem>>[vector<16xi32>], vector<16xf32>,
          %mul3A_342 = arith.mulf %gather3A_333, %gather3A_337 : vector<16xf32>
          %add3A_343 = arith.addf %gather3A_341, %mul3A_342 : vector<16xf32>
          tpu.vector_store_idx %arg20[%add3A_340], %add3A_343 : memref<40192xf32, #tpu.memory_space<vmem>>[vector<16xi32>], vector<16xf32>,
          %mul3A_344 = arith.constant 8 : i32
          %mul3A_345 = arith.muli %add3A_225, %mul3A_344 : i32
          %add3A_346 = arith.constant 7 : i32
          %add3A_347 = arith.addi %mul3A_345, %add3A_346 : i32
          %broadcast_in_dim3A_348 = vector.broadcast %add3A_347 : i32 to vector<16xi32>
          %gather3A_349 = tpu.vector_load_idx %arg16[%broadcast_in_dim3A_348] : memref<16000xf32, #tpu.memory_space<vmem>>[vector<16xi32>], vector<16xf32>,
          %add3A_350 = arith.constant 112 : i32
          %add3A_351 = vector.broadcast %add3A_350 : i32 to vector<16xi32>
          %add3A_352 = arith.addi %add3A_351, %iota3A : vector<16xi32>
          %gather3A_353 = tpu.vector_load_idx %arg17[%broadcast_in_dim3A_227, %add3A_352] : memref<128x128xf32, #tpu.memory_space<vmem>>[vector<16xi32>, vector<16xi32>], vector<16xf32>,
          %add3A_354 = arith.constant 112 : i32
          %add3A_355 = vector.broadcast %add3A_354 : i32 to vector<16xi32>
          %add3A_356 = arith.addi %add3A_231, %add3A_355 : vector<16xi32>
          %gather3A_357 = tpu.vector_load_idx %arg20[%add3A_356] : memref<40192xf32, #tpu.memory_space<vmem>>[vector<16xi32>], vector<16xf32>,
          %mul3A_358 = arith.mulf %gather3A_349, %gather3A_353 : vector<16xf32>
          %add3A_359 = arith.addf %gather3A_357, %mul3A_358 : vector<16xf32>
          tpu.vector_store_idx %arg20[%add3A_356], %add3A_359 : memref<40192xf32, #tpu.memory_space<vmem>>[vector<16xi32>], vector<16xf32>,
          %while3A_360 = arith.constant 0 : i32
          scf.yield %while3A_360 : i32
        }
        %while3A_220 = arith.constant 0 : i32
        scf.yield %while3A_220 : i32
      }
      %scan3A_191 = arith.constant 0 : i32
      scf.yield %scan3A_191 : i32
    }
    %scan3A_42 = arith.constant 80 : i32
    %scan3A_43 = arith.constant 0 : i32
    %scan3A_44 = arith.constant 0 : i32
    %scan3A_45 = arith.constant 313 : i32
    %scan3A_46 = arith.addi %scan3A_44, %scan3A_45 : i32
    %scan3A_47 = arith.constant 1 : i32
    %scan3A_48 = scf.for %scan3A_52 = %scan3A_44 to %scan3A_46 step %scan3A_47 iter_args(%scan3A_53 = %scan3A_43) -> (i32)  : i32 {
      %mul3A_54 = arith.constant 8 : i32
      %mul3A_55 = arith.muli %scan3A_52, %mul3A_54 : i32
      %add3A_56 = arith.constant 0 : i32
      %add3A_57 = arith.addi %mul3A_55, %add3A_56 : i32
      %broadcast_in_dim3A = vector.broadcast %add3A_57 : i32 to vector<16xi32>
      %gather3A = tpu.vector_load_idx %arg19[%broadcast_in_dim3A] : memref<2520xf32, #tpu.memory_space<vmem>>[vector<16xi32>], vector<16xf32>,
      %mul3A_58 = arith.constant 128 : i32
      %mul3A_59 = arith.muli %scan3A_52, %mul3A_58 : i32
      %add3A_60 = arith.constant 0 : i32
      %add3A_61 = arith.addi %mul3A_59, %add3A_60 : i32
      %add3A_62 = vector.broadcast %add3A_61 : i32 to vector<16xi32>
      %add3A_63 = arith.addi %add3A_62, %iota3A : vector<16xi32>
      %gather3A_64 = tpu.vector_load_idx %arg20[%add3A_63] : memref<40192xf32, #tpu.memory_space<vmem>>[vector<16xi32>], vector<16xf32>,
      %gt3A = arith.constant 0.000000e+00 : f32
      %gt3A_65 = vector.broadcast %gt3A : f32 to vector<16xf32>
      %gt3A_66 = arith.cmpf ogt, %gather3A, %gt3A_65 : vector<16xf32>
      %div3A = arith.divf %gather3A_64, %gather3A : vector<16xf32>
      %broadcast_in_dim3A_67 = arith.constant 0.000000e+00 : f32
      %broadcast_in_dim3A_68 = vector.broadcast %broadcast_in_dim3A_67 : f32 to vector<16xf32>
      %select_n3A = arith.select %gt3A_66, %div3A, %broadcast_in_dim3A_68 : vector<16xi1>, vector<16xf32>
      tpu.vector_store_idx %arg20[%add3A_63], %select_n3A : memref<40192xf32, #tpu.memory_space<vmem>>[vector<16xi32>], vector<16xf32>,
      %mul3A_69 = arith.constant 8 : i32
      %mul3A_70 = arith.muli %scan3A_52, %mul3A_69 : i32
      %add3A_71 = arith.constant 1 : i32
      %add3A_72 = arith.addi %mul3A_70, %add3A_71 : i32
      %broadcast_in_dim3A_73 = vector.broadcast %add3A_72 : i32 to vector<16xi32>
      %gather3A_74 = tpu.vector_load_idx %arg19[%broadcast_in_dim3A_73] : memref<2520xf32, #tpu.memory_space<vmem>>[vector<16xi32>], vector<16xf32>,
      %mul3A_75 = arith.constant 128 : i32
      %mul3A_76 = arith.muli %scan3A_52, %mul3A_75 : i32
      %add3A_77 = arith.constant 16 : i32
      %add3A_78 = arith.addi %mul3A_76, %add3A_77 : i32
      %add3A_79 = vector.broadcast %add3A_78 : i32 to vector<16xi32>
      %add3A_80 = arith.addi %add3A_79, %iota3A : vector<16xi32>
      %gather3A_81 = tpu.vector_load_idx %arg20[%add3A_80] : memref<40192xf32, #tpu.memory_space<vmem>>[vector<16xi32>], vector<16xf32>,
      %gt3A_82 = arith.constant 0.000000e+00 : f32
      %gt3A_83 = vector.broadcast %gt3A_82 : f32 to vector<16xf32>
      %gt3A_84 = arith.cmpf ogt, %gather3A_74, %gt3A_83 : vector<16xf32>
      %div3A_85 = arith.divf %gather3A_81, %gather3A_74 : vector<16xf32>
      %broadcast_in_dim3A_86 = arith.constant 0.000000e+00 : f32
      %broadcast_in_dim3A_87 = vector.broadcast %broadcast_in_dim3A_86 : f32 to vector<16xf32>
      %select_n3A_88 = arith.select %gt3A_84, %div3A_85, %broadcast_in_dim3A_87 : vector<16xi1>, vector<16xf32>
      tpu.vector_store_idx %arg20[%add3A_80], %select_n3A_88 : memref<40192xf32, #tpu.memory_space<vmem>>[vector<16xi32>], vector<16xf32>,
      %mul3A_89 = arith.constant 8 : i32
      %mul3A_90 = arith.muli %scan3A_52, %mul3A_89 : i32
      %add3A_91 = arith.constant 2 : i32
      %add3A_92 = arith.addi %mul3A_90, %add3A_91 : i32
      %broadcast_in_dim3A_93 = vector.broadcast %add3A_92 : i32 to vector<16xi32>
      %gather3A_94 = tpu.vector_load_idx %arg19[%broadcast_in_dim3A_93] : memref<2520xf32, #tpu.memory_space<vmem>>[vector<16xi32>], vector<16xf32>,
      %mul3A_95 = arith.constant 128 : i32
      %mul3A_96 = arith.muli %scan3A_52, %mul3A_95 : i32
      %add3A_97 = arith.constant 32 : i32
      %add3A_98 = arith.addi %mul3A_96, %add3A_97 : i32
      %add3A_99 = vector.broadcast %add3A_98 : i32 to vector<16xi32>
      %add3A_100 = arith.addi %add3A_99, %iota3A : vector<16xi32>
      %gather3A_101 = tpu.vector_load_idx %arg20[%add3A_100] : memref<40192xf32, #tpu.memory_space<vmem>>[vector<16xi32>], vector<16xf32>,
      %gt3A_102 = arith.constant 0.000000e+00 : f32
      %gt3A_103 = vector.broadcast %gt3A_102 : f32 to vector<16xf32>
      %gt3A_104 = arith.cmpf ogt, %gather3A_94, %gt3A_103 : vector<16xf32>
      %div3A_105 = arith.divf %gather3A_101, %gather3A_94 : vector<16xf32>
      %broadcast_in_dim3A_106 = arith.constant 0.000000e+00 : f32
      %broadcast_in_dim3A_107 = vector.broadcast %broadcast_in_dim3A_106 : f32 to vector<16xf32>
      %select_n3A_108 = arith.select %gt3A_104, %div3A_105, %broadcast_in_dim3A_107 : vector<16xi1>, vector<16xf32>
      tpu.vector_store_idx %arg20[%add3A_100], %select_n3A_108 : memref<40192xf32, #tpu.memory_space<vmem>>[vector<16xi32>], vector<16xf32>,
      %mul3A_109 = arith.constant 8 : i32
      %mul3A_110 = arith.muli %scan3A_52, %mul3A_109 : i32
      %add3A_111 = arith.constant 3 : i32
      %add3A_112 = arith.addi %mul3A_110, %add3A_111 : i32
      %broadcast_in_dim3A_113 = vector.broadcast %add3A_112 : i32 to vector<16xi32>
      %gather3A_114 = tpu.vector_load_idx %arg19[%broadcast_in_dim3A_113] : memref<2520xf32, #tpu.memory_space<vmem>>[vector<16xi32>], vector<16xf32>,
      %mul3A_115 = arith.constant 128 : i32
      %mul3A_116 = arith.muli %scan3A_52, %mul3A_115 : i32
      %add3A_117 = arith.constant 48 : i32
      %add3A_118 = arith.addi %mul3A_116, %add3A_117 : i32
      %add3A_119 = vector.broadcast %add3A_118 : i32 to vector<16xi32>
      %add3A_120 = arith.addi %add3A_119, %iota3A : vector<16xi32>
      %gather3A_121 = tpu.vector_load_idx %arg20[%add3A_120] : memref<40192xf32, #tpu.memory_space<vmem>>[vector<16xi32>], vector<16xf32>,
      %gt3A_122 = arith.constant 0.000000e+00 : f32
      %gt3A_123 = vector.broadcast %gt3A_122 : f32 to vector<16xf32>
      %gt3A_124 = arith.cmpf ogt, %gather3A_114, %gt3A_123 : vector<16xf32>
      %div3A_125 = arith.divf %gather3A_121, %gather3A_114 : vector<16xf32>
      %broadcast_in_dim3A_126 = arith.constant 0.000000e+00 : f32
      %broadcast_in_dim3A_127 = vector.broadcast %broadcast_in_dim3A_126 : f32 to vector<16xf32>
      %select_n3A_128 = arith.select %gt3A_124, %div3A_125, %broadcast_in_dim3A_127 : vector<16xi1>, vector<16xf32>
      tpu.vector_store_idx %arg20[%add3A_120], %select_n3A_128 : memref<40192xf32, #tpu.memory_space<vmem>>[vector<16xi32>], vector<16xf32>,
      %mul3A_129 = arith.constant 8 : i32
      %mul3A_130 = arith.muli %scan3A_52, %mul3A_129 : i32
      %add3A_131 = arith.constant 4 : i32
      %add3A_132 = arith.addi %mul3A_130, %add3A_131 : i32
      %broadcast_in_dim3A_133 = vector.broadcast %add3A_132 : i32 to vector<16xi32>
      %gather3A_134 = tpu.vector_load_idx %arg19[%broadcast_in_dim3A_133] : memref<2520xf32, #tpu.memory_space<vmem>>[vector<16xi32>], vector<16xf32>,
      %mul3A_135 = arith.constant 128 : i32
      %mul3A_136 = arith.muli %scan3A_52, %mul3A_135 : i32
      %add3A_137 = arith.constant 64 : i32
      %add3A_138 = arith.addi %mul3A_136, %add3A_137 : i32
      %add3A_139 = vector.broadcast %add3A_138 : i32 to vector<16xi32>
      %add3A_140 = arith.addi %add3A_139, %iota3A : vector<16xi32>
      %gather3A_141 = tpu.vector_load_idx %arg20[%add3A_140] : memref<40192xf32, #tpu.memory_space<vmem>>[vector<16xi32>], vector<16xf32>,
      %gt3A_142 = arith.constant 0.000000e+00 : f32
      %gt3A_143 = vector.broadcast %gt3A_142 : f32 to vector<16xf32>
      %gt3A_144 = arith.cmpf ogt, %gather3A_134, %gt3A_143 : vector<16xf32>
      %div3A_145 = arith.divf %gather3A_141, %gather3A_134 : vector<16xf32>
      %broadcast_in_dim3A_146 = arith.constant 0.000000e+00 : f32
      %broadcast_in_dim3A_147 = vector.broadcast %broadcast_in_dim3A_146 : f32 to vector<16xf32>
      %select_n3A_148 = arith.select %gt3A_144, %div3A_145, %broadcast_in_dim3A_147 : vector<16xi1>, vector<16xf32>
      tpu.vector_store_idx %arg20[%add3A_140], %select_n3A_148 : memref<40192xf32, #tpu.memory_space<vmem>>[vector<16xi32>], vector<16xf32>,
      %mul3A_149 = arith.constant 8 : i32
      %mul3A_150 = arith.muli %scan3A_52, %mul3A_149 : i32
      %add3A_151 = arith.constant 5 : i32
      %add3A_152 = arith.addi %mul3A_150, %add3A_151 : i32
      %broadcast_in_dim3A_153 = vector.broadcast %add3A_152 : i32 to vector<16xi32>
      %gather3A_154 = tpu.vector_load_idx %arg19[%broadcast_in_dim3A_153] : memref<2520xf32, #tpu.memory_space<vmem>>[vector<16xi32>], vector<16xf32>,
      %mul3A_155 = arith.constant 128 : i32
      %mul3A_156 = arith.muli %scan3A_52, %mul3A_155 : i32
      %add3A_157 = arith.constant 80 : i32
      %add3A_158 = arith.addi %mul3A_156, %add3A_157 : i32
      %add3A_159 = vector.broadcast %add3A_158 : i32 to vector<16xi32>
      %add3A_160 = arith.addi %add3A_159, %iota3A : vector<16xi32>
      %gather3A_161 = tpu.vector_load_idx %arg20[%add3A_160] : memref<40192xf32, #tpu.memory_space<vmem>>[vector<16xi32>], vector<16xf32>,
      %gt3A_162 = arith.constant 0.000000e+00 : f32
      %gt3A_163 = vector.broadcast %gt3A_162 : f32 to vector<16xf32>
      %gt3A_164 = arith.cmpf ogt, %gather3A_154, %gt3A_163 : vector<16xf32>
      %div3A_165 = arith.divf %gather3A_161, %gather3A_154 : vector<16xf32>
      %broadcast_in_dim3A_166 = arith.constant 0.000000e+00 : f32
      %broadcast_in_dim3A_167 = vector.broadcast %broadcast_in_dim3A_166 : f32 to vector<16xf32>
      %select_n3A_168 = arith.select %gt3A_164, %div3A_165, %broadcast_in_dim3A_167 : vector<16xi1>, vector<16xf32>
      tpu.vector_store_idx %arg20[%add3A_160], %select_n3A_168 : memref<40192xf32, #tpu.memory_space<vmem>>[vector<16xi32>], vector<16xf32>,
      %mul3A_169 = arith.constant 8 : i32
      %mul3A_170 = arith.muli %scan3A_52, %mul3A_169 : i32
      %add3A_171 = arith.constant 6 : i32
      %add3A_172 = arith.addi %mul3A_170, %add3A_171 : i32
      %broadcast_in_dim3A_173 = vector.broadcast %add3A_172 : i32 to vector<16xi32>
      %gather3A_174 = tpu.vector_load_idx %arg19[%broadcast_in_dim3A_173] : memref<2520xf32, #tpu.memory_space<vmem>>[vector<16xi32>], vector<16xf32>,
      %mul3A_175 = arith.constant 128 : i32
      %mul3A_176 = arith.muli %scan3A_52, %mul3A_175 : i32
      %add3A_177 = arith.constant 96 : i32
      %add3A_178 = arith.addi %mul3A_176, %add3A_177 : i32
      %add3A_179 = vector.broadcast %add3A_178 : i32 to vector<16xi32>
      %add3A_180 = arith.addi %add3A_179, %iota3A : vector<16xi32>
      %gather3A_181 = tpu.vector_load_idx %arg20[%add3A_180] : memref<40192xf32, #tpu.memory_space<vmem>>[vector<16xi32>], vector<16xf32>,
      %gt3A_182 = arith.constant 0.000000e+00 : f32
      %gt3A_183 = vector.broadcast %gt3A_182 : f32 to vector<16xf32>
      %gt3A_184 = arith.cmpf ogt, %gather3A_174, %gt3A_183 : vector<16xf32>
      %div3A_185 = arith.divf %gather3A_181, %gather3A_174 : vector<16xf32>
      %broadcast_in_dim3A_186 = arith.constant 0.000000e+00 : f32
      %broadcast_in_dim3A_187 = vector.broadcast %broadcast_in_dim3A_186 : f32 to vector<16xf32>
      %select_n3A_188 = arith.select %gt3A_184, %div3A_185, %broadcast_in_dim3A_187 : vector<16xi1>, vector<16xf32>
      tpu.vector_store_idx %arg20[%add3A_180], %select_n3A_188 : memref<40192xf32, #tpu.memory_space<vmem>>[vector<16xi32>], vector<16xf32>,
      %mul3A_189 = arith.constant 8 : i32
      %mul3A_190 = arith.muli %scan3A_52, %mul3A_189 : i32
      %add3A_191 = arith.constant 7 : i32
      %add3A_192 = arith.addi %mul3A_190, %add3A_191 : i32
      %broadcast_in_dim3A_193 = vector.broadcast %add3A_192 : i32 to vector<16xi32>
      %gather3A_194 = tpu.vector_load_idx %arg19[%broadcast_in_dim3A_193] : memref<2520xf32, #tpu.memory_space<vmem>>[vector<16xi32>], vector<16xf32>,
      %mul3A_195 = arith.constant 128 : i32
      %mul3A_196 = arith.muli %scan3A_52, %mul3A_195 : i32
      %add3A_197 = arith.constant 112 : i32
      %add3A_198 = arith.addi %mul3A_196, %add3A_197 : i32
      %add3A_199 = vector.broadcast %add3A_198 : i32 to vector<16xi32>
      %add3A_200 = arith.addi %add3A_199, %iota3A : vector<16xi32>
      %gather3A_201 = tpu.vector_load_idx %arg20[%add3A_200] : memref<40192xf32, #tpu.memory_space<vmem>>[vector<16xi32>], vector<16xf32>,
      %gt3A_202 = arith.constant 0.000000e+00 : f32
      %gt3A_203 = vector.broadcast %gt3A_202 : f32 to vector<16xf32>
      %gt3A_204 = arith.cmpf ogt, %gather3A_194, %gt3A_203 : vector<16xf32>
      %div3A_205 = arith.divf %gather3A_201, %gather3A_194 : vector<16xf32>
      %broadcast_in_dim3A_206 = arith.constant 0.000000e+00 : f32
      %broadcast_in_dim3A_207 = vector.broadcast %broadcast_in_dim3A_206 : f32 to vector<16xf32>
      %select_n3A_208 = arith.select %gt3A_204, %div3A_205, %broadcast_in_dim3A_207 : vector<16xi1>, vector<16xf32>
      tpu.vector_store_idx %arg20[%add3A_200], %select_n3A_208 : memref<40192xf32, #tpu.memory_space<vmem>>[vector<16xi32>], vector<16xf32>,
      %scan3A_209 = arith.constant 0 : i32
      scf.yield %scan3A_209 : i32
    }
    %scan3A_49 = arith.constant 313 : i32
    %mul3A_50 = arith.constant 128 : i32
    %mul3A_51 = arith.muli %mul3A_2, %mul3A_50 : i32
    "tpu.region"() ({
      %run_scoped3A = tpu.sem_alloc : memref<!tpu.dma_semaphore, #tpu.memory_space<semaphore_mem>>
      %dma_start3A = arith.constant 0 : i32
      %dma_start3A_52 = tpu.memref_slice %arg20[%dma_start3A] : memref<40192xf32, #tpu.memory_space<vmem>> -> memref<40064xf32, #tpu.memory_space<vmem>>
      %dma_start3A_53 = tpu.memref_slice %arg7[%mul3A_51] : memref<1282048xf32, #tpu.memory_space<hbm>> -> memref<40064xf32, #tpu.memory_space<hbm>>
      %dma_start3A_54 = tpu.memref_slice %arg7[%mul3A_51] : memref<1282048xf32, #tpu.memory_space<hbm>> -> memref<40064xf32, #tpu.memory_space<hbm>>
      %dma_start3A_55 = arith.constant 0 : i32
      %dma_start3A_56 = tpu.memref_slice %arg20[%dma_start3A_55] : memref<40192xf32, #tpu.memory_space<vmem>> -> memref<40064xf32, #tpu.memory_space<vmem>>
      tpu.enqueue_dma source(%dma_start3A_56 : memref<40064xf32, #tpu.memory_space<vmem>>) target(%dma_start3A_54 : memref<40064xf32, #tpu.memory_space<hbm>>) target_semaphore(%run_scoped3A : memref<!tpu.dma_semaphore, #tpu.memory_space<semaphore_mem>>)
      %dma_wait3A = arith.constant 0 : i32
      %dma_wait3A_57 = tpu.memref_slice %arg20[%dma_wait3A] : memref<40192xf32, #tpu.memory_space<vmem>> -> memref<40064xf32, #tpu.memory_space<vmem>>
      %dma_wait3A_58 = tpu.memref_slice %arg7[%mul3A_51] : memref<1282048xf32, #tpu.memory_space<hbm>> -> memref<40064xf32, #tpu.memory_space<hbm>>
      %dma_wait3A_59 = tpu.memref_slice %arg7[%mul3A_51] : memref<1282048xf32, #tpu.memory_space<hbm>> -> memref<40064xf32, #tpu.memory_space<hbm>>
      %dma_wait3A_60 = arith.constant 0 : i32
      %dma_wait3A_61 = tpu.memref_slice %arg20[%dma_wait3A_60] : memref<40192xf32, #tpu.memory_space<vmem>> -> memref<40064xf32, #tpu.memory_space<vmem>>
      tpu.wait_dma2 semaphore(%run_scoped3A : memref<!tpu.dma_semaphore, #tpu.memory_space<semaphore_mem>>) src(%dma_wait3A_61 : memref<40064xf32, #tpu.memory_space<vmem>>) dst(%dma_wait3A_59 : memref<40064xf32, #tpu.memory_space<hbm>>)
      tpu.yield
    }) : () -> ()
    return
  }
}

module attributes {stable_mosaic.version = 14 : i64} {
  func.func @_tc_body(%arg0: i32, %arg1: memref<400x128xf32, #tpu.memory_space<vmem>>, %arg2: memref<8x128x128xf32, #tpu.memory_space<vmem>>, %arg3: memref<8x128x16xf32, #tpu.memory_space<vmem>>, %arg4: memref<400x8x128xf32, #tpu.memory_space<vmem>>, %arg5: memref<400x8x16xf32, #tpu.memory_space<vmem>>) attributes {dimension_semantics = [#tpu.dimension_semantics<arbitrary>], iteration_bounds = array<i64: 25>, scalar_prefetch = 0 : i64, scratch_operands = 0 : i64, tpu.core_type = #tpu.core_type<tc>, window_params = [{transform_indices = @transform_0, window_bounds = array<i64: 400, 128>}, {pipeline_mode = #tpu.pipeline_mode<synchronous>, transform_indices = @transform_1, window_bounds = array<i64: 8, 128, 128>}, {pipeline_mode = #tpu.pipeline_mode<synchronous>, transform_indices = @transform_2, window_bounds = array<i64: 8, 128, 16>}, {transform_indices = @transform_3, window_bounds = array<i64: 400, 8, 128>}, {transform_indices = @transform_4, window_bounds = array<i64: 400, 8, 16>}]} {
    %get3A = arith.constant 0 : index
    %get3A_0 = arith.constant 0 : index
    %get3A_1 = vector.load %arg1[%get3A, %get3A_0] : memref<400x128xf32, #tpu.memory_space<vmem>>, vector<400x128xf32>
    %get3A_2 = arith.constant 0 : index
    %get3A_3 = arith.constant 0 : index
    %get3A_4 = arith.constant 0 : index
    %get3A_5 = vector.load %arg2[%get3A_2, %get3A_3, %get3A_4] : memref<8x128x128xf32, #tpu.memory_space<vmem>>, vector<1x128x128xf32>
    %get3A_6 = vector.shape_cast %get3A_5 : vector<1x128x128xf32> to vector<128x128xf32>
    %dot_general3A = arith.constant dense<0.000000e+00> : vector<400x128xf32>
    %dot_general3A_7 = tpu.matmul %get3A_1, %get3A_6, %dot_general3A {dimension_numbers = #tpu.dot_dimension_numbers<[1], [0], [0], [1], [0, 0, 1, 1], [], []>, precision = #tpu.contract_precision<fp32>, transpose_lhs_hint = false} : vector<400x128xf32>, vector<128x128xf32>, vector<400x128xf32> -> vector<400x128xf32>
    %swap3A = arith.constant 0 : index
    %swap3A_8 = arith.constant 0 : index
    %swap3A_9 = arith.constant 0 : index
    %swap3A_10 = vector.load %arg4[%swap3A, %swap3A_8, %swap3A_9] : memref<400x8x128xf32, #tpu.memory_space<vmem>>, vector<400x1x128xf32>
    %swap3A_11 = vector.shape_cast %swap3A_10 : vector<400x1x128xf32> to vector<400x128xf32>
    %swap3A_12 = vector.shape_cast %dot_general3A_7 : vector<400x128xf32> to vector<400x1x128xf32>
    tpu.vector_store %arg4[%swap3A, %swap3A_8, %swap3A_9], %swap3A_12 {strides = array<i32>} : memref<400x8x128xf32, #tpu.memory_space<vmem>>, vector<400x1x128xf32>,
    %get3A_13 = arith.constant 0 : index
    %get3A_14 = arith.constant 0 : index
    %get3A_15 = arith.constant 0 : index
    %get3A_16 = vector.load %arg3[%get3A_13, %get3A_14, %get3A_15] : memref<8x128x16xf32, #tpu.memory_space<vmem>>, vector<1x128x16xf32>
    %get3A_17 = vector.shape_cast %get3A_16 : vector<1x128x16xf32> to vector<128x16xf32>
    %dot_general3A_18 = arith.constant dense<0.000000e+00> : vector<400x16xf32>
    %dot_general3A_19 = tpu.matmul %dot_general3A_7, %get3A_17, %dot_general3A_18 {dimension_numbers = #tpu.dot_dimension_numbers<[1], [0], [0], [1], [0, 0, 1, 1], [], []>, precision = #tpu.contract_precision<fp32>, transpose_lhs_hint = false} : vector<400x128xf32>, vector<128x16xf32>, vector<400x16xf32> -> vector<400x16xf32>
    %swap3A_20 = arith.constant 0 : index
    %swap3A_21 = arith.constant 0 : index
    %swap3A_22 = arith.constant 0 : index
    %swap3A_23 = vector.load %arg5[%swap3A_20, %swap3A_21, %swap3A_22] : memref<400x8x16xf32, #tpu.memory_space<vmem>>, vector<400x1x16xf32>
    %swap3A_24 = vector.shape_cast %swap3A_23 : vector<400x1x16xf32> to vector<400x16xf32>
    %swap3A_25 = vector.shape_cast %dot_general3A_19 : vector<400x16xf32> to vector<400x1x16xf32>
    tpu.vector_store %arg5[%swap3A_20, %swap3A_21, %swap3A_22], %swap3A_25 {strides = array<i32>} : memref<400x8x16xf32, #tpu.memory_space<vmem>>, vector<400x1x16xf32>,
    %get3A_26 = arith.constant 1 : index
    %get3A_27 = arith.constant 0 : index
    %get3A_28 = arith.constant 0 : index
    %get3A_29 = vector.load %arg2[%get3A_26, %get3A_27, %get3A_28] : memref<8x128x128xf32, #tpu.memory_space<vmem>>, vector<1x128x128xf32>
    %get3A_30 = vector.shape_cast %get3A_29 : vector<1x128x128xf32> to vector<128x128xf32>
    %dot_general3A_31 = arith.constant dense<0.000000e+00> : vector<400x128xf32>
    %dot_general3A_32 = tpu.matmul %get3A_1, %get3A_30, %dot_general3A_31 {dimension_numbers = #tpu.dot_dimension_numbers<[1], [0], [0], [1], [0, 0, 1, 1], [], []>, precision = #tpu.contract_precision<fp32>, transpose_lhs_hint = false} : vector<400x128xf32>, vector<128x128xf32>, vector<400x128xf32> -> vector<400x128xf32>
    %swap3A_33 = arith.constant 0 : index
    %swap3A_34 = arith.constant 1 : index
    %swap3A_35 = arith.constant 0 : index
    %swap3A_36 = vector.load %arg4[%swap3A_33, %swap3A_34, %swap3A_35] : memref<400x8x128xf32, #tpu.memory_space<vmem>>, vector<400x1x128xf32>
    %swap3A_37 = vector.shape_cast %swap3A_36 : vector<400x1x128xf32> to vector<400x128xf32>
    %swap3A_38 = vector.shape_cast %dot_general3A_32 : vector<400x128xf32> to vector<400x1x128xf32>
    tpu.vector_store %arg4[%swap3A_33, %swap3A_34, %swap3A_35], %swap3A_38 {strides = array<i32>} : memref<400x8x128xf32, #tpu.memory_space<vmem>>, vector<400x1x128xf32>,
    %get3A_39 = arith.constant 1 : index
    %get3A_40 = arith.constant 0 : index
    %get3A_41 = arith.constant 0 : index
    %get3A_42 = vector.load %arg3[%get3A_39, %get3A_40, %get3A_41] : memref<8x128x16xf32, #tpu.memory_space<vmem>>, vector<1x128x16xf32>
    %get3A_43 = vector.shape_cast %get3A_42 : vector<1x128x16xf32> to vector<128x16xf32>
    %dot_general3A_44 = arith.constant dense<0.000000e+00> : vector<400x16xf32>
    %dot_general3A_45 = tpu.matmul %dot_general3A_32, %get3A_43, %dot_general3A_44 {dimension_numbers = #tpu.dot_dimension_numbers<[1], [0], [0], [1], [0, 0, 1, 1], [], []>, precision = #tpu.contract_precision<fp32>, transpose_lhs_hint = false} : vector<400x128xf32>, vector<128x16xf32>, vector<400x16xf32> -> vector<400x16xf32>
    %swap3A_46 = arith.constant 0 : index
    %swap3A_47 = arith.constant 1 : index
    %swap3A_48 = arith.constant 0 : index
    %swap3A_49 = vector.load %arg5[%swap3A_46, %swap3A_47, %swap3A_48] : memref<400x8x16xf32, #tpu.memory_space<vmem>>, vector<400x1x16xf32>
    %swap3A_50 = vector.shape_cast %swap3A_49 : vector<400x1x16xf32> to vector<400x16xf32>
    %swap3A_51 = vector.shape_cast %dot_general3A_45 : vector<400x16xf32> to vector<400x1x16xf32>
    tpu.vector_store %arg5[%swap3A_46, %swap3A_47, %swap3A_48], %swap3A_51 {strides = array<i32>} : memref<400x8x16xf32, #tpu.memory_space<vmem>>, vector<400x1x16xf32>,
    %get3A_52 = arith.constant 2 : index
    %get3A_53 = arith.constant 0 : index
    %get3A_54 = arith.constant 0 : index
    %get3A_55 = vector.load %arg2[%get3A_52, %get3A_53, %get3A_54] : memref<8x128x128xf32, #tpu.memory_space<vmem>>, vector<1x128x128xf32>
    %get3A_56 = vector.shape_cast %get3A_55 : vector<1x128x128xf32> to vector<128x128xf32>
    %dot_general3A_57 = arith.constant dense<0.000000e+00> : vector<400x128xf32>
    %dot_general3A_58 = tpu.matmul %get3A_1, %get3A_56, %dot_general3A_57 {dimension_numbers = #tpu.dot_dimension_numbers<[1], [0], [0], [1], [0, 0, 1, 1], [], []>, precision = #tpu.contract_precision<fp32>, transpose_lhs_hint = false} : vector<400x128xf32>, vector<128x128xf32>, vector<400x128xf32> -> vector<400x128xf32>
    %swap3A_59 = arith.constant 0 : index
    %swap3A_60 = arith.constant 2 : index
    %swap3A_61 = arith.constant 0 : index
    %swap3A_62 = vector.load %arg4[%swap3A_59, %swap3A_60, %swap3A_61] : memref<400x8x128xf32, #tpu.memory_space<vmem>>, vector<400x1x128xf32>
    %swap3A_63 = vector.shape_cast %swap3A_62 : vector<400x1x128xf32> to vector<400x128xf32>
    %swap3A_64 = vector.shape_cast %dot_general3A_58 : vector<400x128xf32> to vector<400x1x128xf32>
    tpu.vector_store %arg4[%swap3A_59, %swap3A_60, %swap3A_61], %swap3A_64 {strides = array<i32>} : memref<400x8x128xf32, #tpu.memory_space<vmem>>, vector<400x1x128xf32>,
    %get3A_65 = arith.constant 2 : index
    %get3A_66 = arith.constant 0 : index
    %get3A_67 = arith.constant 0 : index
    %get3A_68 = vector.load %arg3[%get3A_65, %get3A_66, %get3A_67] : memref<8x128x16xf32, #tpu.memory_space<vmem>>, vector<1x128x16xf32>
    %get3A_69 = vector.shape_cast %get3A_68 : vector<1x128x16xf32> to vector<128x16xf32>
    %dot_general3A_70 = arith.constant dense<0.000000e+00> : vector<400x16xf32>
    %dot_general3A_71 = tpu.matmul %dot_general3A_58, %get3A_69, %dot_general3A_70 {dimension_numbers = #tpu.dot_dimension_numbers<[1], [0], [0], [1], [0, 0, 1, 1], [], []>, precision = #tpu.contract_precision<fp32>, transpose_lhs_hint = false} : vector<400x128xf32>, vector<128x16xf32>, vector<400x16xf32> -> vector<400x16xf32>
    %swap3A_72 = arith.constant 0 : index
    %swap3A_73 = arith.constant 2 : index
    %swap3A_74 = arith.constant 0 : index
    %swap3A_75 = vector.load %arg5[%swap3A_72, %swap3A_73, %swap3A_74] : memref<400x8x16xf32, #tpu.memory_space<vmem>>, vector<400x1x16xf32>
    %swap3A_76 = vector.shape_cast %swap3A_75 : vector<400x1x16xf32> to vector<400x16xf32>
    %swap3A_77 = vector.shape_cast %dot_general3A_71 : vector<400x16xf32> to vector<400x1x16xf32>
    tpu.vector_store %arg5[%swap3A_72, %swap3A_73, %swap3A_74], %swap3A_77 {strides = array<i32>} : memref<400x8x16xf32, #tpu.memory_space<vmem>>, vector<400x1x16xf32>,
    %get3A_78 = arith.constant 3 : index
    %get3A_79 = arith.constant 0 : index
    %get3A_80 = arith.constant 0 : index
    %get3A_81 = vector.load %arg2[%get3A_78, %get3A_79, %get3A_80] : memref<8x128x128xf32, #tpu.memory_space<vmem>>, vector<1x128x128xf32>
    %get3A_82 = vector.shape_cast %get3A_81 : vector<1x128x128xf32> to vector<128x128xf32>
    %dot_general3A_83 = arith.constant dense<0.000000e+00> : vector<400x128xf32>
    %dot_general3A_84 = tpu.matmul %get3A_1, %get3A_82, %dot_general3A_83 {dimension_numbers = #tpu.dot_dimension_numbers<[1], [0], [0], [1], [0, 0, 1, 1], [], []>, precision = #tpu.contract_precision<fp32>, transpose_lhs_hint = false} : vector<400x128xf32>, vector<128x128xf32>, vector<400x128xf32> -> vector<400x128xf32>
    %swap3A_85 = arith.constant 0 : index
    %swap3A_86 = arith.constant 3 : index
    %swap3A_87 = arith.constant 0 : index
    %swap3A_88 = vector.load %arg4[%swap3A_85, %swap3A_86, %swap3A_87] : memref<400x8x128xf32, #tpu.memory_space<vmem>>, vector<400x1x128xf32>
    %swap3A_89 = vector.shape_cast %swap3A_88 : vector<400x1x128xf32> to vector<400x128xf32>
    %swap3A_90 = vector.shape_cast %dot_general3A_84 : vector<400x128xf32> to vector<400x1x128xf32>
    tpu.vector_store %arg4[%swap3A_85, %swap3A_86, %swap3A_87], %swap3A_90 {strides = array<i32>} : memref<400x8x128xf32, #tpu.memory_space<vmem>>, vector<400x1x128xf32>,
    %get3A_91 = arith.constant 3 : index
    %get3A_92 = arith.constant 0 : index
    %get3A_93 = arith.constant 0 : index
    %get3A_94 = vector.load %arg3[%get3A_91, %get3A_92, %get3A_93] : memref<8x128x16xf32, #tpu.memory_space<vmem>>, vector<1x128x16xf32>
    %get3A_95 = vector.shape_cast %get3A_94 : vector<1x128x16xf32> to vector<128x16xf32>
    %dot_general3A_96 = arith.constant dense<0.000000e+00> : vector<400x16xf32>
    %dot_general3A_97 = tpu.matmul %dot_general3A_84, %get3A_95, %dot_general3A_96 {dimension_numbers = #tpu.dot_dimension_numbers<[1], [0], [0], [1], [0, 0, 1, 1], [], []>, precision = #tpu.contract_precision<fp32>, transpose_lhs_hint = false} : vector<400x128xf32>, vector<128x16xf32>, vector<400x16xf32> -> vector<400x16xf32>
    %swap3A_98 = arith.constant 0 : index
    %swap3A_99 = arith.constant 3 : index
    %swap3A_100 = arith.constant 0 : index
    %swap3A_101 = vector.load %arg5[%swap3A_98, %swap3A_99, %swap3A_100] : memref<400x8x16xf32, #tpu.memory_space<vmem>>, vector<400x1x16xf32>
    %swap3A_102 = vector.shape_cast %swap3A_101 : vector<400x1x16xf32> to vector<400x16xf32>
    %swap3A_103 = vector.shape_cast %dot_general3A_97 : vector<400x16xf32> to vector<400x1x16xf32>
    tpu.vector_store %arg5[%swap3A_98, %swap3A_99, %swap3A_100], %swap3A_103 {strides = array<i32>} : memref<400x8x16xf32, #tpu.memory_space<vmem>>, vector<400x1x16xf32>,
    %get3A_104 = arith.constant 4 : index
    %get3A_105 = arith.constant 0 : index
    %get3A_106 = arith.constant 0 : index
    %get3A_107 = vector.load %arg2[%get3A_104, %get3A_105, %get3A_106] : memref<8x128x128xf32, #tpu.memory_space<vmem>>, vector<1x128x128xf32>
    %get3A_108 = vector.shape_cast %get3A_107 : vector<1x128x128xf32> to vector<128x128xf32>
    %dot_general3A_109 = arith.constant dense<0.000000e+00> : vector<400x128xf32>
    %dot_general3A_110 = tpu.matmul %get3A_1, %get3A_108, %dot_general3A_109 {dimension_numbers = #tpu.dot_dimension_numbers<[1], [0], [0], [1], [0, 0, 1, 1], [], []>, precision = #tpu.contract_precision<fp32>, transpose_lhs_hint = false} : vector<400x128xf32>, vector<128x128xf32>, vector<400x128xf32> -> vector<400x128xf32>
    %swap3A_111 = arith.constant 0 : index
    %swap3A_112 = arith.constant 4 : index
    %swap3A_113 = arith.constant 0 : index
    %swap3A_114 = vector.load %arg4[%swap3A_111, %swap3A_112, %swap3A_113] : memref<400x8x128xf32, #tpu.memory_space<vmem>>, vector<400x1x128xf32>
    %swap3A_115 = vector.shape_cast %swap3A_114 : vector<400x1x128xf32> to vector<400x128xf32>
    %swap3A_116 = vector.shape_cast %dot_general3A_110 : vector<400x128xf32> to vector<400x1x128xf32>
    tpu.vector_store %arg4[%swap3A_111, %swap3A_112, %swap3A_113], %swap3A_116 {strides = array<i32>} : memref<400x8x128xf32, #tpu.memory_space<vmem>>, vector<400x1x128xf32>,
    %get3A_117 = arith.constant 4 : index
    %get3A_118 = arith.constant 0 : index
    %get3A_119 = arith.constant 0 : index
    %get3A_120 = vector.load %arg3[%get3A_117, %get3A_118, %get3A_119] : memref<8x128x16xf32, #tpu.memory_space<vmem>>, vector<1x128x16xf32>
    %get3A_121 = vector.shape_cast %get3A_120 : vector<1x128x16xf32> to vector<128x16xf32>
    %dot_general3A_122 = arith.constant dense<0.000000e+00> : vector<400x16xf32>
    %dot_general3A_123 = tpu.matmul %dot_general3A_110, %get3A_121, %dot_general3A_122 {dimension_numbers = #tpu.dot_dimension_numbers<[1], [0], [0], [1], [0, 0, 1, 1], [], []>, precision = #tpu.contract_precision<fp32>, transpose_lhs_hint = false} : vector<400x128xf32>, vector<128x16xf32>, vector<400x16xf32> -> vector<400x16xf32>
    %swap3A_124 = arith.constant 0 : index
    %swap3A_125 = arith.constant 4 : index
    %swap3A_126 = arith.constant 0 : index
    %swap3A_127 = vector.load %arg5[%swap3A_124, %swap3A_125, %swap3A_126] : memref<400x8x16xf32, #tpu.memory_space<vmem>>, vector<400x1x16xf32>
    %swap3A_128 = vector.shape_cast %swap3A_127 : vector<400x1x16xf32> to vector<400x16xf32>
    %swap3A_129 = vector.shape_cast %dot_general3A_123 : vector<400x16xf32> to vector<400x1x16xf32>
    tpu.vector_store %arg5[%swap3A_124, %swap3A_125, %swap3A_126], %swap3A_129 {strides = array<i32>} : memref<400x8x16xf32, #tpu.memory_space<vmem>>, vector<400x1x16xf32>,
    %get3A_130 = arith.constant 5 : index
    %get3A_131 = arith.constant 0 : index
    %get3A_132 = arith.constant 0 : index
    %get3A_133 = vector.load %arg2[%get3A_130, %get3A_131, %get3A_132] : memref<8x128x128xf32, #tpu.memory_space<vmem>>, vector<1x128x128xf32>
    %get3A_134 = vector.shape_cast %get3A_133 : vector<1x128x128xf32> to vector<128x128xf32>
    %dot_general3A_135 = arith.constant dense<0.000000e+00> : vector<400x128xf32>
    %dot_general3A_136 = tpu.matmul %get3A_1, %get3A_134, %dot_general3A_135 {dimension_numbers = #tpu.dot_dimension_numbers<[1], [0], [0], [1], [0, 0, 1, 1], [], []>, precision = #tpu.contract_precision<fp32>, transpose_lhs_hint = false} : vector<400x128xf32>, vector<128x128xf32>, vector<400x128xf32> -> vector<400x128xf32>
    %swap3A_137 = arith.constant 0 : index
    %swap3A_138 = arith.constant 5 : index
    %swap3A_139 = arith.constant 0 : index
    %swap3A_140 = vector.load %arg4[%swap3A_137, %swap3A_138, %swap3A_139] : memref<400x8x128xf32, #tpu.memory_space<vmem>>, vector<400x1x128xf32>
    %swap3A_141 = vector.shape_cast %swap3A_140 : vector<400x1x128xf32> to vector<400x128xf32>
    %swap3A_142 = vector.shape_cast %dot_general3A_136 : vector<400x128xf32> to vector<400x1x128xf32>
    tpu.vector_store %arg4[%swap3A_137, %swap3A_138, %swap3A_139], %swap3A_142 {strides = array<i32>} : memref<400x8x128xf32, #tpu.memory_space<vmem>>, vector<400x1x128xf32>,
    %get3A_143 = arith.constant 5 : index
    %get3A_144 = arith.constant 0 : index
    %get3A_145 = arith.constant 0 : index
    %get3A_146 = vector.load %arg3[%get3A_143, %get3A_144, %get3A_145] : memref<8x128x16xf32, #tpu.memory_space<vmem>>, vector<1x128x16xf32>
    %get3A_147 = vector.shape_cast %get3A_146 : vector<1x128x16xf32> to vector<128x16xf32>
    %dot_general3A_148 = arith.constant dense<0.000000e+00> : vector<400x16xf32>
    %dot_general3A_149 = tpu.matmul %dot_general3A_136, %get3A_147, %dot_general3A_148 {dimension_numbers = #tpu.dot_dimension_numbers<[1], [0], [0], [1], [0, 0, 1, 1], [], []>, precision = #tpu.contract_precision<fp32>, transpose_lhs_hint = false} : vector<400x128xf32>, vector<128x16xf32>, vector<400x16xf32> -> vector<400x16xf32>
    %swap3A_150 = arith.constant 0 : index
    %swap3A_151 = arith.constant 5 : index
    %swap3A_152 = arith.constant 0 : index
    %swap3A_153 = vector.load %arg5[%swap3A_150, %swap3A_151, %swap3A_152] : memref<400x8x16xf32, #tpu.memory_space<vmem>>, vector<400x1x16xf32>
    %swap3A_154 = vector.shape_cast %swap3A_153 : vector<400x1x16xf32> to vector<400x16xf32>
    %swap3A_155 = vector.shape_cast %dot_general3A_149 : vector<400x16xf32> to vector<400x1x16xf32>
    tpu.vector_store %arg5[%swap3A_150, %swap3A_151, %swap3A_152], %swap3A_155 {strides = array<i32>} : memref<400x8x16xf32, #tpu.memory_space<vmem>>, vector<400x1x16xf32>,
    %get3A_156 = arith.constant 6 : index
    %get3A_157 = arith.constant 0 : index
    %get3A_158 = arith.constant 0 : index
    %get3A_159 = vector.load %arg2[%get3A_156, %get3A_157, %get3A_158] : memref<8x128x128xf32, #tpu.memory_space<vmem>>, vector<1x128x128xf32>
    %get3A_160 = vector.shape_cast %get3A_159 : vector<1x128x128xf32> to vector<128x128xf32>
    %dot_general3A_161 = arith.constant dense<0.000000e+00> : vector<400x128xf32>
    %dot_general3A_162 = tpu.matmul %get3A_1, %get3A_160, %dot_general3A_161 {dimension_numbers = #tpu.dot_dimension_numbers<[1], [0], [0], [1], [0, 0, 1, 1], [], []>, precision = #tpu.contract_precision<fp32>, transpose_lhs_hint = false} : vector<400x128xf32>, vector<128x128xf32>, vector<400x128xf32> -> vector<400x128xf32>
    %swap3A_163 = arith.constant 0 : index
    %swap3A_164 = arith.constant 6 : index
    %swap3A_165 = arith.constant 0 : index
    %swap3A_166 = vector.load %arg4[%swap3A_163, %swap3A_164, %swap3A_165] : memref<400x8x128xf32, #tpu.memory_space<vmem>>, vector<400x1x128xf32>
    %swap3A_167 = vector.shape_cast %swap3A_166 : vector<400x1x128xf32> to vector<400x128xf32>
    %swap3A_168 = vector.shape_cast %dot_general3A_162 : vector<400x128xf32> to vector<400x1x128xf32>
    tpu.vector_store %arg4[%swap3A_163, %swap3A_164, %swap3A_165], %swap3A_168 {strides = array<i32>} : memref<400x8x128xf32, #tpu.memory_space<vmem>>, vector<400x1x128xf32>,
    %get3A_169 = arith.constant 6 : index
    %get3A_170 = arith.constant 0 : index
    %get3A_171 = arith.constant 0 : index
    %get3A_172 = vector.load %arg3[%get3A_169, %get3A_170, %get3A_171] : memref<8x128x16xf32, #tpu.memory_space<vmem>>, vector<1x128x16xf32>
    %get3A_173 = vector.shape_cast %get3A_172 : vector<1x128x16xf32> to vector<128x16xf32>
    %dot_general3A_174 = arith.constant dense<0.000000e+00> : vector<400x16xf32>
    %dot_general3A_175 = tpu.matmul %dot_general3A_162, %get3A_173, %dot_general3A_174 {dimension_numbers = #tpu.dot_dimension_numbers<[1], [0], [0], [1], [0, 0, 1, 1], [], []>, precision = #tpu.contract_precision<fp32>, transpose_lhs_hint = false} : vector<400x128xf32>, vector<128x16xf32>, vector<400x16xf32> -> vector<400x16xf32>
    %swap3A_176 = arith.constant 0 : index
    %swap3A_177 = arith.constant 6 : index
    %swap3A_178 = arith.constant 0 : index
    %swap3A_179 = vector.load %arg5[%swap3A_176, %swap3A_177, %swap3A_178] : memref<400x8x16xf32, #tpu.memory_space<vmem>>, vector<400x1x16xf32>
    %swap3A_180 = vector.shape_cast %swap3A_179 : vector<400x1x16xf32> to vector<400x16xf32>
    %swap3A_181 = vector.shape_cast %dot_general3A_175 : vector<400x16xf32> to vector<400x1x16xf32>
    tpu.vector_store %arg5[%swap3A_176, %swap3A_177, %swap3A_178], %swap3A_181 {strides = array<i32>} : memref<400x8x16xf32, #tpu.memory_space<vmem>>, vector<400x1x16xf32>,
    %get3A_182 = arith.constant 7 : index
    %get3A_183 = arith.constant 0 : index
    %get3A_184 = arith.constant 0 : index
    %get3A_185 = vector.load %arg2[%get3A_182, %get3A_183, %get3A_184] : memref<8x128x128xf32, #tpu.memory_space<vmem>>, vector<1x128x128xf32>
    %get3A_186 = vector.shape_cast %get3A_185 : vector<1x128x128xf32> to vector<128x128xf32>
    %dot_general3A_187 = arith.constant dense<0.000000e+00> : vector<400x128xf32>
    %dot_general3A_188 = tpu.matmul %get3A_1, %get3A_186, %dot_general3A_187 {dimension_numbers = #tpu.dot_dimension_numbers<[1], [0], [0], [1], [0, 0, 1, 1], [], []>, precision = #tpu.contract_precision<fp32>, transpose_lhs_hint = false} : vector<400x128xf32>, vector<128x128xf32>, vector<400x128xf32> -> vector<400x128xf32>
    %swap3A_189 = arith.constant 0 : index
    %swap3A_190 = arith.constant 7 : index
    %swap3A_191 = arith.constant 0 : index
    %swap3A_192 = vector.load %arg4[%swap3A_189, %swap3A_190, %swap3A_191] : memref<400x8x128xf32, #tpu.memory_space<vmem>>, vector<400x1x128xf32>
    %swap3A_193 = vector.shape_cast %swap3A_192 : vector<400x1x128xf32> to vector<400x128xf32>
    %swap3A_194 = vector.shape_cast %dot_general3A_188 : vector<400x128xf32> to vector<400x1x128xf32>
    tpu.vector_store %arg4[%swap3A_189, %swap3A_190, %swap3A_191], %swap3A_194 {strides = array<i32>} : memref<400x8x128xf32, #tpu.memory_space<vmem>>, vector<400x1x128xf32>,
    %get3A_195 = arith.constant 7 : index
    %get3A_196 = arith.constant 0 : index
    %get3A_197 = arith.constant 0 : index
    %get3A_198 = vector.load %arg3[%get3A_195, %get3A_196, %get3A_197] : memref<8x128x16xf32, #tpu.memory_space<vmem>>, vector<1x128x16xf32>
    %get3A_199 = vector.shape_cast %get3A_198 : vector<1x128x16xf32> to vector<128x16xf32>
    %dot_general3A_200 = arith.constant dense<0.000000e+00> : vector<400x16xf32>
    %dot_general3A_201 = tpu.matmul %dot_general3A_188, %get3A_199, %dot_general3A_200 {dimension_numbers = #tpu.dot_dimension_numbers<[1], [0], [0], [1], [0, 0, 1, 1], [], []>, precision = #tpu.contract_precision<fp32>, transpose_lhs_hint = false} : vector<400x128xf32>, vector<128x16xf32>, vector<400x16xf32> -> vector<400x16xf32>
    %swap3A_202 = arith.constant 0 : index
    %swap3A_203 = arith.constant 7 : index
    %swap3A_204 = arith.constant 0 : index
    %swap3A_205 = vector.load %arg5[%swap3A_202, %swap3A_203, %swap3A_204] : memref<400x8x16xf32, #tpu.memory_space<vmem>>, vector<400x1x16xf32>
    %swap3A_206 = vector.shape_cast %swap3A_205 : vector<400x1x16xf32> to vector<400x16xf32>
    %swap3A_207 = vector.shape_cast %dot_general3A_201 : vector<400x16xf32> to vector<400x1x16xf32>
    tpu.vector_store %arg5[%swap3A_202, %swap3A_203, %swap3A_204], %swap3A_207 {strides = array<i32>} : memref<400x8x16xf32, #tpu.memory_space<vmem>>, vector<400x1x16xf32>,
    return
  }
  func.func @transform_0(%arg0: i32) -> (i32, i32) {
    %c0_i32 = arith.constant 0 : i32
    %c0_i32_0 = arith.constant 0 : i32
    return %arg0, %c0_i32 : i32, i32
  }
  func.func @transform_1(%arg0: i32) -> (i32, i32, i32) {
    %c0_i32 = arith.constant 0 : i32
    %c0_i32_0 = arith.constant 0 : i32
    %c0_i32_1 = arith.constant 0 : i32
    %c0_i32_2 = arith.constant 0 : i32
    return %c0_i32, %c0_i32_0, %c0_i32_1 : i32, i32, i32
  }
  func.func @transform_2(%arg0: i32) -> (i32, i32, i32) {
    %c0_i32 = arith.constant 0 : i32
    %c0_i32_0 = arith.constant 0 : i32
    %c0_i32_1 = arith.constant 0 : i32
    %c0_i32_2 = arith.constant 0 : i32
    return %c0_i32, %c0_i32_0, %c0_i32_1 : i32, i32, i32
  }
  func.func @transform_3(%arg0: i32) -> (i32, i32, i32) {
    %c0_i32 = arith.constant 0 : i32
    %c0_i32_0 = arith.constant 0 : i32
    %c0_i32_1 = arith.constant 0 : i32
    return %arg0, %c0_i32, %c0_i32_0 : i32, i32, i32
  }
  func.func @transform_4(%arg0: i32) -> (i32, i32, i32) {
    %c0_i32 = arith.constant 0 : i32
    %c0_i32_0 = arith.constant 0 : i32
    %c0_i32_1 = arith.constant 0 : i32
    return %arg0, %c0_i32, %c0_i32_0 : i32, i32, i32
  }
}

</mosaic_0001>

<sc_bundles>
// kernel: kernel.4.cloned.1.call-start
scs
__scs_entry_jumppad:
0x0: {  	(pc) =	sbr.rel $0x88, $3  }
0x1: {  	(tag) =	ssettag $0x0;
	lr =	simm.s32 $0x1  }
0x2: {  	[smem:$0x3F9C] =	sst lr;
	_ =	strace $0xD0000000  }
0x3: {  	_ = 	snop  }
0x4: {  	_ = 	snop  }
0x5: {  	_ = 	snop  }
0x6: {  	_ = 	snop  }
0x7: {  	_ = 	snop  }
__scs_overlays_trampoline_lowered:
0x8: {  	[smem:$0x3FAB] =	sst s0  }
0x9: {  	[smem:$0x3FAC] =	sst s1  }
0xa: {  	[smem:$0x3FAD] =	sst s2  }
0xb: {  	[smem:$0x3FAE] =	sst s3  }
0xc: {  	[smem:$0x3FAF] =	sst s4  }
0xd: {  	[smem:$0x3FB0] =	sst s5  }
0xe: {  	[smem:$0x3FB1] =	sst s6  }
0xf: {  	[smem:$0x3FB2] =	sst s7  }
0x10: {  	[smem:$0x3FB3] =	sst s8  }
0x11: {  	[smem:$0x3FB4] =	sst s9;
	s0 =	simm.s32 @!p0 $0x0  }
0x12: {  	s1 =	sld [smem:$0x3F9A];
	s0 =	simm.s32 @p0 $0x1  }
0x13: {  	[smem:$0x3FB5] =	sst s0;
	s0 =	simm.s32 @!p1 $0x0  }
0x14: {  	s2 =	sld [smem:$0x3F99];
	s0 =	simm.s32 @p1 $0x1  }
0x15: {  	[smem:$0x3FB6] =	sst s0;
	s0 =	simm.s32 @!p2 $0x0  }
0x16: {  	s3 =	sld [smem:$0x3FDB];
	s0 =	simm.s32 @p2 $0x1  }
0x17: {  	s4 =	simm.s32 $0x1BF5;
	[smem:$0x3FB8] =	sst s0  }
0x18: {  	s0 =	sld [smem:$0x3F9B];
	_ =	swait.ge [sflag:s4], $0x0  }
0x19: {  	s7 =	sld [smem:$0x3F9C]  }
0x1a: {  	s8 =	sadd.s32 $0xFFFFE003, lr  }
0x1b: {  	s9 =	sadd.s32 $0xFFFFFEF7, lr;
	s5 =	simm.s32 $0xFFFFFFFF;
	p2 =	slt.u32 s8, $0xFFFFF086  }
0x1c: {  	p1 =	slt.u32 s9, $0xF7A;
	s5 =	simm.s32 @!p2 $0x0  }
0x1d: {  	s5 =	simm.s32 @p1 $0x1;
	p0 =	seq.s32 s7, s2  }
0x1e: {  	s7 =	smul.u32 @!p0 $0xF7A, s2;
	p2 =	seq.s32 @!p0 s5, $0x0  }
0x1f: {  	s9 =	smul.u32 $0xF7A, s1;
	s8 =	simm.s32 @!p0 $0x1BF5;
	p2 =	por !p2, p0  }
0x20: {  	[sflag:s8] =	ssyncset.s32 @!p0 $0xFFFFF086;
	s6 =	sadd.s32 @!p0 s3, s7;
	s7 =	simm.s32 @!p0 $0x108  }
0x21: {  	s3 =	sadd.s32 s3, s9;
	s6 =	sadd.s32 @!p0 $0x88, s6;
	s7 =	simm.s32 @p2 $0x1082  }
0x22: {  	[simem:s7], [sflag:s8] =	dma.local @!p0 [hbm:s6], $0xF7A  }
0x23: {  	s9 =	sor.u32 $0xD0000000, s2;
	s6 =	simm.s32 $0x108;
	_ =	swait.ge @!p0 [sflag:s8], $0x0  }
0x24: {  	s3 =	sadd.s32 $0x88, s3;
	s6 =	simm.s32 @!p1 $0x1082;
	[sflag:s4] =	ssyncset.s32 $0xFFFFF086  }
0x25: {  	[simem:s6], [sflag:s4] =	dma.local [hbm:s3], $0xF7A  }
0x26: {  	[smem:$0x3F9C] =	sst s1;
	(tag) =	ssettag s2;
	_ =	strace s9  }
0x27: {  	s1 =	sld [smem:$0x3FAC]  }
0x28: {  	s2 =	sld [smem:$0x3FAD]  }
0x29: {  	s4 =	sld [smem:$0x3FAF]  }
0x2a: {  	p0 =	seq.s32 s5, $0x0;
	s5 =	sld [smem:$0x3FB0]  }
0x2b: {  	s6 =	sld [smem:$0x3FB1]  }
0x2c: {  	s7 =	sld [smem:$0x3FB2]  }
0x2d: {  	s3 =	simm.s32 $0x108;
	s8 =	sld [smem:$0x3FB3]  }
0x2e: {  	s3 =	simm.s32 @!p0 $0x1082;
	s9 =	sld [smem:$0x3FB4]  }
0x2f: {  	lr =	sadd.s32 s0, s3;
	s0 =	sld [smem:$0x3FAB]  }
0x30: {  	s3 =	sld [smem:$0x3FAE]  }
0x31: {  	[smem:$0x3FB7] =	sst s10  }
0x32: {  	s10 =	sld [smem:$0x3FB5];
	_ =	sdelay $0x3  }
0x33: {  	p0 =	seq.s32 s10, $0x1;
	s10 =	sld [smem:$0x3FB7];
	_ =	sdelay $0x3  }
0x34: {  	[smem:$0x3FB7] =	sst s10  }
0x35: {  	s10 =	sld [smem:$0x3FB6];
	_ =	sdelay $0x3  }
0x36: {  	p1 =	seq.s32 s10, $0x1;
	s10 =	sld [smem:$0x3FB7];
	_ =	sdelay $0x3  }
0x37: {  	[smem:$0x3FB7] =	sst s10  }
0x38: {  	s10 =	sld [smem:$0x3FB8]  }
0x39: {  	_ = 	snop;
	(pc) =	sbr.ind lr, $3  }
0x3a: {  	_ = 	snop  }
0x3b: {  	_ = 	snop  }
0x3c: {  	p2 =	seq.s32 s10, $0x1;
	s10 =	sld [smem:$0x3FB7]  }
0x3d: {  	_ =	shalt  }
0x3e: {  	_ =	shalt  }
0x3f: {  	_ =	shalt  }
0x40: {  	_ =	shalt  }
0x41: {  	_ =	shalt  }
0x42: {  	_ =	shalt  }
0x43: {  	_ =	shalt  }
0x44: {  	_ =	shalt  }
0x45: {  	_ =	shalt  }
0x46: {  	_ =	shalt  }
0x47: {  	_ =	shalt  }
0x48: {  	_ =	shalt  }
0x49: {  	_ =	shalt  }
0x4a: {  	_ =	shalt  }
0x4b: {  	_ =	shalt  }
0x4c: {  	_ =	shalt  }
0x4d: {  	_ =	shalt  }
0x4e: {  	_ =	shalt  }
0x4f: {  	_ =	shalt  }
0x50: {  	_ =	shalt  }
0x51: {  	_ =	shalt  }
0x52: {  	_ =	shalt  }
0x53: {  	_ =	shalt  }
0x54: {  	_ =	shalt  }
0x55: {  	_ =	shalt  }
0x56: {  	_ =	shalt  }
0x57: {  	_ =	shalt  }
0x58: {  	_ =	shalt  }
0x59: {  	_ =	shalt  }
0x5a: {  	_ =	shalt  }
0x5b: {  	_ =	shalt  }
0x5c: {  	_ =	shalt  }
0x5d: {  	_ =	shalt  }
0x5e: {  	_ =	shalt  }
0x5f: {  	_ =	shalt  }
0x60: {  	_ =	shalt  }
0x61: {  	_ =	shalt  }
0x62: {  	_ =	shalt  }
0x63: {  	_ =	shalt  }
0x64: {  	_ =	shalt  }
0x65: {  	_ =	shalt  }
0x66: {  	_ =	shalt  }
0x67: {  	_ =	shalt  }
0x68: {  	_ =	shalt  }
0x69: {  	_ =	shalt  }
0x6a: {  	_ =	shalt  }
0x6b: {  	_ =	shalt  }
0x6c: {  	_ =	shalt  }
0x6d: {  	_ =	shalt  }
0x6e: {  	_ =	shalt  }
0x6f: {  	_ =	shalt  }
0x70: {  	_ =	shalt  }
0x71: {  	_ =	shalt  }
0x72: {  	_ =	shalt  }
0x73: {  	_ =	shalt  }
0x74: {  	_ =	shalt  }
0x75: {  	_ =	shalt  }
0x76: {  	_ =	shalt  }
0x77: {  	_ =	shalt  }
0x78: {  	_ =	shalt  }
0x79: {  	_ =	shalt  }
0x7a: {  	_ =	shalt  }
0x7b: {  	_ =	shalt  }
0x7c: {  	_ =	shalt  }
0x7d: {  	_ =	shalt  }
0x7e: {  	_ =	shalt  }
0x7f: {  	_ =	shalt  }
0x80: {  	_ =	shalt  }
0x81: {  	_ =	shalt  }
0x82: {  	_ =	shalt  }
0x83: {  	_ =	shalt  }
0x84: {  	_ =	shalt  }
0x85: {  	_ =	shalt  }
0x86: {  	_ =	shalt  }
0x87: {  	_ =	shalt  }
.Lfunc_end0:
.L_simem_size_0:
called_computation_lowered:
.L_overlay_start_0:
0x88: {  	s2 =	sld [smem:$0x3FD9]  }
0x89: {  	s3 =	sld [smem:$0x3FFE];
	_ =	sdelay $0x1  }
0x8a: {  	s1 =	srdreg.scid  }
0x8b: {  	s0 =	sand.u32 $0x1, s1  }
0x8c: {  	s17 =	sshll.u32 s0, $0xA;
	s2 =	sadd.s32 s3, s2  }
0x8d: {  	s2 =	sadd.s32 s2, s17  }
0x8e: {  	[smem:$0x3FC3] =	sst s2  }
0x8f: {  	_ = 	snop  }
0x90: {  	s2 =	sld [smem:$0x3FC5]  }
0x91: {  	s18 =	sld [smem:$0x3FD0];
	(tm) =	ssettm $0x1  }
0x92: {  	s4 =	sld [smem:$0x3FFB];
	_ =	sdelay $0x3  }
0x93: {  	_ =	strace s4  }
0x94: {  	s4 =	sld [smem:$0x3FFC];
	_ =	sdelay $0x3  }
0x95: {  	_ =	strace s4  }
0x96: {  	s4 =	sld [smem:$0x3FFD];
	_ =	sdelay $0x3  }
0x97: {  	_ =	strace s4  }
0x98: {  	_ =	strace $0x8FFFFFFF  }
0x99: {  	s19 =	sld [smem:$0x3FDB];
	_ =	sdelay $0x1  }
0x9a: {  	s5 =	simm.s32 $_scs_section_size  }
0x9b: {  	s6 =	simm.s32 $_size__tile_overlayer_lowered;
	s7 =	simm.s32 $_tile_overlayer_lowered  }
0x9c: {  	s22 =	simm.s32 $0x1BFF;
	s21 =	sshll.u32 s7, $0x1;
	s4 =	sadd.s32 s5, s19  }
0x9d: {  	s8 =	simm.s32 $0x0;
	s20 =	sshll.u32 s6, $0x1;
	s6 =	sadd.s32 s21, s4  }
0x9e: {  	[timem:s8], [sflag:s22] =	dma.local [hbm:s6], s20  }
0x9f: {  	_ =	swait.ge [sflag:s22], s20  }
0xa0: {  	s5 =	ssub.s32 $0x0, s20;
	[sflag:s22] =	ssyncset.done $0x0  }
0xa1: {  	[sflag:s22] =	ssyncadd.s32 s5;
	_ =	sdelay $0x1  }
0xa2: {  	s23 =	simm.s32 $0x1B8B  }
0xa3: {  	_ =	swait.ge [sflag:s23], $0x1  }
0xa4: {  	[sflag:s23] =	ssyncset.done $0x0  }
0xa5: {  	s25 =	simm.s32 $0x1B8E;
	s24 =	sld [smem:$0x3FFE];
	[sflag:s23] =	ssyncadd.s32 $0xFFFFFFFF  }
0xa6: {  	s26 =	simm.s32 $execute0_lowered;
	[smem:$0x3FD2] =	sst s25  }
0xa7: {  	s6 =	sshll.u32 s26, $0x1;
	_ =	strace $0x80000046;
	[dreg:$0x1] =	wrdreg $0xFFFFFFFF  }
0xa8: {  	s28 =	simm.s32 $_size_execute0_lowered;
	s4 =	sadd.s32 s4, s6;
	[dreg:$0x0] =	wrdreg $0x0  }
0xa9: {  	s6 =	sshll.u32 s28, $0x1;
	[dreg:$0x2] =	wrdreg s4  }
0xaa: {  	[dreg:$0x3] =	wrdreg s6  }
0xab: {  	[dreg:$0x4] =	wrdreg $0xC0  }
0xac: {  	_ =	task [dreg:s8], $0x5FFFF  }
0xad: {  	[dreg:$0x1] =	wrdreg $0xFFFFFFFF  }
0xae: {  	[dreg:$0x0] =	wrdreg $0x60  }
0xaf: {  	[dreg:$0x2] =	wrdreg s24  }
0xb0: {  	[dreg:$0x3] =	wrdreg s2  }
0xb1: {  	[dreg:$0x4] =	wrdreg s18  }
0xb2: {  	[dreg:$0x5] =	wrdreg $0x9  }
0xb3: {  	_ =	task.clear_ibuf [dreg:s8], $0x6FFFF;
	_ =	strace $0x90000046  }
0xb4: {  	s29 =	simm.s32 $0x9;
	_ =	strace $0x80000048  }
0xb5: {  	_ =	swait.ge [sflag:s29], $0x1  }
0xb6: {  	[sflag:s29] =	ssyncadd.s32 $0xFFFFFFFF  }
0xb7: {  	_ =	strace $0x90000048  }
0xb8: {  	_ =	sfence  }
0xb9: {  	s30 =	sld [smem:$0x0];
	_ =	sdelay $0x2  }
0xba: {  	s31 =	sshll.u32 s1, $0xD;
	s1 =	sshrl.u32 s1, $0x2  }
0xbb: {  	s3 =	sand.u32 $0x4000, s31;
	s1 =	sadd.s32 s1, s30  }
0xbc: {  	s0 =	sor.u32 s3, s0;
	s1 =	sshll.u32 s1, $0x11  }
0xbd: {  	s0 =	sor.u32 s1, s0  }
0xbe: {  	s0 =	sadd.s32 $0x8F2B, s0  }
0xbf: {  	[sflag:s0] =	ssyncadd.remote.s32 $0x1  }
0xc0: {  	_ =	sfence.sel $0xFFFF  }
0xc1: {  	[dreg:$0x0] =	wrdreg $0xFFFFFFFF;
	(pc) =	sbr.abs _section_cstart, $3  }
0xc2: {  	[dreg:$0x1] =	wrdreg $0xFFFFFFFF  }
0xc3: {  	_ =	task.clear_ibuf [dreg:s8], $0x2FFFF;
	_ =	strace $0x9FFFFFFF  }
0xc4: {  	(tm) =	ssettm $0x7FFFFFFF  }
0xc5: {  	_ =	shalt  }
tec
execute0_lowered:
.L_overlay_start_1:
0x0: {  	(tag) =	ssettag $0x1  }
0x1: {  	s0 =	rddreg [dreg:$0x0]  }
0x2: {  	s6 =	rddreg [dreg:$0x1]  }
0x3: {  	s1 =	rddreg [dreg:$0x2];
	s2 =	srdreg.scid  }
0x4: {  	s3 =	stileid.u32;
	s4 =	simm.s32 $0x0;
	s31 =	simm.s32 $0x7D0  }
0x5: {  	s12 =	simm.s32 $0x1;
	s13 =	simm.s32 $0x1770;
	s14 =	simm.s32 $0x1F70  }
0x6: {  	s15 =	simm.s32 $0x2770;
	s16 =	simm.s32 $0x200;
	s17 =	simm.s32 $0x2F70  }
0x7: {  	s18 =	simm.s32 $0x4F70;
	s19 =	simm.s32 $0xEDF0;
	s20 =	simm.s32 $0xF7C8  }
0x8: {  	v0 =	vlaneseq.u32;
	s21 =	simm.s32 $0x80;
	s2 =	sand.u32 $0x1, s2;
	s3 =	sshll.u32 s3, $0x1  }
0x9: {  	v5 =	vimm.f32 $-3.000000010e+38;
	v6 =	vimm.f32 $0.0e+00;
	v7 =	vimm.s32 $0x139;
	[smem:$0x7FF] =	sst s4;
	s4 =	sadd.s32 $0x139000, s0;
	s3 =	sor.u32 s2, s3  }
0xa: {  	v8 =	vimm.s32 $0x0;
	vm0 =	vcmask $0x300;
	s5 =	sadd.s32 $0x271800, s0;
	s30 =	sadd.s32 $0x5800, s0;
	v3 =	vshrl.u32 v0, $0x3;
	s7 =	smul.u32 $0x139, s3  }
0xb: {  	v12 =	vand.u32 $0x7, v0;
	v13 =	vor.u32 $0x8, v0;
	v14 =	vsel vm0, $0x3, v8;
	_ =	strace $0x80000047;
	s2 =	ssub.s32 $0x2, s2;
	s9 =	smul.u32 $0x1390, s3  }
0xc: {  	v15 =	vor.u32 $0x10, v0;
	v16 =	vor.u32 $0x20, v0;
	v17 =	vor.u32 $0x30, v0;
	[dreg:$0x4] =	wrdreg s30;
	s10 =	sshrl.u32 s2, $0x1;
	s3 =	sshll.u32 s3, $0x3  }
0xd: {  	v18 =	vor.u32 $0x40, v0;
	v19 =	vor.u32 $0x50, v0;
	v20 =	vor.u32 $0x60, v0;
	s29 =	ssub.s32 s2, s10;
	s8 =	sadd.s32 $0x139, s7;
	s1 =	sadd.s32 s1, s9  }
0xe: {  	v9 =	vmul.u32 $0xFFFFFFFF, v3;
	v11 =	vmul.u32 $0xFFFFFFF0, v3;
	v1 =	vmov s7;
	s7 =	sadd.s32 $0x800, s0;
	s0 =	smax.u32 s29, $0x1;
	[dreg:$0x6] =	wrdreg s1  }
0xf: {  	s22 =	simm.s32 $0xADF0;
	s23 =	simm.s32 $0x6F70;
	v21 =	vor.u32 $0x70, v0;
	v10 =	vmul.u32 $0x10, v3;
	v4 =	vmov s3;
	[dreg:$0x7] =	wrdreg s0  }
0x10: {  	s24 =	simm.s32 $0x101A0;
	v9 =	vadd.s32 $0x1, v9;
	v11 =	vadd.s32 $0x10, v11;
	s2 =	simm.s32 $0x0;
	v2 =	vmov s8;
	[dreg:$0x5] =	wrdreg s7  }
.LBB2_1:
0x11: {  	[dreg:$0x8] =	wrdreg s2;
	s0 =	simm.s32 $0x40;
	s1 =	simm.s32 $0x0  }
.LBB2_2:
0x12: {  	p0 =	sne.s32 s0, $0x2700;
	[tilespmem:s1+$0xEDF0] =	vst v5;
	s2 =	smov.u32 s0;
	s0 =	sadd.s32 $0x40, s0  }
.Ltmp0:
0x13: {  	[tilespmem:s1+$0xF7C8] =	vst v6;
	(pc) =	sbr.rel @p0 .LBB2_2-.Ltmp0, $2  }
0x14: {  	_ =	sdelay $0x2  }
0x15: {  	s1 =	sshra.s32 s2, $0x2  }
0x16: {  	[tilespmem:s1+$0xEDF0] =	vst v5  }
0x17: {  	s0 =	simm.s32 $0x0;
	[tilespmem:s1+$0xF7C8] =	vst v6;
	s1 =	simm.s32 $0x0  }
.LBB2_4:
0x18: {  	p0 =	sne.s32 s1, $0x273C0  }
.Ltmp1:
0x19: {  	_ = 	snop;
	(pc) =	sbr.rel @p0 .LBB2_4-.Ltmp1, $3  }
0x1a: {  	_ =	sdelay $0x1  }
0x1b: {  	s2 =	sshra.s32 s1, $0x2  }
0x1c: {  	s1 =	sadd.s32 $0x40, s1;
	[tilespmem:s2+$0x101A0] =	vst v6  }
0x1d: {  	s1 =	simm.s32 $0x1770;
	v22 =	vor.u32 s0, v0  }
0x1e: {  	s2 =	simm.s32 $0x1F70;
	[tilespmem:s1+$0x0] =	vst v22  }
0x1f: {  	s3 =	simm.s32 $0x2770;
	[tilespmem:s2+$0x0] =	vst v22  }
0x20: {  	s8 =	simm.s32 $0x10;
	[tilespmem:s3+$0x0] =	vst v7  }
.LBB2_6:
0x21: {  	p0 =	sne.s32 s8, $0x7F0  }
.Ltmp2:
0x22: {  	_ = 	snop;
	(pc) =	sbr.rel @p0 .LBB2_6-.Ltmp2, $4  }
0x23: {  	v22 =	vor.u32 s8, v0;
	s1 =	sadd.s32 $0x10, s1  }
0x24: {  	s2 =	sadd.s32 $0x10, s2;
	[tilespmem:s1+$0x0] =	vst v22  }
0x25: {  	s3 =	sadd.s32 $0x10, s3;
	[tilespmem:s2+$0x0] =	vst v22  }
0x26: {  	s8 =	sadd.s32 $0x10, s8;
	s0 =	simm.s32 $0x0;
	[tilespmem:s3+$0x0] =	vst v7  }
.Ltmp3:
0x27: {  	(pc) =	sbr.rel .LBB2_8-.Ltmp3, $2  }
0x28: {  	_ =	sdelay $0x2  }
0x29: {  	s1 =	simm.s32 $0x0  }
.LBB2_16:
0x2a: {  	s1 =	sadd.s32 $0x1, s1  }
0x2b: {  	p0 =	sne.s32 s1, $0x50  }
.Ltmp4:
0x2c: {  	_ = 	snop;
	(pc) =	sbr.rel @!p0 .LBB2_17-.Ltmp4, $2  }
0x2d: {  	_ =	sdelay $0x2  }
0x2e: {  	s28 =	simm.s32 $0x0  }
.LBB2_8:
0x2f: {  	s2 =	smul.u32 $0xFA, s1;
	_ =	sdelay $0x1  }
0x30: {  	s3 =	sadd.s32 s7, s2  }
0x31: {  	[tilespmem:s0], [sflag:$0x1] =	stream.linear.gather [hbm4b:s3+s0], $0x7D0, $0x38;
	[tilespmem:$0x19EA0] =	vst v63  }
0x32: {  	s25 =	sadd.s32 s30, s2  }
0x33: {  	[tilespmem:s31], [sflag:$0x1] =	stream.linear.gather [hbm4b:s25+s0], $0x7D0, $0x38;
	[tilespmem:$0x19EA0] =	vst v63  }
0x34: {  	s26 =	simm.s32 $0xFA0;
	s2 =	sadd.s32 s6, s2  }
0x35: {  	[tilespmem:s26], [sflag:$0x1] =	stream.linear.gather [hbm4b:s2+s0], $0x7D0, $0x38;
	[tilespmem:$0x19EA0] =	vst v63  }
0x36: {  	_ =	swait.ge [sflag:s12], $0x7D0  }
0x37: {  	[sflag:s12] =	ssyncset.done $0x0  }
0x38: {  	[sflag:s12] =	ssyncadd.s32 $0xFFFFF830  }
0x39: {  	_ =	swait.ge [sflag:s12], $0x7D0  }
0x3a: {  	[sflag:s12] =	ssyncset.done $0x0  }
0x3b: {  	[sflag:s12] =	ssyncadd.s32 $0xFFFFF830  }
0x3c: {  	_ =	swait.ge [sflag:s12], $0x7D0  }
0x3d: {  	[sflag:s12] =	ssyncset.done $0x0  }
0x3e: {  	s28 =	simm.s32 $0x0;
	[sflag:s12] =	ssyncadd.s32 $0xFFFFF830  }
0x3f: {  	v22 =	vld [tilespmem:s28+$0x0];
	_ =	sdelay $0x4  }
0x40: {  	vm0 =	vge.s32 v22, v1;
	vm1 =	vlt.s32 v22, v2  }
0x41: {  	vm0 =	vmand vm0, vm1  }
0x42: {  	v23 =	vsel vm0, $0x1, v8  }
0x43: {  	(xrf0) =	vadd.scan.msk.s32 $0xffff, v23;
	_ =	sdelay $0x4  }
0x44: {  	v23 =	vld [tilespmem:s28+$0x7D0]  }
0x45: {  	s29 =	simm.s32 $0xFFFFFFFF;
	v24 =	vld [tilespmem:s28+$0xFA0];
	v25, _, _ =	vpop (xrf0)  }
0x46: {  	v26 =	vadd.s32 s29, v25;
	(v2sf) =	vpush v25, $0xF;
	_ =	sdelay $0x2  }
0x47: {  	v23 =	vshll.u32 v23, $0x3  }
0x48: {  	v63 =	vshll.u32 v22, $0x3;
	v23 =	vadd.s32 v24, v23  }
0x49: {  	[tilespmem:v26+s13+$0x0] =	vst.idx.msk vm0, v23;
	v23 =	vadd.s32 v63, v24  }
0x4a: {  	v22 =	vsub.s32 v22, v1;
	[tilespmem:v26+s14+$0x0] =	vst.idx.msk vm0, v23  }
0x4b: {  	s8 =	simm.s32 $0x10;
	[tilespmem:v26+s15+$0x0] =	vst.idx.msk vm0, v22  }
0x4c: {  	v22 =	vld [tilespmem:s8+$0x0];
	_ =	sdelay $0x4  }
0x4d: {  	vm0 =	vge.s32 v22, v1;
	vm1 =	vlt.s32 v22, v2  }
0x4e: {  	vm0 =	vmand vm0, vm1  }
0x4f: {  	s3 =	simm.s32 $0x80;
	s2 =	simm.s32 $0x0;
	v23 =	vsel vm0, $0x1, v8;
	s9 =	spop (v2sf)  }
.LBB2_9:
0x50: {  	p0 =	sne.s32 s3, $0x1F00  }
0x51: {  	(xrf0) =	vadd.scan.msk.s32 $0xffff, v23;
	s2 =	sadd.s32 s2, s9;
	s9 =	smov.u32 s3;
	s3 =	sadd.s32 $0x40, s3  }
0x52: {  	_ =	sdelay $0x3  }
0x53: {  	v23 =	vld [tilespmem:s8+$0x7D0]  }
0x54: {  	v24 =	vld [tilespmem:s8+$0xFA0];
	s8 =	sadd.s32 $0xFFFFFFFF, s2;
	v25, _, _ =	vpop (xrf0)  }
0x55: {  	v26 =	vadd.s32 s8, v25;
	(v2sf) =	vpush v25, $0xF;
	_ =	sdelay $0x2  }
0x56: {  	v23 =	vshll.u32 v23, $0x3  }
0x57: {  	v25 =	vshll.u32 v22, $0x3;
	v23 =	vadd.s32 v24, v23  }
0x58: {  	[tilespmem:v26+s13+$0x0] =	vst.idx.msk vm0, v23;
	v23 =	vadd.s32 v25, v24  }
0x59: {  	v22 =	vsub.s32 v22, v1;
	[tilespmem:v26+s14+$0x0] =	vst.idx.msk vm0, v23  }
0x5a: {  	s8 =	sshra.s32 s9, $0x2;
	[tilespmem:v26+s15+$0x0] =	vst.idx.msk vm0, v22  }
0x5b: {  	v22 =	vld [tilespmem:s8+$0x0];
	_ =	sdelay $0x2  }
.Ltmp5:
0x5c: {  	(pc) =	sbr.rel @p0 .LBB2_9-.Ltmp5, $4  }
0x5d: {  	_ = 	snop  }
0x5e: {  	vm0 =	vge.s32 v22, v1;
	vm1 =	vlt.s32 v22, v2  }
0x5f: {  	vm0 =	vmand vm0, vm1  }
0x60: {  	v23 =	vsel vm0, $0x1, v8;
	s9 =	spop (v2sf)  }
0x61: {  	(xrf0) =	vadd.scan.msk.s32 $0xffff, v23;
	_ =	sdelay $0x5  }
0x62: {  	v23, _, _ =	vpop (xrf0)  }
0x63: {  	(v2sf) =	vpush v23, $0xF;
	_ =	sdelay $0xe  }
0x64: {  	s2 =	sadd.s32 s2, s9;
	s3 =	spop (v2sf)  }
0x65: {  	s3 =	sadd.s32 s2, s3  }
0x66: {  	s9 =	sand.u32 $0x1, s3  }
0x67: {  	v24 =	vld [tilespmem:s8+$0x7D0];
	s2 =	sadd.s32 $0xFFFFFFFF, s2;
	s10 =	sadd.s32 s3, s9;
	s9 =	simm.s32 $0x1  }
0x68: {  	v25 =	vld [tilespmem:s8+$0xFA0];
	s8 =	sand.u32 $0x1, s10;
	s11 =	sadd.s32 $0x1FF, s10;
	p0 =	slt.s32 s10, $0x1  }
0x69: {  	s26 =	sshrl.u32 s10, $0x1F;
	p1 =	seq.s32 s8, $0x1;
	s25 =	sand.u32 $0x1FF, s11  }
0x6a: {  	v23 =	vadd.s32 s2, v23;
	p6 =	slt.s32 s11, $0x1;
	s28 =	sshra.s32 s11, $0x1F;
	p2 =	sne.s32 s25, $0x0  }
0x6b: {  	p0 =	por !p0, !p1;
	s29 =	sshrl.u32 s28, $0x17;
	p1 =	por !p6, !p2  }
0x6c: {  	v26 =	vmov s3;
	s8 =	simm.s32 $0x1;
	s3 =	sadd.s32 s29, s11;
	p1 =	por !p1, !p1  }
0x6d: {  	v24 =	vshll.u32 v24, $0x3;
	s2 =	sadd.s32 s26, s10;
	s3 =	sshra.s32 s3, $0x9;
	s8 =	simm.s32 @!p1 $0x0  }
0x6e: {  	v27 =	vshll.u32 v22, $0x3;
	v24 =	vadd.s32 v25, v24;
	s10 =	sshra.s32 s2, $0x1;
	p0 =	por !p0, !p0;
	s2 =	ssub.s32 s3, s8  }
0x6f: {  	v63 =	vadd.s32 v27, v25;
	[tilespmem:v23+s13+$0x0] =	vst.idx.msk vm0, v24;
	s9 =	simm.s32 @!p0 $0x0;
	p0 =	slt.s32 s2, $0x1  }
.Ltmp6:
0x70: {  	v22 =	vsub.s32 v22, v1;
	[tilespmem:v23+s14+$0x0] =	vst.idx.msk vm0, v63;
	(pc) =	sbr.rel @!p0 .LBB2_11-.Ltmp6, $4  }
.Ltmp7:
0x71: {  	[tilespmem:v23+s15+$0x0] =	vst.idx.msk vm0, v22;
	(pc) =	sbr.rel @p0 .LBB2_16-.Ltmp7, $4  }
0x72: {  	[tilespmem:v26+s13+$0x0] =	vst.idx.msk $0x1, v4  }
0x73: {  	s26 =	simm.s32 $0x0;
	s3 =	ssub.s32 s10, s9;
	[tilespmem:v26+s14+$0x0] =	vst.idx.msk $0x1, v4  }
0x74: {  	s8 =	simm.s32 $0x0;
	s9 =	simm.s32 $0x0;
	s25 =	smov.u32 s3;
	[tilespmem:v26+s15+$0x0] =	vst.idx.msk $0x1, v7  }
0x75: {  	_ = 	snop  }
.LBB2_14:
0x76: {  	v28 =	vmul.f32 $9.999999770e-03, v26;
	v29 =	vmul.f32 $9.999999770e-03, v27;
	_ =	sdelay $0x1  }
0x77: {  	v26 =	vmax.f32 v26, v28;
	v27 =	vmax.f32 v27, v29  }
0x78: {  	vm0 =	veq.s32 v22, v25;
	v22 =	vmax.f32 v26, v27  }
0x79: {  	v22 =	vsel vm0, v22, v26  }
0x7a: {  	v22 =	vmax.f32 v24, v22  }
0x7b: {  	[tilespmem:v23+s19+$0x0] =	vst.idx.msk $0xffff, v22  }
.LBB2_15:
0x7c: {  	s26 =	sadd.s32 $0x1, s26  }
0x7d: {  	p0 =	sne.s32 s26, s2  }
.Ltmp8:
0x7e: {  	_ = 	snop;
	(pc) =	sbr.rel @!p0 .LBB2_16-.Ltmp8, $2  }
0x7f: {  	_ =	sdelay $0x2  }
0x80: {  	s25 =	sadd.s32 $0xFFFFFF00, s25;
	s9 =	sadd.s32 $0x200, s9  }
.LBB2_11:
0x81: {  	s10 =	sshll.u32 s26, $0x9  }
0x82: {  	s11 =	sadd.s32 $0x1770, s10  }
0x83: {  	[tilespmem:s17], [sflag:$0x1] =	stream.indirect.gather [hbm4b:s5+s16], $0x10, s11, s16, $0xb8;
	[tilespmem:$0x19EA0] =	vst v63  }
0x84: {  	s29 =	sshll.u32 s26, $0x8;
	s10 =	sadd.s32 $0x1F70, s10  }
0x85: {  	[tilespmem:s18], [sflag:$0x1] =	stream.indirect.gather [hbm4b:s5+s16], $0x10, s10, s16, $0xb8;
	[tilespmem:$0x19EA0] =	vst v63  }
0x86: {  	p0 =	sle.s32 s3, s29;
	_ =	swait.ge [sflag:s12], $0x2000  }
.Ltmp9:
0x87: {  	[sflag:s12] =	ssyncset.done $0x0;
	(pc) =	sbr.rel @p0 .LBB2_15-.Ltmp9, $4  }
0x88: {  	[sflag:s12] =	ssyncadd.s32 $0xFFFFE000  }
0x89: {  	_ =	swait.ge [sflag:s12], $0x2000  }
0x8a: {  	[sflag:s12] =	ssyncset.done $0x0  }
0x8b: {  	[sflag:s12] =	ssyncadd.s32 $0xFFFFE000  }
0x8c: {  	s10 =	sadd.s32 $0x0, s9;
	v22 =	vmov s8  }
0x8d: {  	v23 =	vor.u32 s10, v3;
	v22 =	vshll.u32 v22, $0x4  }
0x8e: {  	v24 =	vor.u32 v10, v22  }
0x8f: {  	v25 =	vor.u32 v13, v24  }
0x90: {  	v26 =	vor.u32 v11, v22;
	v24 =	vor.u32 v12, v24  }
0x91: {  	v27 =	vor.u32 v12, v26  }
0x92: {  	v22 =	vld.idx.msk [tilespmem:v23+s15+$0x0], $0xffff;
	v23 =	vor.u32 v13, v26;
	_ =	sdelay $0x1  }
0x93: {  	p0 =	sgt.s32 s25, $0x1;
	v26 =	vld.idx.msk [tilespmem:v25+s18+$0x0], $0xffff;
	v25 =	vor.u32 s10, v9;
	s10 =	smov.u32 s25  }
0x94: {  	v24 =	vld.idx.msk [tilespmem:v24+s17+$0x0], $0xffff;
	s10 =	simm.s32 @!p0 $0x1  }
0x95: {  	v27 =	vld.idx.msk [tilespmem:v27+s17+$0x0], $0xffff;
	s10 =	smin.u32 s10, $0x100  }
0x96: {  	v28 =	vshll.u32 v22, $0x3;
	v29 =	vld.idx.msk [tilespmem:v23+s18+$0x0], $0xffff;
	s10 =	sshll.u32 s10, $0x1  }
0x97: {  	v23 =	vor.u32 v12, v28;
	p0 =	sne.s32 s10, $0x2  }
.Ltmp10:
0x98: {  	_ = 	snop;
	(pc) =	sbr.rel @!p0 .LBB2_14-.Ltmp10, $3  }
0x99: {  	_ =	sdelay $0x1  }
0x9a: {  	v25 =	vld.idx.msk [tilespmem:v25+s15+$0x0], $0xffff;
	v26 =	vadd.f32 v26, v24;
	v27 =	vadd.f32 v29, v27  }
0x9b: {  	s11 =	simm.s32 $0x2;
	v24 =	vld.idx.msk [tilespmem:v23+s19+$0x0], $0xffff  }
.LBB2_13:
0x9c: {  	v28 =	vmov s11;
	v29 =	vmul.f32 $9.999999770e-03, v26;
	v30 =	vmul.f32 $9.999999770e-03, v27  }
0x9d: {  	s28 =	sadd.s32 s11, s9;
	s11 =	sadd.s32 $0x2, s11;
	v28 =	vshll.u32 v28, $0x4  }
0x9e: {  	v31 =	vor.u32 s28, v3;
	p0 =	sne.s32 s10, s11;
	v26 =	vmax.f32 v26, v29;
	v27 =	vmax.f32 v27, v30  }
0x9f: {  	vm0 =	veq.s32 v22, v25;
	v29 =	vor.u32 v10, v28;
	v22 =	vmax.f32 v26, v27  }
0xa0: {  	v25 =	vor.u32 v13, v29;
	v22 =	vsel vm0, v22, v26  }
0xa1: {  	v27 =	vor.u32 v11, v28;
	v26 =	vor.u32 v12, v29;
	v22 =	vmax.f32 v24, v22  }
0xa2: {  	v24 =	vor.u32 v12, v27;
	[tilespmem:v23+s19+$0x0] =	vst.idx.msk $0xffff, v22  }
0xa3: {  	v23 =	vor.u32 v13, v27;
	v22 =	vld.idx.msk [tilespmem:v31+s15+$0x0], $0xffff;
	_ =	sdelay $0x1  }
0xa4: {  	v27 =	vld.idx.msk [tilespmem:v25+s18+$0x0], $0xffff  }
0xa5: {  	v26 =	vld.idx.msk [tilespmem:v26+s17+$0x0], $0xffff  }
0xa6: {  	v24 =	vld.idx.msk [tilespmem:v24+s17+$0x0], $0xffff  }
0xa7: {  	v25 =	vor.u32 s28, v9;
	v28 =	vld.idx.msk [tilespmem:v23+s18+$0x0], $0xffff  }
0xa8: {  	v23 =	vshll.u32 v22, $0x3  }
0xa9: {  	v23 =	vor.u32 v12, v23  }
.Ltmp11:
0xaa: {  	(pc) =	sbr.rel @p0 .LBB2_13-.Ltmp11, $4  }
0xab: {  	_ = 	snop  }
0xac: {  	v25 =	vld.idx.msk [tilespmem:v25+s15+$0x0], $0xffff  }
0xad: {  	v26 =	vadd.f32 v27, v26;
	v27 =	vadd.f32 v28, v24  }
0xae: {  	v24 =	vld.idx.msk [tilespmem:v23+s19+$0x0], $0xffff  }
.Ltmp12:
0xaf: {  	_ = 	snop;
	(pc) =	sbr.rel .LBB2_14-.Ltmp12, $1  }
0xb0: {  	_ =	sdelay $0x3  }
.LBB2_17:
.Ltmp13:
0xb1: {  	(pc) =	sbr.rel .LBB2_18-.Ltmp13, $2  }
0xb2: {  	_ =	sdelay $0x2  }
0xb3: {  	s29 =	simm.s32 $0x0  }
.LBB2_35:
0xb4: {  	s29 =	sadd.s32 $0x1, s29  }
0xb5: {  	p0 =	sne.s32 s29, $0x50  }
.Ltmp14:
0xb6: {  	_ = 	snop;
	(pc) =	sbr.rel @!p0 .LBB2_36-.Ltmp14, $3  }
0xb7: {  	_ =	sdelay $0x1  }
0xb8: {  	s30 =	rddreg [dreg:$0x4]  }
0xb9: {  	s6 =	smov.u32 s7;
	s7 =	rddreg [dreg:$0x5];
	s31 =	simm.s32 $0x7D0  }
.LBB2_18:
0xba: {  	s0 =	smul.u32 $0xFA, s29;
	_ =	sdelay $0x1  }
0xbb: {  	s1 =	sadd.s32 s7, s0  }
0xbc: {  	[tilespmem:s28], [sflag:$0x1] =	stream.linear.gather [hbm4b:s1+s28], $0x7D0, $0x38;
	[tilespmem:$0x19EA0] =	vst v63  }
0xbd: {  	s25 =	sadd.s32 s30, s0  }
0xbe: {  	[tilespmem:s31], [sflag:$0x1] =	stream.linear.gather [hbm4b:s25+s28], $0x7D0, $0x38;
	[tilespmem:$0x19EA0] =	vst v63  }
0xbf: {  	s26 =	simm.s32 $0xFA0;
	s0 =	sadd.s32 s6, s0  }
0xc0: {  	[tilespmem:s26], [sflag:$0x1] =	stream.linear.gather [hbm4b:s0+s28], $0x7D0, $0x38;
	[tilespmem:$0x19EA0] =	vst v63  }
0xc1: {  	_ =	swait.ge [sflag:s12], $0x7D0  }
0xc2: {  	[sflag:s12] =	ssyncset.done $0x0  }
0xc3: {  	[sflag:s12] =	ssyncadd.s32 $0xFFFFF830  }
0xc4: {  	_ =	swait.ge [sflag:s12], $0x7D0  }
0xc5: {  	[sflag:s12] =	ssyncset.done $0x0  }
0xc6: {  	[sflag:s12] =	ssyncadd.s32 $0xFFFFF830  }
0xc7: {  	_ =	swait.ge [sflag:s12], $0x7D0  }
0xc8: {  	[sflag:s12] =	ssyncset.done $0x0  }
0xc9: {  	s30 =	simm.s32 $0x0;
	[sflag:s12] =	ssyncadd.s32 $0xFFFFF830  }
0xca: {  	v22 =	vld [tilespmem:s30+$0x0];
	_ =	sdelay $0x4  }
0xcb: {  	vm0 =	vge.s32 v22, v1;
	vm1 =	vlt.s32 v22, v2  }
0xcc: {  	vm0 =	vmand vm0, vm1  }
0xcd: {  	v23 =	vsel vm0, $0x1, v8  }
0xce: {  	(xrf0) =	vadd.scan.msk.s32 $0xffff, v23;
	_ =	sdelay $0x4  }
0xcf: {  	v23 =	vld [tilespmem:s30+$0x7D0]  }
0xd0: {  	s31 =	simm.s32 $0xFFFFFFFF;
	v24 =	vld [tilespmem:s30+$0xFA0];
	v25, _, _ =	vpop (xrf0)  }
0xd1: {  	v26 =	vadd.s32 s31, v25;
	(v2sf) =	vpush v25, $0xF;
	_ =	sdelay $0x2  }
0xd2: {  	v23 =	vshll.u32 v23, $0x3  }
0xd3: {  	v63 =	vshll.u32 v22, $0x3;
	v23 =	vadd.s32 v24, v23  }
0xd4: {  	[tilespmem:v26+s13+$0x0] =	vst.idx.msk vm0, v23;
	v23 =	vadd.s32 v63, v24  }
0xd5: {  	v22 =	vsub.s32 v22, v1;
	[tilespmem:v26+s14+$0x0] =	vst.idx.msk vm0, v23  }
0xd6: {  	s2 =	simm.s32 $0x10;
	[tilespmem:v26+s15+$0x0] =	vst.idx.msk vm0, v22  }
0xd7: {  	v22 =	vld [tilespmem:s2+$0x0];
	_ =	sdelay $0x4  }
0xd8: {  	vm0 =	vge.s32 v22, v1;
	vm1 =	vlt.s32 v22, v2  }
0xd9: {  	s7 =	smov.u32 s6;
	vm0 =	vmand vm0, vm1  }
0xda: {  	s1 =	simm.s32 $0x80;
	s0 =	simm.s32 $0x0;
	v23 =	vsel vm0, $0x1, v8;
	s3 =	spop (v2sf)  }
.LBB2_19:
0xdb: {  	p0 =	sne.s32 s1, $0x1F00  }
0xdc: {  	(xrf0) =	vadd.scan.msk.s32 $0xffff, v23;
	s0 =	sadd.s32 s0, s3;
	s3 =	smov.u32 s1;
	s1 =	sadd.s32 $0x40, s1  }
0xdd: {  	_ =	sdelay $0x3  }
0xde: {  	v23 =	vld [tilespmem:s2+$0x7D0]  }
0xdf: {  	v24 =	vld [tilespmem:s2+$0xFA0];
	s2 =	sadd.s32 $0xFFFFFFFF, s0;
	v25, _, _ =	vpop (xrf0)  }
0xe0: {  	v26 =	vadd.s32 s2, v25;
	(v2sf) =	vpush v25, $0xF;
	_ =	sdelay $0x2  }
0xe1: {  	v23 =	vshll.u32 v23, $0x3  }
0xe2: {  	v25 =	vshll.u32 v22, $0x3;
	v23 =	vadd.s32 v24, v23  }
0xe3: {  	[tilespmem:v26+s13+$0x0] =	vst.idx.msk vm0, v23;
	v23 =	vadd.s32 v25, v24  }
0xe4: {  	v22 =	vsub.s32 v22, v1;
	[tilespmem:v26+s14+$0x0] =	vst.idx.msk vm0, v23  }
0xe5: {  	s2 =	sshra.s32 s3, $0x2;
	[tilespmem:v26+s15+$0x0] =	vst.idx.msk vm0, v22  }
0xe6: {  	v22 =	vld [tilespmem:s2+$0x0];
	_ =	sdelay $0x2  }
.Ltmp15:
0xe7: {  	(pc) =	sbr.rel @p0 .LBB2_19-.Ltmp15, $4  }
0xe8: {  	_ = 	snop  }
0xe9: {  	vm0 =	vge.s32 v22, v1;
	vm1 =	vlt.s32 v22, v2  }
0xea: {  	vm0 =	vmand vm0, vm1  }
0xeb: {  	v23 =	vsel vm0, $0x1, v8;
	s3 =	spop (v2sf)  }
0xec: {  	(xrf0) =	vadd.scan.msk.s32 $0xffff, v23;
	_ =	sdelay $0x5  }
0xed: {  	v23, _, _ =	vpop (xrf0)  }
0xee: {  	(v2sf) =	vpush v23, $0xF;
	_ =	sdelay $0xe  }
0xef: {  	s0 =	sadd.s32 s0, s3;
	s1 =	spop (v2sf)  }
0xf0: {  	s1 =	sadd.s32 s0, s1  }
0xf1: {  	s9 =	sand.u32 $0x1, s1  }
0xf2: {  	v24 =	vld [tilespmem:s2+$0x7D0];
	s8 =	simm.s32 $0x1;
	s0 =	sadd.s32 $0xFFFFFFFF, s0;
	s3 =	sadd.s32 s1, s9  }
0xf3: {  	v25 =	vld [tilespmem:s2+$0xFA0];
	s10 =	sand.u32 $0x1, s3;
	s2 =	sadd.s32 $0x1FF, s3;
	p0 =	slt.s32 s3, $0x1  }
0xf4: {  	s25 =	sshrl.u32 s3, $0x1F;
	p1 =	seq.s32 s10, $0x1;
	s11 =	sand.u32 $0x1FF, s2  }
0xf5: {  	v23 =	vadd.s32 s0, v23;
	p6 =	slt.s32 s2, $0x1;
	s26 =	sshra.s32 s2, $0x1F;
	p2 =	sne.s32 s11, $0x0  }
0xf6: {  	v26 =	vmov s1;
	p0 =	por !p0, !p1;
	s1 =	sshrl.u32 s26, $0x17;
	p1 =	por !p6, !p2  }
0xf7: {  	s1 =	sadd.s32 s1, s2;
	s2 =	simm.s32 $0x1;
	p1 =	por !p1, !p1  }
0xf8: {  	v24 =	vshll.u32 v24, $0x3;
	s0 =	sadd.s32 s25, s3;
	s1 =	sshra.s32 s1, $0x9;
	s2 =	simm.s32 @!p1 $0x0  }
0xf9: {  	v27 =	vshll.u32 v22, $0x3;
	v24 =	vadd.s32 v25, v24;
	s9 =	sshra.s32 s0, $0x1;
	p0 =	por !p0, !p0;
	s0 =	ssub.s32 s1, s2  }
0xfa: {  	v63 =	vadd.s32 v27, v25;
	[tilespmem:v23+s13+$0x0] =	vst.idx.msk vm0, v24;
	s8 =	simm.s32 @!p0 $0x0;
	p0 =	slt.s32 s0, $0x1  }
.Ltmp16:
0xfb: {  	v22 =	vsub.s32 v22, v1;
	[tilespmem:v23+s14+$0x0] =	vst.idx.msk vm0, v63;
	(pc) =	sbr.rel @!p0 .LBB2_21-.Ltmp16, $4  }
0xfc: {  	[tilespmem:v23+s15+$0x0] =	vst.idx.msk vm0, v22  }
0xfd: {  	[tilespmem:v26+s13+$0x0] =	vst.idx.msk $0x1, v4  }
0xfe: {  	s30 =	simm.s32 $0x0;
	s31 =	simm.s32 $0x0;
	s9 =	ssub.s32 s9, s8;
	[tilespmem:v26+s14+$0x0] =	vst.idx.msk $0x1, v4  }
0xff: {  	s25 =	simm.s32 $0x0;
	s8 =	simm.s32 $0x6F70;
	s1 =	smov.u32 s9;
	[tilespmem:v26+s15+$0x0] =	vst.idx.msk $0x1, v7  }
.LBB2_29:
0x100: {  	s0 =	sadd.s32 $0x7F, s3  }
0x101: {  	s1 =	sand.u32 $0x7F, s0  }
0x102: {  	s2 =	sshra.s32 s0, $0x1F;
	p0 =	slt.s32 s0, $0x1;
	p1 =	sne.s32 s1, $0x0  }
0x103: {  	s26 =	sshrl.u32 s2, $0x19;
	p0 =	por !p0, !p1  }
0x104: {  	s1 =	simm.s32 $0x1;
	s0 =	sadd.s32 s26, s0;
	p0 =	por !p0, !p0  }
0x105: {  	s0 =	sshra.s32 s0, $0x7;
	s1 =	simm.s32 @!p0 $0x0  }
0x106: {  	s31 =	ssub.s32 s0, s1  }
0x107: {  	p0 =	slt.s32 s31, $0x1  }
.Ltmp17:
0x108: {  	_ = 	snop;
	(pc) =	sbr.rel @!p0 .LBB2_30-.Ltmp17, $4  }
.Ltmp18:
0x109: {  	_ = 	snop;
	(pc) =	sbr.rel @p0 .LBB2_35-.Ltmp18, $4  }
0x10a: {  	_ = 	snop  }
0x10b: {  	s30 =	smov.u32 s3  }
0x10c: {  	s8 =	simm.s32 $0x0;
	s26 =	simm.s32 $0x0;
	s1 =	simm.s32 $0x0  }
0x10d: {  	_ = 	snop  }
.LBB2_33:
0x10e: {  	v23 =	vmul.f32 v24, v23;
	_ =	sdelay $0x1  }
0x10f: {  	v23 =	vadd.f32 v23, v25;
	_ =	sdelay $0x1  }
0x110: {  	[tilespmem:v22+s24+$0x0] =	vst.idx.msk $0xffff, v23  }
.LBB2_34:
0x111: {  	s8 =	sadd.s32 $0x1, s8  }
0x112: {  	p0 =	sne.s32 s8, s31  }
.Ltmp19:
0x113: {  	_ = 	snop;
	(pc) =	sbr.rel @!p0 .LBB2_35-.Ltmp19, $2  }
0x114: {  	_ =	sdelay $0x2  }
0x115: {  	s30 =	sadd.s32 $0xFFFFFF80, s30;
	s26 =	sadd.s32 $0x400, s26;
	s1 =	sadd.s32 $0x80, s1  }
.LBB2_30:
0x116: {  	s0 =	sshll.u32 s8, $0x7  }
0x117: {  	s2 =	sadd.s32 $0x1770, s0;
	s0 =	ssub.s32 s3, s0  }
0x118: {  	p0 =	slt.s32 s0, $0x1  }
.Ltmp20:
0x119: {  	_ = 	snop;
	(pc) =	sbr.rel @p0 .LBB2_34-.Ltmp20, $4  }
0x11a: {  	[tilespmem:s22], [sflag:$0x1] =	stream.indirect.gather [hbm4b:s4+s21], $0x80, s2, s21, $0xb8;
	[tilespmem:$0x19EA0] =	vst v63  }
0x11b: {  	_ =	swait.ge [sflag:s12], $0x4000  }
0x11c: {  	[sflag:s12] =	ssyncset.done $0x0  }
0x11d: {  	[sflag:s12] =	ssyncadd.s32 $0xFFFFC000  }
0x11e: {  	s0 =	sadd.s32 $0x0, s1  }
0x11f: {  	v22 =	vmov s0;
	_ =	sdelay $0x4  }
0x120: {  	v23 =	vmov s26;
	v22 =	vld.idx.msk [tilespmem:v22+s15+$0x0], $0xffff  }
0x121: {  	v23 =	vshrl.u32 v23, $0x3  }
0x122: {  	s25 =	simm.s32 $0x0;
	v23 =	vshll.u32 v23, v14  }
0x123: {  	v25 =	vor.u32 s25, v0;
	v24 =	vbroadcast v23, $0x0;
	_ =	sdelay $0x1  }
0x124: {  	v22 =	vshll.u32 v22, $0x7  }
0x125: {  	v26 =	vor.u32 v0, v22;
	_ =	sdelay $0x1  }
0x126: {  	v25 =	vld.idx.msk [tilespmem:v25+s22+$0x0], $0xffff  }
0x127: {  	v24 =	vld.idx.msk [tilespmem:v24+s23+$0x0], $0xffff;
	_ =	sdelay $0x1  }
0x128: {  	v27 =	vld.idx.msk [tilespmem:v26+s24+$0x0], $0xffff  }
0x129: {  	v28 =	vadd.s32 $0x1, v23  }
0x12a: {  	v28 =	vbroadcast v28, $0x0  }
0x12b: {  	v24 =	vmul.f32 v25, v24  }
0x12c: {  	v25 =	vor.u32 s25, v15  }
0x12d: {  	v24 =	vadd.f32 v24, v27  }
0x12e: {  	v27 =	vor.u32 v15, v22  }
0x12f: {  	[tilespmem:v26+s24+$0x0] =	vst.idx.msk $0xffff, v24  }
0x130: {  	v24 =	vld.idx.msk [tilespmem:v28+s23+$0x0], $0xffff  }
0x131: {  	v25 =	vld.idx.msk [tilespmem:v25+s22+$0x0], $0xffff;
	_ =	sdelay $0x1  }
0x132: {  	v26 =	vld.idx.msk [tilespmem:v27+s24+$0x0], $0xffff  }
0x133: {  	v59 =	vadd.s32 $0x2, v23  }
0x134: {  	v28 =	vbroadcast v59, $0x0  }
0x135: {  	v24 =	vmul.f32 v25, v24  }
0x136: {  	v25 =	vor.u32 s25, v16  }
0x137: {  	v24 =	vadd.f32 v24, v26  }
0x138: {  	v26 =	vor.u32 v16, v22  }
0x139: {  	[tilespmem:v27+s24+$0x0] =	vst.idx.msk $0xffff, v24  }
0x13a: {  	v24 =	vld.idx.msk [tilespmem:v28+s23+$0x0], $0xffff  }
0x13b: {  	v25 =	vld.idx.msk [tilespmem:v25+s22+$0x0], $0xffff;
	_ =	sdelay $0x1  }
0x13c: {  	v27 =	vld.idx.msk [tilespmem:v26+s24+$0x0], $0xffff  }
0x13d: {  	v60 =	vadd.s32 $0x3, v23  }
0x13e: {  	v28 =	vbroadcast v60, $0x0  }
0x13f: {  	v24 =	vmul.f32 v25, v24  }
0x140: {  	v25 =	vor.u32 s25, v17  }
0x141: {  	v24 =	vadd.f32 v24, v27  }
0x142: {  	v27 =	vor.u32 v17, v22  }
0x143: {  	[tilespmem:v26+s24+$0x0] =	vst.idx.msk $0xffff, v24  }
0x144: {  	v24 =	vld.idx.msk [tilespmem:v28+s23+$0x0], $0xffff  }
0x145: {  	v25 =	vld.idx.msk [tilespmem:v25+s22+$0x0], $0xffff;
	_ =	sdelay $0x1  }
0x146: {  	v26 =	vld.idx.msk [tilespmem:v27+s24+$0x0], $0xffff  }
0x147: {  	v61 =	vadd.s32 $0x4, v23  }
0x148: {  	v28 =	vbroadcast v61, $0x0  }
0x149: {  	v24 =	vmul.f32 v25, v24  }
0x14a: {  	v25 =	vor.u32 s25, v18  }
0x14b: {  	v24 =	vadd.f32 v24, v26  }
0x14c: {  	v26 =	vor.u32 v18, v22  }
0x14d: {  	[tilespmem:v27+s24+$0x0] =	vst.idx.msk $0xffff, v24  }
0x14e: {  	v24 =	vld.idx.msk [tilespmem:v28+s23+$0x0], $0xffff  }
0x14f: {  	v25 =	vld.idx.msk [tilespmem:v25+s22+$0x0], $0xffff;
	_ =	sdelay $0x1  }
0x150: {  	v27 =	vld.idx.msk [tilespmem:v26+s24+$0x0], $0xffff  }
0x151: {  	v62 =	vadd.s32 $0x5, v23  }
0x152: {  	v28 =	vbroadcast v62, $0x0  }
0x153: {  	v24 =	vmul.f32 v25, v24  }
0x154: {  	v25 =	vor.u32 s25, v19  }
0x155: {  	v24 =	vadd.f32 v24, v27  }
0x156: {  	v27 =	vor.u32 v19, v22  }
0x157: {  	[tilespmem:v26+s24+$0x0] =	vst.idx.msk $0xffff, v24  }
0x158: {  	v24 =	vld.idx.msk [tilespmem:v28+s23+$0x0], $0xffff  }
0x159: {  	v25 =	vld.idx.msk [tilespmem:v25+s22+$0x0], $0xffff;
	_ =	sdelay $0x1  }
0x15a: {  	v26 =	vld.idx.msk [tilespmem:v27+s24+$0x0], $0xffff  }
0x15b: {  	v63 =	vadd.s32 $0x6, v23  }
0x15c: {  	v28 =	vbroadcast v63, $0x0  }
0x15d: {  	v24 =	vmul.f32 v25, v24  }
0x15e: {  	v25 =	vor.u32 s25, v20  }
0x15f: {  	v24 =	vadd.f32 v24, v26  }
0x160: {  	v26 =	vor.u32 v20, v22  }
0x161: {  	[tilespmem:v27+s24+$0x0] =	vst.idx.msk $0xffff, v24  }
0x162: {  	v24 =	vld.idx.msk [tilespmem:v28+s23+$0x0], $0xffff  }
0x163: {  	v25 =	vld.idx.msk [tilespmem:v25+s22+$0x0], $0xffff;
	_ =	sdelay $0x1  }
0x164: {  	v27 =	vld.idx.msk [tilespmem:v26+s24+$0x0], $0xffff  }
0x165: {  	v23 =	vadd.s32 $0x7, v23  }
0x166: {  	v23 =	vbroadcast v23, $0x0  }
0x167: {  	v24 =	vmul.f32 v25, v24  }
0x168: {  	v25 =	vor.u32 s25, v21  }
0x169: {  	p0 =	sgt.s32 s30, $0x1;
	s0 =	smov.u32 s30;
	v24 =	vadd.f32 v24, v27  }
0x16a: {  	s0 =	simm.s32 @!p0 $0x1;
	v22 =	vor.u32 v21, v22  }
0x16b: {  	s9 =	smin.u32 s0, $0x80;
	[tilespmem:v26+s24+$0x0] =	vst.idx.msk $0xffff, v24  }
0x16c: {  	p0 =	sne.s32 s9, $0x1;
	v23 =	vld.idx.msk [tilespmem:v23+s23+$0x0], $0xffff  }
.Ltmp21:
0x16d: {  	v24 =	vld.idx.msk [tilespmem:v25+s22+$0x0], $0xffff;
	(pc) =	sbr.rel @!p0 .LBB2_33-.Ltmp21, $3  }
0x16e: {  	_ = 	snop  }
0x16f: {  	v25 =	vld.idx.msk [tilespmem:v22+s24+$0x0], $0xffff;
	_ =	sdelay $0x1  }
0x170: {  	s0 =	smov.u32 s26;
	s25 =	simm.s32 $0x1  }
.LBB2_32:
0x171: {  	s0 =	sadd.s32 $0x8, s0;
	s2 =	smov.u32 s25;
	s25 =	sadd.s32 $0x1, s25  }
0x172: {  	p0 =	sne.s32 s9, s25  }
0x173: {  	s6 =	sadd.s32 s2, s1  }
0x174: {  	v26 =	vmov s6  }
0x175: {  	v23 =	vmul.f32 v24, v23;
	_ =	sdelay $0x1  }
0x176: {  	v23 =	vadd.f32 v23, v25;
	_ =	sdelay $0x1  }
0x177: {  	[tilespmem:v22+s24+$0x0] =	vst.idx.msk $0xffff, v23  }
0x178: {  	v22 =	vld.idx.msk [tilespmem:v26+s15+$0x0], $0xffff  }
0x179: {  	v23 =	vmov s0  }
0x17a: {  	v23 =	vshrl.u32 v23, $0x3  }
0x17b: {  	s2 =	sshll.u32 s2, $0x7;
	v23 =	vshll.u32 v23, v14  }
0x17c: {  	v25 =	vor.u32 s2, v0;
	v24 =	vbroadcast v23, $0x0;
	v26 =	vadd.s32 $0x1, v23  }
0x17d: {  	v27 =	vadd.s32 $0x2, v23;
	v28 =	vadd.s32 $0x3, v23;
	v29 =	vadd.s32 $0x4, v23  }
0x17e: {  	v30 =	vadd.s32 $0x5, v23;
	v31 =	vadd.s32 $0x6, v23;
	v22 =	vshll.u32 v22, $0x7  }
0x17f: {  	v23 =	vadd.s32 $0x7, v23;
	v32 =	vor.u32 v0, v22;
	_ =	sdelay $0x1  }
0x180: {  	v25 =	vld.idx.msk [tilespmem:v25+s22+$0x0], $0xffff  }
0x181: {  	v24 =	vld.idx.msk [tilespmem:v24+s23+$0x0], $0xffff;
	_ =	sdelay $0x1  }
0x182: {  	v33 =	vld.idx.msk [tilespmem:v32+s24+$0x0], $0xffff;
	_ =	sdelay $0x2  }
0x183: {  	v26 =	vbroadcast v26, $0x0  }
0x184: {  	v24 =	vmul.f32 v25, v24  }
0x185: {  	v25 =	vor.u32 s2, v15  }
0x186: {  	v24 =	vadd.f32 v24, v33;
	v33 =	vor.u32 v15, v22;
	_ =	sdelay $0x1  }
0x187: {  	[tilespmem:v32+s24+$0x0] =	vst.idx.msk $0xffff, v24  }
0x188: {  	v24 =	vld.idx.msk [tilespmem:v26+s23+$0x0], $0xffff  }
0x189: {  	v25 =	vld.idx.msk [tilespmem:v25+s22+$0x0], $0xffff  }
0x18a: {  	v26 =	vld.idx.msk [tilespmem:v33+s24+$0x0], $0xffff;
	_ =	sdelay $0x3  }
0x18b: {  	v27 =	vbroadcast v27, $0x0  }
0x18c: {  	v24 =	vmul.f32 v25, v24  }
0x18d: {  	v25 =	vor.u32 s2, v16  }
0x18e: {  	v24 =	vadd.f32 v24, v26  }
0x18f: {  	v26 =	vor.u32 v16, v22  }
0x190: {  	[tilespmem:v33+s24+$0x0] =	vst.idx.msk $0xffff, v24  }
0x191: {  	v24 =	vld.idx.msk [tilespmem:v27+s23+$0x0], $0xffff  }
0x192: {  	v25 =	vld.idx.msk [tilespmem:v25+s22+$0x0], $0xffff;
	_ =	sdelay $0x1  }
0x193: {  	v27 =	vld.idx.msk [tilespmem:v26+s24+$0x0], $0xffff;
	_ =	sdelay $0x2  }
0x194: {  	v28 =	vbroadcast v28, $0x0  }
0x195: {  	v24 =	vmul.f32 v25, v24  }
0x196: {  	v25 =	vor.u32 s2, v17  }
0x197: {  	v24 =	vadd.f32 v24, v27  }
0x198: {  	v27 =	vor.u32 v17, v22  }
0x199: {  	[tilespmem:v26+s24+$0x0] =	vst.idx.msk $0xffff, v24  }
0x19a: {  	v24 =	vld.idx.msk [tilespmem:v28+s23+$0x0], $0xffff  }
0x19b: {  	v25 =	vld.idx.msk [tilespmem:v25+s22+$0x0], $0xffff;
	_ =	sdelay $0x1  }
0x19c: {  	v26 =	vld.idx.msk [tilespmem:v27+s24+$0x0], $0xffff;
	_ =	sdelay $0x2  }
0x19d: {  	v28 =	vbroadcast v29, $0x0  }
0x19e: {  	v24 =	vmul.f32 v25, v24  }
0x19f: {  	v25 =	vor.u32 s2, v18  }
0x1a0: {  	v24 =	vadd.f32 v24, v26;
	v26 =	vor.u32 v18, v22;
	_ =	sdelay $0x1  }
0x1a1: {  	[tilespmem:v27+s24+$0x0] =	vst.idx.msk $0xffff, v24  }
0x1a2: {  	v24 =	vld.idx.msk [tilespmem:v28+s23+$0x0], $0xffff  }
0x1a3: {  	v25 =	vld.idx.msk [tilespmem:v25+s22+$0x0], $0xffff  }
0x1a4: {  	v27 =	vld.idx.msk [tilespmem:v26+s24+$0x0], $0xffff;
	_ =	sdelay $0x3  }
0x1a5: {  	v28 =	vbroadcast v30, $0x0  }
0x1a6: {  	v24 =	vmul.f32 v25, v24  }
0x1a7: {  	v25 =	vor.u32 s2, v19  }
0x1a8: {  	v24 =	vadd.f32 v24, v27;
	v27 =	vor.u32 v19, v22;
	_ =	sdelay $0x1  }
0x1a9: {  	[tilespmem:v26+s24+$0x0] =	vst.idx.msk $0xffff, v24  }
0x1aa: {  	v24 =	vld.idx.msk [tilespmem:v28+s23+$0x0], $0xffff  }
0x1ab: {  	v25 =	vld.idx.msk [tilespmem:v25+s22+$0x0], $0xffff  }
0x1ac: {  	v26 =	vld.idx.msk [tilespmem:v27+s24+$0x0], $0xffff;
	_ =	sdelay $0x3  }
0x1ad: {  	v28 =	vbroadcast v31, $0x0  }
0x1ae: {  	v24 =	vmul.f32 v25, v24  }
0x1af: {  	v25 =	vor.u32 s2, v20  }
0x1b0: {  	v24 =	vadd.f32 v24, v26;
	v26 =	vor.u32 v20, v22;
	_ =	sdelay $0x1  }
0x1b1: {  	[tilespmem:v27+s24+$0x0] =	vst.idx.msk $0xffff, v24  }
0x1b2: {  	v24 =	vld.idx.msk [tilespmem:v28+s23+$0x0], $0xffff  }
0x1b3: {  	v25 =	vld.idx.msk [tilespmem:v25+s22+$0x0], $0xffff  }
0x1b4: {  	v27 =	vld.idx.msk [tilespmem:v26+s24+$0x0], $0xffff;
	_ =	sdelay $0x3  }
0x1b5: {  	v23 =	vbroadcast v23, $0x0  }
0x1b6: {  	v24 =	vmul.f32 v25, v24  }
0x1b7: {  	v25 =	vor.u32 s2, v21  }
0x1b8: {  	v22 =	vor.u32 v21, v22;
	v24 =	vadd.f32 v24, v27  }
.Ltmp22:
0x1b9: {  	(pc) =	sbr.rel @p0 .LBB2_32-.Ltmp22, $4  }
0x1ba: {  	[tilespmem:v26+s24+$0x0] =	vst.idx.msk $0xffff, v24  }
0x1bb: {  	v23 =	vld.idx.msk [tilespmem:v23+s23+$0x0], $0xffff  }
0x1bc: {  	v24 =	vld.idx.msk [tilespmem:v25+s22+$0x0], $0xffff  }
0x1bd: {  	v25 =	vld.idx.msk [tilespmem:v22+s24+$0x0], $0xffff  }
.Ltmp23:
0x1be: {  	_ = 	snop;
	(pc) =	sbr.rel .LBB2_33-.Ltmp23, $1  }
0x1bf: {  	_ =	sdelay $0x3  }
.LBB2_23:
0x1c0: {  	s26 =	smov.u32 s8  }
.LBB2_27:
0x1c1: {  	vm0 =	veq.s32 v22, v26  }
0x1c2: {  	v22 =	vsel vm0, v27, v24  }
0x1c3: {  	v22 =	vadd.f32 v22, v25  }
0x1c4: {  	s2 =	sadd.s32 @p0 $0x10, s26;
	s6 =	smov.u32 s8  }
0x1c5: {  	s6 =	smov.u32 @p0 s2;
	[tilespmem:v23+s20+$0x0] =	vst.idx.msk $0xffff, v22  }
0x1c6: {  	[tilespmem:s6+$0x0] =	vst v24  }
.LBB2_28:
0x1c7: {  	s25 =	sadd.s32 $0x1, s25  }
0x1c8: {  	p0 =	sne.s32 s25, s0  }
.Ltmp24:
0x1c9: {  	_ = 	snop;
	(pc) =	sbr.rel @!p0 .LBB2_29-.Ltmp24, $2  }
0x1ca: {  	_ =	sdelay $0x2  }
0x1cb: {  	s1 =	sadd.s32 $0xFFFFFF00, s1;
	s8 =	sadd.s32 $0x1000, s8;
	s31 =	sadd.s32 $0x200, s31  }
.LBB2_21:
0x1cc: {  	s2 =	sshll.u32 s25, $0x9  }
0x1cd: {  	s10 =	sadd.s32 $0x1770, s2  }
0x1ce: {  	[tilespmem:s17], [sflag:$0x1] =	stream.indirect.gather [hbm4b:s5+s16], $0x10, s10, s16, $0xb8;
	[tilespmem:$0x19EA0] =	vst v63  }
0x1cf: {  	s26 =	sshll.u32 s25, $0x8;
	s2 =	sadd.s32 $0x1F70, s2  }
0x1d0: {  	[tilespmem:s18], [sflag:$0x1] =	stream.indirect.gather [hbm4b:s5+s16], $0x10, s2, s16, $0xb8;
	[tilespmem:$0x19EA0] =	vst v63  }
0x1d1: {  	p0 =	sle.s32 s9, s26;
	_ =	swait.ge [sflag:s12], $0x2000  }
.Ltmp25:
0x1d2: {  	[sflag:s12] =	ssyncset.done $0x0;
	(pc) =	sbr.rel @p0 .LBB2_28-.Ltmp25, $4  }
0x1d3: {  	[sflag:s12] =	ssyncadd.s32 $0xFFFFE000  }
0x1d4: {  	_ =	swait.ge [sflag:s12], $0x2000  }
0x1d5: {  	[sflag:s12] =	ssyncset.done $0x0  }
0x1d6: {  	[sflag:s12] =	ssyncadd.s32 $0xFFFFE000  }
0x1d7: {  	s2 =	sadd.s32 $0x0, s31  }
0x1d8: {  	v22 =	vor.u32 s2, v3  }
0x1d9: {  	v23 =	vmov s30  }
0x1da: {  	v23 =	vshll.u32 v23, $0x4  }
0x1db: {  	v24 =	vor.u32 v10, v23  }
0x1dc: {  	v25 =	vor.u32 v13, v24  }
0x1dd: {  	v23 =	vor.u32 v11, v23;
	v24 =	vor.u32 v12, v24;
	v22 =	vld.idx.msk [tilespmem:v22+s15+$0x0], $0xffff  }
0x1de: {  	v26 =	vor.u32 v12, v23  }
0x1df: {  	v27 =	vor.u32 v13, v23;
	_ =	sdelay $0x1  }
0x1e0: {  	v25 =	vld.idx.msk [tilespmem:v25+s18+$0x0], $0xffff  }
0x1e1: {  	v24 =	vld.idx.msk [tilespmem:v24+s17+$0x0], $0xffff;
	v23 =	vshll.u32 v22, $0x3  }
0x1e2: {  	v26 =	vld.idx.msk [tilespmem:v26+s17+$0x0], $0xffff;
	v23 =	vor.u32 v12, v23  }
0x1e3: {  	v27 =	vld.idx.msk [tilespmem:v27+s18+$0x0], $0xffff;
	_ =	sdelay $0x3  }
0x1e4: {  	v24 =	vadd.f32 v25, v24;
	v28 =	vld.idx.msk [tilespmem:v23+s19+$0x0], $0xffff  }
0x1e5: {  	v25 =	vadd.f32 v27, v26  }
0x1e6: {  	v26 =	vmul.f32 $9.999999770e-03, v24  }
0x1e7: {  	v27 =	vmul.f32 $9.999999770e-03, v25  }
0x1e8: {  	v24 =	vmax.f32 v24, v26  }
0x1e9: {  	v25 =	vmax.f32 v25, v27;
	v24 =	vsub.f32 v24, v28  }
0x1ea: {  	v25 =	vsub.f32 v25, v28  }
0x1eb: {  	v24 =	vmul.f32 $1.442695020e+00, v24  }
0x1ec: {  	v25 =	vmul.f32 $1.442695020e+00, v25  }
0x1ed: {  	(erf) = vpow2.f32 v24  }
0x1ee: {  	(erf) = vpow2.f32 v25  }
0x1ef: {  	p0 =	sgt.s32 s1, $0x1;
	v25 =	vor.u32 s2, v9;
	s2 =	smov.u32 s1  }
0x1f0: {  	s2 =	simm.s32 @!p0 $0x1  }
0x1f1: {  	s2 =	smin.u32 s2, $0x100  }
0x1f2: {  	s2 =	sshll.u32 s2, $0x1  }
0x1f3: {  	p1 =	sne.s32 s2, $0x2  }
.Ltmp26:
0x1f4: {  	v26 =	vld.idx.msk [tilespmem:v25+s15+$0x0], $0xffff;
	(pc) =	sbr.rel @!p1 .LBB2_23-.Ltmp26, $4  }
0x1f5: {  	_ = 	snop  }
0x1f6: {  	v25 =	vld.idx.msk [tilespmem:v23+s20+$0x0], $0xffff;
	v24 =	vpop (erf)  }
0x1f7: {  	v27 =	vpop (erf)  }
0x1f8: {  	s10 =	simm.s32 $0x2;
	p0 =	por $0x0, $0x0;
	v27 =	vadd.f32 v27, v24  }
0x1f9: {  	s11 =	sadd.s32 $0x2, s31;
	vm0 =	veq.s32 v22, v26  }
0x1fa: {  	v22 =	vor.u32 s11, v3;
	v26 =	vsel vm0, v27, v24  }
0x1fb: {  	v25 =	vadd.f32 v26, v25;
	v26 =	vmov s10  }
0x1fc: {  	v26 =	vshll.u32 v26, $0x4  }
0x1fd: {  	[tilespmem:v23+s20+$0x0] =	vst.idx.msk $0xffff, v25;
	v23 =	vor.u32 v10, v26  }
0x1fe: {  	[tilespmem:s8+$0x0] =	vst v24;
	v24 =	vor.u32 v13, v23  }
0x1ff: {  	v25 =	vor.u32 v11, v26;
	v23 =	vor.u32 v12, v23;
	v22 =	vld.idx.msk [tilespmem:v22+s15+$0x0], $0xffff  }
0x200: {  	v26 =	vor.u32 v12, v25  }
0x201: {  	v25 =	vor.u32 v13, v25;
	_ =	sdelay $0x1  }
0x202: {  	v24 =	vld.idx.msk [tilespmem:v24+s18+$0x0], $0xffff  }
0x203: {  	v27 =	vld.idx.msk [tilespmem:v23+s17+$0x0], $0xffff;
	v23 =	vshll.u32 v22, $0x3  }
0x204: {  	v26 =	vld.idx.msk [tilespmem:v26+s17+$0x0], $0xffff;
	v23 =	vor.u32 v12, v23  }
0x205: {  	v25 =	vld.idx.msk [tilespmem:v25+s18+$0x0], $0xffff;
	_ =	sdelay $0x3  }
0x206: {  	v24 =	vadd.f32 v24, v27;
	v28 =	vld.idx.msk [tilespmem:v23+s19+$0x0], $0xffff  }
0x207: {  	v25 =	vadd.f32 v25, v26  }
0x208: {  	v26 =	vmul.f32 $9.999999770e-03, v24  }
0x209: {  	v27 =	vmul.f32 $9.999999770e-03, v25  }
0x20a: {  	v24 =	vmax.f32 v24, v26  }
0x20b: {  	v25 =	vmax.f32 v25, v27;
	v24 =	vsub.f32 v24, v28  }
0x20c: {  	v25 =	vsub.f32 v25, v28  }
0x20d: {  	v24 =	vmul.f32 $1.442695020e+00, v24  }
0x20e: {  	v25 =	vmul.f32 $1.442695020e+00, v25  }
0x20f: {  	(erf) = vpow2.f32 v24  }
0x210: {  	(erf) = vpow2.f32 v25  }
0x211: {  	v25 =	vor.u32 s11, v9;
	_ =	sdelay $0x3  }
0x212: {  	p1 =	sne.s32 s2, $0x4  }
.Ltmp27:
0x213: {  	v26 =	vld.idx.msk [tilespmem:v25+s15+$0x0], $0xffff;
	(pc) =	sbr.rel @!p1 .LBB2_25-.Ltmp27, $4  }
0x214: {  	_ = 	snop  }
0x215: {  	v25 =	vld.idx.msk [tilespmem:v23+s20+$0x0], $0xffff;
	v24 =	vpop (erf)  }
0x216: {  	v27 =	vpop (erf)  }
0x217: {  	p0 =	por $0x1, $0x1;
	s26 =	smov.u32 s8;
	s10 =	simm.s32 $0x4;
	v27 =	vadd.f32 v27, v24  }
.LBB2_26:
0x218: {  	s11 =	sadd.s32 s10, s31;
	vm0 =	veq.s32 v22, v26;
	s6 =	smov.u32 s10  }
0x219: {  	v22 =	vor.u32 s11, v3;
	v26 =	vsel vm0, v27, v24  }
0x21a: {  	s10 =	sadd.s32 $0x2, s10;
	v25 =	vadd.f32 v26, v25  }
0x21b: {  	p1 =	sne.s32 s2, s10;
	v26 =	vmov s6  }
0x21c: {  	s26 =	sadd.s32 $0x10, s26;
	v26 =	vshll.u32 v26, $0x4;
	[tilespmem:v23+s20+$0x0] =	vst.idx.msk $0xffff, v25  }
0x21d: {  	v23 =	vor.u32 v10, v26;
	[tilespmem:s26+$0x0] =	vst v24  }
0x21e: {  	v24 =	vor.u32 v13, v23;
	v22 =	vld.idx.msk [tilespmem:v22+s15+$0x0], $0xffff  }
0x21f: {  	v25 =	vor.u32 v11, v26;
	v23 =	vor.u32 v12, v23  }
0x220: {  	v26 =	vor.u32 v12, v25  }
0x221: {  	v25 =	vor.u32 v13, v25;
	_ =	sdelay $0x1  }
0x222: {  	v24 =	vld.idx.msk [tilespmem:v24+s18+$0x0], $0xffff  }
0x223: {  	v27 =	vld.idx.msk [tilespmem:v23+s17+$0x0], $0xffff;
	v23 =	vshll.u32 v22, $0x3  }
0x224: {  	v26 =	vld.idx.msk [tilespmem:v26+s17+$0x0], $0xffff;
	v23 =	vor.u32 v12, v23  }
0x225: {  	v25 =	vld.idx.msk [tilespmem:v25+s18+$0x0], $0xffff;
	_ =	sdelay $0x3  }
0x226: {  	v28 =	vld.idx.msk [tilespmem:v23+s19+$0x0], $0xffff  }
0x227: {  	v24 =	vadd.f32 v24, v27  }
0x228: {  	v25 =	vadd.f32 v25, v26  }
0x229: {  	v26 =	vmul.f32 $9.999999770e-03, v24  }
0x22a: {  	v27 =	vmul.f32 $9.999999770e-03, v25  }
0x22b: {  	v24 =	vmax.f32 v24, v26  }
0x22c: {  	v25 =	vmax.f32 v25, v27;
	v24 =	vsub.f32 v24, v28  }
0x22d: {  	v25 =	vsub.f32 v25, v28  }
0x22e: {  	v24 =	vmul.f32 $1.442695020e+00, v24  }
0x22f: {  	v25 =	vmul.f32 $1.442695020e+00, v25  }
0x230: {  	(erf) = vpow2.f32 v24  }
0x231: {  	v24 =	vor.u32 s11, v9;
	(erf) = vpow2.f32 v25;
	_ =	sdelay $0x4  }
0x232: {  	v26 =	vld.idx.msk [tilespmem:v24+s15+$0x0], $0xffff  }
.Ltmp28:
0x233: {  	(pc) =	sbr.rel @p1 .LBB2_26-.Ltmp28, $4  }
0x234: {  	v25 =	vld.idx.msk [tilespmem:v23+s20+$0x0], $0xffff  }
0x235: {  	v24 =	vpop (erf)  }
0x236: {  	v27 =	vpop (erf)  }
0x237: {  	v27 =	vadd.f32 v27, v24  }
.Ltmp29:
0x238: {  	_ = 	snop;
	(pc) =	sbr.rel .LBB2_27-.Ltmp29, $1  }
0x239: {  	_ =	sdelay $0x3  }
.LBB2_25:
.Ltmp30:
0x23a: {  	(pc) =	sbr.rel .LBB2_27-.Ltmp30, $2  }
0x23b: {  	_ =	sdelay $0x2  }
0x23c: {  	s26 =	smov.u32 s8  }
.LBB2_36:
0x23d: {  	s0 =	simm.s32 $0x0  }
0x23e: {  	v22 =	vmov s0  }
0x23f: {  	v22 =	vshrl.u32 v22, $0x3  }
0x240: {  	v22 =	vshll.u32 v22, v14  }
0x241: {  	v23 =	vbroadcast v22, $0x0;
	_ =	sdelay $0x5  }
0x242: {  	v23 =	vld.idx.msk [tilespmem:v23+s20+$0x0], $0xffff;
	_ =	sdelay $0x3  }
0x243: {  	s3 =	simm.s32 $0x0  }
0x244: {  	v24 =	vor.u32 s3, v0;
	(erf) = vrcp.f32 v23;
	_ =	sdelay $0x4  }
0x245: {  	v25 =	vld.idx.msk [tilespmem:v24+s24+$0x0], $0xffff;
	_ =	sdelay $0x1  }
0x246: {  	v26 =	vadd.s32 $0x1, v22  }
0x247: {  	v26 =	vbroadcast v26, $0x0  }
0x248: {  	v27 =	vpop (erf)  }
0x249: {  	v25 =	vmul.f32 v27, v25  }
0x24a: {  	vm0 =	vgt.f32 v23, $0.0e+00  }
0x24b: {  	v23 =	vnsel vm0, $0x0, v25  }
0x24c: {  	[tilespmem:v24+s24+$0x0] =	vst.idx.msk $0xffff, v23  }
0x24d: {  	v23 =	vld.idx.msk [tilespmem:v26+s20+$0x0], $0xffff;
	_ =	sdelay $0x3  }
0x24e: {  	s8 =	simm.s32 $0x10  }
0x24f: {  	v24 =	vor.u32 s8, v0;
	(erf) = vrcp.f32 v23;
	_ =	sdelay $0x4  }
0x250: {  	v25 =	vld.idx.msk [tilespmem:v24+s24+$0x0], $0xffff;
	_ =	sdelay $0x1  }
0x251: {  	v26 =	vadd.s32 $0x2, v22  }
0x252: {  	v26 =	vbroadcast v26, $0x0  }
0x253: {  	v27 =	vpop (erf)  }
0x254: {  	v25 =	vmul.f32 v27, v25  }
0x255: {  	vm9 =	vgt.f32 v23, $0.0e+00  }
0x256: {  	v23 =	vnsel vm9, $0x0, v25  }
0x257: {  	[tilespmem:v24+s24+$0x0] =	vst.idx.msk $0xffff, v23  }
0x258: {  	v23 =	vld.idx.msk [tilespmem:v26+s20+$0x0], $0xffff;
	_ =	sdelay $0x3  }
0x259: {  	s9 =	simm.s32 $0x20  }
0x25a: {  	v24 =	vor.u32 s9, v0;
	(erf) = vrcp.f32 v23;
	_ =	sdelay $0x4  }
0x25b: {  	v25 =	vld.idx.msk [tilespmem:v24+s24+$0x0], $0xffff;
	_ =	sdelay $0x1  }
0x25c: {  	v26 =	vadd.s32 $0x3, v22  }
0x25d: {  	v26 =	vbroadcast v26, $0x0  }
0x25e: {  	v27 =	vpop (erf)  }
0x25f: {  	v25 =	vmul.f32 v27, v25  }
0x260: {  	vm10 =	vgt.f32 v23, $0.0e+00  }
0x261: {  	v23 =	vnsel vm10, $0x0, v25  }
0x262: {  	[tilespmem:v24+s24+$0x0] =	vst.idx.msk $0xffff, v23  }
0x263: {  	v23 =	vld.idx.msk [tilespmem:v26+s20+$0x0], $0xffff;
	_ =	sdelay $0x3  }
0x264: {  	s10 =	simm.s32 $0x30  }
0x265: {  	v24 =	vor.u32 s10, v0;
	(erf) = vrcp.f32 v23;
	_ =	sdelay $0x4  }
0x266: {  	v25 =	vld.idx.msk [tilespmem:v24+s24+$0x0], $0xffff;
	_ =	sdelay $0x1  }
0x267: {  	v26 =	vadd.s32 $0x4, v22  }
0x268: {  	v26 =	vbroadcast v26, $0x0  }
0x269: {  	v27 =	vpop (erf)  }
0x26a: {  	v25 =	vmul.f32 v27, v25  }
0x26b: {  	vm11 =	vgt.f32 v23, $0.0e+00  }
0x26c: {  	v23 =	vnsel vm11, $0x0, v25  }
0x26d: {  	[tilespmem:v24+s24+$0x0] =	vst.idx.msk $0xffff, v23  }
0x26e: {  	v23 =	vld.idx.msk [tilespmem:v26+s20+$0x0], $0xffff;
	_ =	sdelay $0x3  }
0x26f: {  	s11 =	simm.s32 $0x40  }
0x270: {  	v24 =	vor.u32 s11, v0;
	(erf) = vrcp.f32 v23;
	_ =	sdelay $0x4  }
0x271: {  	v25 =	vld.idx.msk [tilespmem:v24+s24+$0x0], $0xffff;
	_ =	sdelay $0x1  }
0x272: {  	v26 =	vadd.s32 $0x5, v22  }
0x273: {  	v26 =	vbroadcast v26, $0x0  }
0x274: {  	v27 =	vpop (erf)  }
0x275: {  	v25 =	vmul.f32 v27, v25  }
0x276: {  	vm12 =	vgt.f32 v23, $0.0e+00  }
0x277: {  	v23 =	vnsel vm12, $0x0, v25  }
0x278: {  	[tilespmem:v24+s24+$0x0] =	vst.idx.msk $0xffff, v23  }
0x279: {  	v23 =	vld.idx.msk [tilespmem:v26+s20+$0x0], $0xffff;
	_ =	sdelay $0x3  }
0x27a: {  	s25 =	simm.s32 $0x50  }
0x27b: {  	v24 =	vor.u32 s25, v0;
	(erf) = vrcp.f32 v23;
	_ =	sdelay $0x4  }
0x27c: {  	v25 =	vld.idx.msk [tilespmem:v24+s24+$0x0], $0xffff;
	_ =	sdelay $0x1  }
0x27d: {  	v26 =	vadd.s32 $0x6, v22  }
0x27e: {  	v26 =	vbroadcast v26, $0x0  }
0x27f: {  	v27 =	vpop (erf)  }
0x280: {  	v25 =	vmul.f32 v27, v25  }
0x281: {  	vm13 =	vgt.f32 v23, $0.0e+00  }
0x282: {  	v23 =	vnsel vm13, $0x0, v25  }
0x283: {  	[tilespmem:v24+s24+$0x0] =	vst.idx.msk $0xffff, v23  }
0x284: {  	v23 =	vld.idx.msk [tilespmem:v26+s20+$0x0], $0xffff;
	_ =	sdelay $0x3  }
0x285: {  	s26 =	simm.s32 $0x60  }
0x286: {  	v24 =	vor.u32 s26, v0;
	(erf) = vrcp.f32 v23;
	_ =	sdelay $0x4  }
0x287: {  	v25 =	vld.idx.msk [tilespmem:v24+s24+$0x0], $0xffff;
	_ =	sdelay $0x1  }
0x288: {  	v22 =	vadd.s32 $0x7, v22  }
0x289: {  	v22 =	vbroadcast v22, $0x0  }
0x28a: {  	v26 =	vpop (erf)  }
0x28b: {  	v25 =	vmul.f32 v26, v25  }
0x28c: {  	vm14 =	vgt.f32 v23, $0.0e+00  }
0x28d: {  	v23 =	vnsel vm14, $0x0, v25  }
0x28e: {  	[tilespmem:v24+s24+$0x0] =	vst.idx.msk $0xffff, v23  }
0x28f: {  	v22 =	vld.idx.msk [tilespmem:v22+s20+$0x0], $0xffff;
	_ =	sdelay $0x3  }
0x290: {  	s29 =	simm.s32 $0x70  }
0x291: {  	v28 =	vor.u32 s29, v0;
	(erf) = vrcp.f32 v22;
	_ =	sdelay $0x3  }
0x292: {  	s0 =	simm.s32 $0x8  }
0x293: {  	v24 =	vmov s0;
	v23 =	vld.idx.msk [tilespmem:v28+s24+$0x0], $0xffff  }
0x294: {  	v24 =	vshrl.u32 v24, $0x3  }
0x295: {  	v31 =	vshll.u32 v24, v14  }
0x296: {  	v30 =	vbroadcast v31, $0x0  }
0x297: {  	v29 =	vadd.s32 $0x1, v31;
	v24 =	vpop (erf)  }
0x298: {  	v27 =	vadd.s32 $0x2, v31;
	v26 =	vadd.s32 $0x3, v31;
	v32 =	vmul.f32 v24, v23  }
0x299: {  	v25 =	vadd.s32 $0x4, v31;
	vm15 =	vgt.f32 v22, $0.0e+00;
	v22 =	vadd.s32 $0x7, v31  }
0x29a: {  	s28 =	simm.s32 $0xF0;
	s1 =	simm.s32 $0x170;
	v24 =	vadd.s32 $0x5, v31;
	v23 =	vadd.s32 $0x6, v31;
	v31 =	vnsel vm15, $0x0, v32  }
.LBB2_37:
0x29b: {  	p0 =	sne.s32 s1, $0x9C70;
	[tilespmem:v28+s24+$0x0] =	vst.idx.msk $0xffff, v31;
	s3 =	smov.u32 s1;
	s1 =	sadd.s32 $0x80, s1  }
0x29c: {  	v28 =	vld.idx.msk [tilespmem:v30+s20+$0x0], $0xffff;
	_ =	sdelay $0x3  }
0x29d: {  	s2 =	sadd.s32 $0xFFFFFF90, s28  }
0x29e: {  	v30 =	vor.u32 s2, v0  }
0x29f: {  	(erf) = vrcp.f32 v28;
	_ =	sdelay $0x3  }
0x2a0: {  	v31 =	vld.idx.msk [tilespmem:v30+s24+$0x0], $0xffff;
	_ =	sdelay $0x3  }
0x2a1: {  	v29 =	vbroadcast v29, $0x0  }
0x2a2: {  	v32 =	vpop (erf)  }
0x2a3: {  	v31 =	vmul.f32 v32, v31  }
0x2a4: {  	vm0 =	vgt.f32 v28, $0.0e+00  }
0x2a5: {  	v28 =	vnsel vm0, $0x0, v31  }
0x2a6: {  	[tilespmem:v30+s24+$0x0] =	vst.idx.msk $0xffff, v28  }
0x2a7: {  	v28 =	vld.idx.msk [tilespmem:v29+s20+$0x0], $0xffff;
	_ =	sdelay $0x3  }
0x2a8: {  	s2 =	sadd.s32 $0xFFFFFFA0, s28  }
0x2a9: {  	v29 =	vor.u32 s2, v0  }
0x2aa: {  	(erf) = vrcp.f32 v28;
	_ =	sdelay $0x3  }
0x2ab: {  	v30 =	vld.idx.msk [tilespmem:v29+s24+$0x0], $0xffff;
	_ =	sdelay $0x3  }
0x2ac: {  	v27 =	vbroadcast v27, $0x0  }
0x2ad: {  	v31 =	vpop (erf)  }
0x2ae: {  	v30 =	vmul.f32 v31, v30  }
0x2af: {  	vm0 =	vgt.f32 v28, $0.0e+00  }
0x2b0: {  	v28 =	vnsel vm0, $0x0, v30  }
0x2b1: {  	[tilespmem:v29+s24+$0x0] =	vst.idx.msk $0xffff, v28  }
0x2b2: {  	v27 =	vld.idx.msk [tilespmem:v27+s20+$0x0], $0xffff;
	_ =	sdelay $0x3  }
0x2b3: {  	s2 =	sadd.s32 $0xFFFFFFB0, s28  }
0x2b4: {  	v28 =	vor.u32 s2, v0  }
0x2b5: {  	(erf) = vrcp.f32 v27;
	_ =	sdelay $0x3  }
0x2b6: {  	v29 =	vld.idx.msk [tilespmem:v28+s24+$0x0], $0xffff;
	_ =	sdelay $0x3  }
0x2b7: {  	v26 =	vbroadcast v26, $0x0  }
0x2b8: {  	v30 =	vpop (erf)  }
0x2b9: {  	v29 =	vmul.f32 v30, v29  }
0x2ba: {  	vm0 =	vgt.f32 v27, $0.0e+00  }
0x2bb: {  	v27 =	vnsel vm0, $0x0, v29  }
0x2bc: {  	[tilespmem:v28+s24+$0x0] =	vst.idx.msk $0xffff, v27  }
0x2bd: {  	v26 =	vld.idx.msk [tilespmem:v26+s20+$0x0], $0xffff;
	_ =	sdelay $0x3  }
0x2be: {  	s2 =	sadd.s32 $0xFFFFFFC0, s28  }
0x2bf: {  	v27 =	vor.u32 s2, v0  }
0x2c0: {  	(erf) = vrcp.f32 v26;
	_ =	sdelay $0x3  }
0x2c1: {  	v28 =	vld.idx.msk [tilespmem:v27+s24+$0x0], $0xffff;
	_ =	sdelay $0x3  }
0x2c2: {  	v25 =	vbroadcast v25, $0x0  }
0x2c3: {  	v29 =	vpop (erf)  }
0x2c4: {  	v28 =	vmul.f32 v29, v28  }
0x2c5: {  	vm0 =	vgt.f32 v26, $0.0e+00  }
0x2c6: {  	v26 =	vnsel vm0, $0x0, v28  }
0x2c7: {  	[tilespmem:v27+s24+$0x0] =	vst.idx.msk $0xffff, v26  }
0x2c8: {  	v25 =	vld.idx.msk [tilespmem:v25+s20+$0x0], $0xffff;
	_ =	sdelay $0x3  }
0x2c9: {  	s2 =	sadd.s32 $0xFFFFFFD0, s28  }
0x2ca: {  	v26 =	vor.u32 s2, v0  }
0x2cb: {  	(erf) = vrcp.f32 v25;
	_ =	sdelay $0x3  }
0x2cc: {  	v27 =	vld.idx.msk [tilespmem:v26+s24+$0x0], $0xffff;
	_ =	sdelay $0x3  }
0x2cd: {  	v24 =	vbroadcast v24, $0x0  }
0x2ce: {  	s2 =	sadd.s32 $0xFFFFFFE0, s28;
	v28 =	vpop (erf)  }
0x2cf: {  	v27 =	vmul.f32 v28, v27;
	v28 =	vor.u32 s2, v0  }
0x2d0: {  	vm0 =	vgt.f32 v25, $0.0e+00  }
0x2d1: {  	v25 =	vnsel vm0, $0x0, v27  }
0x2d2: {  	[tilespmem:v26+s24+$0x0] =	vst.idx.msk $0xffff, v25  }
0x2d3: {  	v24 =	vld.idx.msk [tilespmem:v24+s20+$0x0], $0xffff  }
0x2d4: {  	v25 =	vld.idx.msk [tilespmem:v28+s24+$0x0], $0xffff;
	_ =	sdelay $0x4  }
0x2d5: {  	(erf) = vrcp.f32 v24;
	_ =	sdelay $0x7  }
0x2d6: {  	v23 =	vbroadcast v23, $0x0  }
0x2d7: {  	s2 =	sadd.s32 $0xFFFFFFF0, s28;
	v26 =	vpop (erf)  }
0x2d8: {  	v25 =	vmul.f32 v26, v25;
	v26 =	vor.u32 s2, v0  }
0x2d9: {  	vm0 =	vgt.f32 v24, $0.0e+00  }
0x2da: {  	v24 =	vnsel vm0, $0x0, v25  }
0x2db: {  	[tilespmem:v28+s24+$0x0] =	vst.idx.msk $0xffff, v24  }
0x2dc: {  	v23 =	vld.idx.msk [tilespmem:v23+s20+$0x0], $0xffff  }
0x2dd: {  	v24 =	vld.idx.msk [tilespmem:v26+s24+$0x0], $0xffff;
	_ =	sdelay $0x4  }
0x2de: {  	(erf) = vrcp.f32 v23;
	_ =	sdelay $0x7  }
0x2df: {  	v22 =	vbroadcast v22, $0x0  }
0x2e0: {  	v25 =	vpop (erf)  }
0x2e1: {  	v28 =	vor.u32 s28, v0;
	s28 =	smov.u32 s3;
	v24 =	vmul.f32 v25, v24  }
0x2e2: {  	vm0 =	vgt.f32 v23, $0.0e+00  }
0x2e3: {  	v23 =	vnsel vm0, $0x0, v24  }
0x2e4: {  	[tilespmem:v26+s24+$0x0] =	vst.idx.msk $0xffff, v23  }
0x2e5: {  	v31 =	vld.idx.msk [tilespmem:v22+s20+$0x0], $0xffff  }
0x2e6: {  	v32 =	vld.idx.msk [tilespmem:v28+s24+$0x0], $0xffff;
	_ =	sdelay $0x4  }
0x2e7: {  	(erf) = vrcp.f32 v31;
	_ =	sdelay $0x3  }
0x2e8: {  	s0 =	sadd.s32 $0x8, s0  }
0x2e9: {  	v22 =	vmov s0  }
0x2ea: {  	v22 =	vshrl.u32 v22, $0x3  }
0x2eb: {  	v22 =	vshll.u32 v22, v14  }
.Ltmp31:
0x2ec: {  	v30 =	vbroadcast v22, $0x0;
	v29 =	vadd.s32 $0x1, v22;
	v27 =	vadd.s32 $0x2, v22;
	(pc) =	sbr.rel @p0 .LBB2_37-.Ltmp31, $4  }
0x2ed: {  	v26 =	vadd.s32 $0x3, v22;
	v25 =	vadd.s32 $0x4, v22;
	v24 =	vadd.s32 $0x5, v22;
	v33 =	vpop (erf)  }
0x2ee: {  	v23 =	vadd.s32 $0x6, v22;
	v22 =	vadd.s32 $0x7, v22;
	v32 =	vmul.f32 v33, v32  }
0x2ef: {  	vm0 =	vgt.f32 v31, $0.0e+00  }
0x2f0: {  	v31 =	vnsel vm0, $0x0, v32  }
0x2f1: {  	_ =	sdelay $0x3  }
0x2f2: {  	[tilespmem:v28+s24+$0x0] =	vst.idx.msk $0xffff, v31  }
0x2f3: {  	v28 =	vld.idx.msk [tilespmem:v30+s20+$0x0], $0xffff;
	_ =	sdelay $0x3  }
0x2f4: {  	s0 =	sadd.s32 $0xFFFFFF90, s28  }
0x2f5: {  	v50 =	vor.u32 s0, v0;
	(erf) = vrcp.f32 v28;
	_ =	sdelay $0x4  }
0x2f6: {  	v31 =	vld.idx.msk [tilespmem:v50+s24+$0x0], $0xffff;
	_ =	sdelay $0x2  }
0x2f7: {  	v29 =	vbroadcast v29, $0x0  }
0x2f8: {  	v32 =	vpop (erf)  }
0x2f9: {  	v31 =	vmul.f32 v32, v31  }
0x2fa: {  	vm0 =	vgt.f32 v28, $0.0e+00  }
0x2fb: {  	v28 =	vnsel vm0, $0x0, v31  }
0x2fc: {  	[tilespmem:v50+s24+$0x0] =	vst.idx.msk $0xffff, v28  }
0x2fd: {  	v28 =	vld.idx.msk [tilespmem:v29+s20+$0x0], $0xffff;
	_ =	sdelay $0x3  }
0x2fe: {  	s3 =	sadd.s32 $0xFFFFFFA0, s28  }
0x2ff: {  	v51 =	vor.u32 s3, v0;
	(erf) = vrcp.f32 v28;
	_ =	sdelay $0x4  }
0x300: {  	v30 =	vld.idx.msk [tilespmem:v51+s24+$0x0], $0xffff;
	_ =	sdelay $0x2  }
0x301: {  	v27 =	vbroadcast v27, $0x0  }
0x302: {  	v52 =	vpop (erf)  }
0x303: {  	v30 =	vmul.f32 v52, v30  }
0x304: {  	vm9 =	vgt.f32 v28, $0.0e+00  }
0x305: {  	v28 =	vnsel vm9, $0x0, v30  }
0x306: {  	[tilespmem:v51+s24+$0x0] =	vst.idx.msk $0xffff, v28  }
0x307: {  	v27 =	vld.idx.msk [tilespmem:v27+s20+$0x0], $0xffff;
	_ =	sdelay $0x3  }
0x308: {  	s8 =	sadd.s32 $0xFFFFFFB0, s28  }
0x309: {  	v53 =	vor.u32 s8, v0;
	(erf) = vrcp.f32 v27;
	_ =	sdelay $0x4  }
0x30a: {  	v29 =	vld.idx.msk [tilespmem:v53+s24+$0x0], $0xffff;
	_ =	sdelay $0x2  }
0x30b: {  	v26 =	vbroadcast v26, $0x0  }
0x30c: {  	v54 =	vpop (erf)  }
0x30d: {  	v29 =	vmul.f32 v54, v29  }
0x30e: {  	vm10 =	vgt.f32 v27, $0.0e+00  }
0x30f: {  	v27 =	vnsel vm10, $0x0, v29  }
0x310: {  	[tilespmem:v53+s24+$0x0] =	vst.idx.msk $0xffff, v27  }
0x311: {  	v26 =	vld.idx.msk [tilespmem:v26+s20+$0x0], $0xffff;
	_ =	sdelay $0x3  }
0x312: {  	s9 =	sadd.s32 $0xFFFFFFC0, s28  }
0x313: {  	v55 =	vor.u32 s9, v0;
	(erf) = vrcp.f32 v26;
	_ =	sdelay $0x4  }
0x314: {  	v28 =	vld.idx.msk [tilespmem:v55+s24+$0x0], $0xffff;
	_ =	sdelay $0x2  }
0x315: {  	v25 =	vbroadcast v25, $0x0  }
0x316: {  	v56 =	vpop (erf)  }
0x317: {  	v28 =	vmul.f32 v56, v28  }
0x318: {  	vm11 =	vgt.f32 v26, $0.0e+00  }
0x319: {  	v26 =	vnsel vm11, $0x0, v28  }
0x31a: {  	[tilespmem:v55+s24+$0x0] =	vst.idx.msk $0xffff, v26  }
0x31b: {  	v25 =	vld.idx.msk [tilespmem:v25+s20+$0x0], $0xffff;
	_ =	sdelay $0x3  }
0x31c: {  	s10 =	sadd.s32 $0xFFFFFFD0, s28  }
0x31d: {  	v57 =	vor.u32 s10, v0;
	(erf) = vrcp.f32 v25;
	_ =	sdelay $0x4  }
0x31e: {  	v27 =	vld.idx.msk [tilespmem:v57+s24+$0x0], $0xffff;
	_ =	sdelay $0x2  }
0x31f: {  	v24 =	vbroadcast v24, $0x0  }
0x320: {  	v58 =	vpop (erf)  }
0x321: {  	v27 =	vmul.f32 v58, v27  }
0x322: {  	vm12 =	vgt.f32 v25, $0.0e+00  }
0x323: {  	v25 =	vnsel vm12, $0x0, v27  }
0x324: {  	[tilespmem:v57+s24+$0x0] =	vst.idx.msk $0xffff, v25  }
0x325: {  	v24 =	vld.idx.msk [tilespmem:v24+s20+$0x0], $0xffff;
	_ =	sdelay $0x3  }
0x326: {  	s11 =	sadd.s32 $0xFFFFFFE0, s28  }
0x327: {  	v59 =	vor.u32 s11, v0;
	(erf) = vrcp.f32 v24;
	_ =	sdelay $0x4  }
0x328: {  	v26 =	vld.idx.msk [tilespmem:v59+s24+$0x0], $0xffff;
	_ =	sdelay $0x2  }
0x329: {  	v23 =	vbroadcast v23, $0x0  }
0x32a: {  	v60 =	vpop (erf)  }
0x32b: {  	v26 =	vmul.f32 v60, v26  }
0x32c: {  	vm13 =	vgt.f32 v24, $0.0e+00  }
0x32d: {  	v24 =	vnsel vm13, $0x0, v26  }
0x32e: {  	[tilespmem:v59+s24+$0x0] =	vst.idx.msk $0xffff, v24  }
0x32f: {  	v23 =	vld.idx.msk [tilespmem:v23+s20+$0x0], $0xffff;
	_ =	sdelay $0x3  }
0x330: {  	s25 =	sadd.s32 $0xFFFFFFF0, s28  }
0x331: {  	v61 =	vor.u32 s25, v0;
	(erf) = vrcp.f32 v23;
	_ =	sdelay $0x4  }
0x332: {  	v25 =	vld.idx.msk [tilespmem:v61+s24+$0x0], $0xffff;
	_ =	sdelay $0x2  }
0x333: {  	v22 =	vbroadcast v22, $0x0  }
0x334: {  	v62 =	vpop (erf)  }
0x335: {  	v25 =	vmul.f32 v62, v25  }
0x336: {  	vm14 =	vgt.f32 v23, $0.0e+00  }
0x337: {  	v23 =	vnsel vm14, $0x0, v25  }
0x338: {  	[tilespmem:v61+s24+$0x0] =	vst.idx.msk $0xffff, v23  }
0x339: {  	v22 =	vld.idx.msk [tilespmem:v22+s20+$0x0], $0xffff;
	_ =	sdelay $0x4  }
0x33a: {  	v23 =	vor.u32 s28, v0;
	(erf) = vrcp.f32 v22;
	_ =	sdelay $0x4  }
0x33b: {  	v24 =	vld.idx.msk [tilespmem:v23+s24+$0x0], $0xffff;
	_ =	sdelay $0x3  }
0x33c: {  	v63 =	vpop (erf)  }
0x33d: {  	v24 =	vmul.f32 v63, v24  }
0x33e: {  	vm15 =	vgt.f32 v22, $0.0e+00  }
0x33f: {  	v22 =	vnsel vm15, $0x0, v24  }
0x340: {  	s26 =	simm.s32 $0x0;
	s1 =	rddreg [dreg:$0x6];
	s28 =	simm.s32 $0x2;
	[tilespmem:v23+s24+$0x0] =	vst.idx.msk $0xffff, v22  }
0x341: {  	[hbm4b:s1+s26] =	stream.linear.scatter [tilespmem:s24], [sflag:$0x2], $0x9C80, $0x38;
	[tilespmem:$0x19EA0] =	vst v63  }
0x342: {  	_ =	swait.ge [sflag:s28], $0x9C80  }
0x343: {  	s2 =	rddreg [dreg:$0x8]  }
0x344: {  	s29 =	rddreg [dreg:$0x7];
	s2 =	sadd.s32 $0x1, s2  }
0x345: {  	p0 =	sne.s32 s2, s29  }
.Ltmp32:
0x346: {  	_ = 	snop;
	(pc) =	sbr.rel @p0 .LBB2_1-.Ltmp32, $3  }
0x347: {  	_ =	sdelay $0x1  }
0x348: {  	[sflag:s28] =	ssyncset.done $0x0  }
0x349: {  	[sflag:s28] =	ssyncadd.s32 $0xFFFF6380  }
0x34a: {  	_ =	sfence.sel $0x180000  }
0x34b: {  	[bflag:$0x0] =	sbarrier.arrive $0xFFFF  }
0x34c: {  	_ =	strace $0x90000047  }
0x34d: {  	s0 =	stileid.u32;
	[bflag:$0x2] =	sbarrier.arrive $0xFFFF  }
0x34e: {  	p0 =	sne.s32 s0, $0x0;
	s0 =	rddreg [dreg:$0x3]  }
0x34f: {  	s0 =	sadd.s32 @!p0 $0x100000, s0  }
0x350: {  	[sflag:s0] =	ssyncadd.tile.s32 @!p0 $0x1;
	_ =	shalt  }
.Lfunc_end2:
_tile_overlayer_lowered:
.L_overlay_start_2:
0x351: {  	(tag) =	ssettag $0x2  }
0x352: {  	s0 =	rddreg [dreg:$0x0];
	s2 =	stileid.u32  }
0x353: {  	s1 =	rddreg [dreg:$0x1];
	p0 =	sne.s32 s2, $0x0  }
0x354: {  	s3 =	rddreg [dreg:$0x2];
	[bflag:$0x3] =	sbarrier.arrive $0xFFFF;
	s2 =	simm.s32 @!p0 $0x1C02  }
0x355: {  	[timem:s3], [sflag:s2] =	dma.local @!p0 [hbm:s0], s1  }
0x356: {  	s0 =	simm.s32 @!p0 $0x2  }
0x357: {  	_ =	swait.ge @!p0 [sflag:s0], s1  }
0x358: {  	s1 =	ssub.s32 @!p0 $0x0, s1;
	[sflag:s0] =	ssyncset.done @!p0 $0x0  }
0x359: {  	[sflag:s0] =	ssyncadd.s32 @!p0 s1  }
0x35a: {  	[bflag:$0x3] =	sbarrier.arrive $0xFFFF  }
0x35b: {  	_ =	shalt  }

</sc_bundles>
